<compile_context>
chip_gen: v7x
topology: tpu7x:2x2x1
jax: 0.10.2.dev20260603
libtpu: 0.0.44.dev20260713+nightly
codegen_flags: <defaults>
</compile_context>

<pallas_src>
import functools

import jax
import jax.numpy as jnp
from jax import lax
from jax.experimental import pallas as pl
from jax.experimental.pallas import tpu as pltpu
from jax.experimental.pallas import tpu_sc as plsc

N = 10000
E = 320000
CHUNK = 128
NCH_TOT = 2560
E_PAD = NCH_TOT * CHUNK
AGG_ROWS = 10112
ZROWS = AGG_ROWS // 16


def _make_segsum(mode0: bool, dh: int):
    nch = NCH_TOT // 32 if mode0 else NCH_TOT // 16
    sup = 40

    mesh = plsc.VectorSubcoreMesh(core_axis_name="c", subcore_axis_name="s")

    @functools.partial(
        pl.kernel,
        mesh=mesh,
        out_type=jax.ShapeDtypeStruct((2, AGG_ROWS, dh), jnp.float32),
        scratch_types=[
            pltpu.VMEM((sup, CHUNK), jnp.int32),
            pltpu.VMEM((sup, CHUNK), jnp.int32),
            pltpu.VMEM((CHUNK, dh), jnp.float32),
            pltpu.VMEM((CHUNK, dh), jnp.float32),
            pltpu.VMEM_SHARED((AGG_ROWS, dh), jnp.float32),
            pltpu.SemaphoreType.DMA,
            pltpu.SemaphoreType.DMA,
        ],
    )
    def segsum(table_hbm, src_hbm, dst_hbm, zeros_hbm, out_hbm,
               sidx_v, didx_v, rows0_v, rows1_v, agg_s, sem0, sem1):
        c = lax.axis_index("c")
        s = lax.axis_index("s")
        if mode0:
            base = (c * 16 + s) * nch
        else:
            base = s * nch
        pltpu.sync_copy(zeros_hbm, agg_s.at[pl.ds(s * ZROWS, ZROWS)])
        plsc.subcore_barrier()

        rows = (rows0_v, rows1_v)
        sems = (sem0, sem1)

        def outer(o, carry):
            ob = base + o * sup
            pltpu.sync_copy(src_hbm.at[c, pl.ds(ob, sup)], sidx_v)
            pltpu.sync_copy(dst_hbm.at[pl.ds(ob, sup)], didx_v)
            pltpu.async_copy(table_hbm.at[sidx_v.at[0]], rows0_v, sem0)
            pltpu.async_copy(table_hbm.at[sidx_v.at[1]], rows1_v, sem1)

            def inner(p, cc):
                for j in range(2):
                    k = 2 * p + j
                    pltpu.make_async_copy(table_hbm.at[sidx_v.at[k]],
                                          rows[j], sems[j]).wait()
                    pltpu.sync_copy(rows[j], agg_s.at[didx_v.at[k]],
                                    add=True)

                    @pl.when(k + 2 < sup)
                    def _():
                        pltpu.async_copy(table_hbm.at[sidx_v.at[k + 2]],
                                         rows[j], sems[j])
                return cc

            lax.fori_loop(0, sup // 2, inner, 0, unroll=False)
            return carry

        lax.fori_loop(0, nch // sup, outer, 0, unroll=False)
        plsc.subcore_barrier()
        pltpu.sync_copy(agg_s.at[pl.ds(s * ZROWS, ZROWS)],
                        out_hbm.at[c, pl.ds(s * ZROWS, ZROWS)])

    return segsum


def _segment_sum_sc(table, src_stacked, dst_chunks, zeros, mode0, dh):
    return _make_segsum(mode0, dh)(table, src_stacked, dst_chunks, zeros)


def _mlp_call(h_in, agg_in, Wa, ba, Wb, bb, e1, gs, bt, *, first, last):
    R = 2000
    grid = (N // R,)
    din = 128 if first else 256
    dout = 128 if last else 256

    def body(h_ref, agg_ref, Wa_ref, ba_ref, Wb_ref, bb_ref,
             e1_ref, gs_ref, bt_ref, out_ref):
        if first:
            h = h_ref[...]
            agg = agg_ref[0] + agg_ref[1]
        else:
            h = jnp.concatenate([h_ref[0], h_ref[1]], axis=-1)
            agg = jnp.concatenate([agg_ref[0], agg_ref[1]], axis=-1)
        z = e1_ref[0, 0] * h + agg
        z = jnp.dot(z, Wa_ref[...], preferred_element_type=jnp.float32)
        z = jnp.maximum(z + ba_ref[...], 0.0)
        z = jnp.dot(z, Wb_ref[...], preferred_element_type=jnp.float32)
        z = z + bb_ref[...]
        if not last:
            z = jnp.maximum(z * gs_ref[...] + bt_ref[...], 0.0)
            out_ref[0] = z[:, :128]
            out_ref[1] = z[:, 128:]
        else:
            out_ref[...] = z

    if first:
        h_spec = pl.BlockSpec((R, 128), lambda j: (j, 0))
    else:
        h_spec = pl.BlockSpec((2, R, 128), lambda j: (0, j, 0))
    agg_dh = agg_in.shape[-1]
    in_specs = [
        h_spec,
        pl.BlockSpec((2, R, agg_dh), lambda j: (0, j, 0)),
        pl.BlockSpec((din, 256), lambda j: (0, 0)),
        pl.BlockSpec((1, 256), lambda j: (0, 0)),
        pl.BlockSpec((256, dout), lambda j: (0, 0)),
        pl.BlockSpec((1, dout), lambda j: (0, 0)),
        pl.BlockSpec((1, 1), lambda j: (0, 0)),
        pl.BlockSpec((1, 256), lambda j: (0, 0)),
        pl.BlockSpec((1, 256), lambda j: (0, 0)),
    ]
    if last:
        out_shape = jax.ShapeDtypeStruct((N, dout), jnp.float32)
        out_spec = pl.BlockSpec((R, dout), lambda j: (j, 0))
    else:
        out_shape = jax.ShapeDtypeStruct((2, N, 128), jnp.float32)
        out_spec = pl.BlockSpec((2, R, 128), lambda j: (0, j, 0))
    return pl.pallas_call(
        body, grid=grid, in_specs=in_specs, out_specs=out_spec,
        out_shape=out_shape,
    )(h_in, agg_in, Wa, ba, Wb, bb, e1, gs, bt)


def kernel(x, edge_index, eps, W0a, b0a, W0b, b0b, Wm_a, bm_a, Wm_b, bm_b,
           W4a, b4a, W4b, b4b, bn_gamma, bn_beta):
    src = edge_index[0]
    dst = edge_index[1]
    pad = E_PAD - E
    srcp = jnp.concatenate([src, jnp.zeros((pad,), jnp.int32)])
    dstp = jnp.concatenate([dst, jnp.full((pad,), N, jnp.int32)])
    srcA = srcp.reshape(NCH_TOT, CHUNK)
    dstC = dstp.reshape(NCH_TOT, CHUNK)
    src_m0 = jnp.stack([srcA, srcA])
    src_m1 = jnp.stack([srcA, srcA + N])
    zeros = jnp.zeros((ZROWS, 128), jnp.float32)

    gs_all = bn_gamma * (1.0 / jnp.sqrt(1.0 + 1e-5))
    ones = jnp.ones((1, 256), jnp.float32)
    zrow = jnp.zeros((1, 256), jnp.float32)

    def e1(i):
        return (1.0 + eps[i]).reshape(1, 1)

    agg = _segment_sum_sc(x, src_m0, dstC, zeros, True, 128)
    hs = _mlp_call(x, agg, W0a, b0a.reshape(1, 256), W0b,
                   b0b.reshape(1, 256), e1(0), gs_all[0].reshape(1, 256),
                   bn_beta[0].reshape(1, 256), first=True, last=False)
    for i in range(3):
        agg = _segment_sum_sc(hs.reshape(2 * N, 128), src_m1, dstC, zeros,
                              False, 128)
        hs = _mlp_call(hs, agg, Wm_a[i], bm_a[i].reshape(1, 256), Wm_b[i],
                       bm_b[i].reshape(1, 256), e1(i + 1),
                       gs_all[i + 1].reshape(1, 256),
                       bn_beta[i + 1].reshape(1, 256), first=False, last=False)
    agg = _segment_sum_sc(hs.reshape(2 * N, 128), src_m1, dstC, zeros,
                          False, 128)
    out = _mlp_call(hs, agg, W4a, b4a.reshape(1, 256), W4b,
                    b4b.reshape(1, 128), e1(4), ones, zrow,
                    first=False, last=True)
    return out

# --- scband reference (transcript-rebuilt; emitter-appended) ---
"""Pipeline reference for scband-graph-isomorphism-network-82952998355943 (READ-ONLY COPY).

The authoritative reference and input builder live on the scoring server;
editing this copy changes nothing except your own understanding.
"""

import jax, jax.numpy as jnp
import numpy as np

N = 10000
E = 320000
DIN = 128
DH = 256
DOUT = 128
SCALE = 0.05


def setup_inputs(seed: int = 0) -> dict:
    key = jax.random.key(seed)
    ks = jax.random.split(key, 16)
    x = jax.random.normal(ks[0], (N, DIN), dtype=jnp.float32)
    edge_index = jax.random.randint(ks[1], (2, E), 0, N, dtype=jnp.int32)
    eps = jnp.zeros((5,), dtype=jnp.float32)
    W0a = jax.random.normal(ks[2], (DIN, DH), dtype=jnp.float32) * SCALE
    b0a = jnp.zeros((DH,), dtype=jnp.float32)
    W0b = jax.random.normal(ks[3], (DH, DH), dtype=jnp.float32) * SCALE
    b0b = jnp.zeros((DH,), dtype=jnp.float32)
    Wm_a = jax.random.normal(ks[4], (3, DH, DH), dtype=jnp.float32) * SCALE
    bm_a = jnp.zeros((3, DH), dtype=jnp.float32)
    Wm_b = jax.random.normal(ks[5], (3, DH, DH), dtype=jnp.float32) * SCALE
    bm_b = jnp.zeros((3, DH), dtype=jnp.float32)
    W4a = jax.random.normal(ks[6], (DH, DH), dtype=jnp.float32) * SCALE
    b4a = jnp.zeros((DH,), dtype=jnp.float32)
    W4b = jax.random.normal(ks[7], (DH, DOUT), dtype=jnp.float32) * SCALE
    b4b = jnp.zeros((DOUT,), dtype=jnp.float32)
    bn_gamma = jnp.ones((4, DH), dtype=jnp.float32)
    bn_beta = jnp.zeros((4, DH), dtype=jnp.float32)
    return {"x": x, "edge_index": edge_index, "eps": eps,
            "W0a": W0a, "b0a": b0a, "W0b": W0b, "b0b": b0b,
            "Wm_a": Wm_a, "bm_a": bm_a, "Wm_b": Wm_b, "bm_b": bm_b,
            "W4a": W4a, "b4a": b4a, "W4b": W4b, "b4b": b4b,
            "bn_gamma": bn_gamma, "bn_beta": bn_beta}


def reference(x, edge_index, eps, W0a, b0a, W0b, b0b, Wm_a, bm_a, Wm_b, bm_b,
              W4a, b4a, W4b, b4b, bn_gamma, bn_beta):
    src = edge_index[0]
    dst = edge_index[1]

    def gin_conv(h, e, Wa, ba, Wb, bb):
        # sum aggregation of source features into destination nodes
        agg = jax.ops.segment_sum(h[src], dst, num_segments=N)
        z = (1.0 + e) * h + agg
        z = jnp.maximum(jnp.dot(z, Wa) + ba, 0.0)
        z = jnp.dot(z, Wb) + bb
        return z

    def bn_eval(h, g, b):
        # BatchNorm1d in eval mode with running_mean=0, running_var=1, eps=1e-5
        return h * (g / jnp.sqrt(1.0 + 1e-5)) + b

    h = gin_conv(x, eps[0], W0a, b0a, W0b, b0b)
    h = jnp.maximum(bn_eval(h, bn_gamma[0], bn_beta[0]), 0.0)
    # dropout is identity in eval mode
    for i in range(3):
        h = gin_conv(h, eps[i + 1], Wm_a[i], bm_a[i], Wm_b[i], bm_b[i])
        h = jnp.maximum(bn_eval(h, bn_gamma[i + 1], bn_beta[i + 1]), 0.0)
    h = gin_conv(h, eps[4], W4a, b4a, W4b, b4b)
    return h

if __name__ == "__main__":
    import jax
    _d = setup_inputs()
    print(jax.jit(kernel)(*tuple(_d.values())))

</pallas_src>

<mosaic_0001>
#map = affine_map<(d0, d1) -> (0, 0)>
#map1 = affine_map<(d0, d1) -> (0, 0, 0)>
module attributes {stable_mosaic.version = 14 : i64} {
  func.func @segsum(%arg0: i32, %arg1: i32, %arg2: memref<20000x128xf32, #tpu.memory_space<hbm>>, %arg3: memref<2x2560x128xi32, #tpu.memory_space<hbm>>, %arg4: memref<2560x128xi32, #tpu.memory_space<hbm>>, %arg5: memref<632x128xf32, #tpu.memory_space<hbm>>, %arg6: memref<2x10112x128xf32, #tpu.memory_space<hbm>>, %arg7: memref<40x128xi32, #tpu.memory_space<vmem>>, %arg8: memref<40x128xi32, #tpu.memory_space<vmem>>, %arg9: memref<128x128xf32, #tpu.memory_space<vmem>>, %arg10: memref<128x128xf32, #tpu.memory_space<vmem>>, %arg11: memref<10112x128xf32, #tpu.memory_space<vmem_shared>>, %arg12: memref<!tpu.dma_semaphore, #tpu.memory_space<semaphore_mem>>, %arg13: memref<!tpu.dma_semaphore, #tpu.memory_space<semaphore_mem>>) attributes {dimension_semantics = [#tpu.dimension_semantics<core_parallel>, #tpu.dimension_semantics<subcore_parallel>], iteration_bounds = array<i64: 2, 16>, scalar_prefetch = 0 : i64, scratch_operands = 7 : i64, tpu.core_type = #tpu.core_type<sc_vector_subcore>, window_params = [{transform_indices = #map}, {transform_indices = #map1}, {transform_indices = #map}, {transform_indices = #map}, {transform_indices = #map1}]} {
    %mul3A = arith.constant 160 : i32
    %mul3A_0 = arith.muli %arg1, %mul3A : i32
    %mul3A_1 = arith.constant 632 : i32
    %mul3A_2 = arith.muli %arg1, %mul3A_1 : i32
    "tpu.region"() ({
      %run_scoped3A = tpu.sem_alloc : memref<!tpu.dma_semaphore, #tpu.memory_space<semaphore_mem>>
      %dma_start3A = arith.constant 0 : i32
      %dma_start3A_13 = tpu.memref_slice %arg11[%mul3A_2, %dma_start3A] : memref<10112x128xf32, #tpu.memory_space<vmem_shared>> -> memref<632x128xf32, #tpu.memory_space<vmem_shared>>
      tpu.enqueue_dma source(%arg5 : memref<632x128xf32, #tpu.memory_space<hbm>>) target(%dma_start3A_13 : memref<632x128xf32, #tpu.memory_space<vmem_shared>>) target_semaphore(%run_scoped3A : memref<!tpu.dma_semaphore, #tpu.memory_space<semaphore_mem>>)
      %dma_wait3A = arith.constant 0 : i32
      %dma_wait3A_14 = tpu.memref_slice %arg11[%mul3A_2, %dma_wait3A] : memref<10112x128xf32, #tpu.memory_space<vmem_shared>> -> memref<632x128xf32, #tpu.memory_space<vmem_shared>>
      tpu.wait_dma2 semaphore(%run_scoped3A : memref<!tpu.dma_semaphore, #tpu.memory_space<semaphore_mem>>) src(%arg5 : memref<632x128xf32, #tpu.memory_space<hbm>>) dst(%dma_wait3A_14 : memref<632x128xf32, #tpu.memory_space<vmem_shared>>)
      tpu.yield
    }) : () -> ()
    %barrier3A = arith.constant 0 : index
    tpu.barrier barrier_id(%barrier3A)
    %scan3A = arith.constant 0 : i32
    %scan3A_3 = arith.constant 0 : i32
    %scan3A_4 = arith.constant 4 : i32
    %scan3A_5 = arith.addi %scan3A_3, %scan3A_4 : i32
    %scan3A_6 = arith.constant 1 : i32
    scf.for %scan3A_13 = %scan3A_3 to %scan3A_5 step %scan3A_6  : i32 {
      %mul3A_14 = arith.constant 40 : i32
      %mul3A_15 = arith.muli %scan3A_13, %mul3A_14 : i32
      %add3A = arith.addi %mul3A_0, %mul3A_15 : i32
      "tpu.region"() ({
        %run_scoped3A = tpu.sem_alloc : memref<!tpu.dma_semaphore, #tpu.memory_space<semaphore_mem>>
        %dma_start3A_35 = arith.constant 0 : i32
        %dma_start3A_36 = tpu.memref_slice %arg3[%arg0, %add3A, %dma_start3A_35] : memref<2x2560x128xi32, #tpu.memory_space<hbm>> -> memref<1x40x128xi32, #tpu.memory_space<hbm>>
        %dma_start3A_37 = tpu.memref_squeeze %dma_start3A_36 : memref<1x40x128xi32, #tpu.memory_space<hbm>> -> memref<40x128xi32, #tpu.memory_space<hbm>>
        %dma_start3A_38 = arith.constant 0 : i32
        %dma_start3A_39 = tpu.memref_slice %arg3[%arg0, %add3A, %dma_start3A_38] : memref<2x2560x128xi32, #tpu.memory_space<hbm>> -> memref<1x40x128xi32, #tpu.memory_space<hbm>>
        %dma_start3A_40 = tpu.memref_squeeze %dma_start3A_39 : memref<1x40x128xi32, #tpu.memory_space<hbm>> -> memref<40x128xi32, #tpu.memory_space<hbm>>
        tpu.enqueue_dma source(%dma_start3A_40 : memref<40x128xi32, #tpu.memory_space<hbm>>) target(%arg7 : memref<40x128xi32, #tpu.memory_space<vmem>>) target_semaphore(%run_scoped3A : memref<!tpu.dma_semaphore, #tpu.memory_space<semaphore_mem>>)
        %dma_wait3A = arith.constant 0 : i32
        %dma_wait3A_41 = tpu.memref_slice %arg3[%arg0, %add3A, %dma_wait3A] : memref<2x2560x128xi32, #tpu.memory_space<hbm>> -> memref<1x40x128xi32, #tpu.memory_space<hbm>>
        %dma_wait3A_42 = tpu.memref_squeeze %dma_wait3A_41 : memref<1x40x128xi32, #tpu.memory_space<hbm>> -> memref<40x128xi32, #tpu.memory_space<hbm>>
        %dma_wait3A_43 = arith.constant 0 : i32
        %dma_wait3A_44 = tpu.memref_slice %arg3[%arg0, %add3A, %dma_wait3A_43] : memref<2x2560x128xi32, #tpu.memory_space<hbm>> -> memref<1x40x128xi32, #tpu.memory_space<hbm>>
        %dma_wait3A_45 = tpu.memref_squeeze %dma_wait3A_44 : memref<1x40x128xi32, #tpu.memory_space<hbm>> -> memref<40x128xi32, #tpu.memory_space<hbm>>
        tpu.wait_dma2 semaphore(%run_scoped3A : memref<!tpu.dma_semaphore, #tpu.memory_space<semaphore_mem>>) src(%dma_wait3A_45 : memref<40x128xi32, #tpu.memory_space<hbm>>) dst(%arg7 : memref<40x128xi32, #tpu.memory_space<vmem>>)
        tpu.yield
      }) : () -> ()
      "tpu.region"() ({
        %run_scoped3A = tpu.sem_alloc : memref<!tpu.dma_semaphore, #tpu.memory_space<semaphore_mem>>
        %dma_start3A_35 = arith.constant 0 : i32
        %dma_start3A_36 = tpu.memref_slice %arg4[%add3A, %dma_start3A_35] : memref<2560x128xi32, #tpu.memory_space<hbm>> -> memref<40x128xi32, #tpu.memory_space<hbm>>
        %dma_start3A_37 = arith.constant 0 : i32
        %dma_start3A_38 = tpu.memref_slice %arg4[%add3A, %dma_start3A_37] : memref<2560x128xi32, #tpu.memory_space<hbm>> -> memref<40x128xi32, #tpu.memory_space<hbm>>
        tpu.enqueue_dma source(%dma_start3A_38 : memref<40x128xi32, #tpu.memory_space<hbm>>) target(%arg8 : memref<40x128xi32, #tpu.memory_space<vmem>>) target_semaphore(%run_scoped3A : memref<!tpu.dma_semaphore, #tpu.memory_space<semaphore_mem>>)
        %dma_wait3A = arith.constant 0 : i32
        %dma_wait3A_39 = tpu.memref_slice %arg4[%add3A, %dma_wait3A] : memref<2560x128xi32, #tpu.memory_space<hbm>> -> memref<40x128xi32, #tpu.memory_space<hbm>>
        %dma_wait3A_40 = arith.constant 0 : i32
        %dma_wait3A_41 = tpu.memref_slice %arg4[%add3A, %dma_wait3A_40] : memref<2560x128xi32, #tpu.memory_space<hbm>> -> memref<40x128xi32, #tpu.memory_space<hbm>>
        tpu.wait_dma2 semaphore(%run_scoped3A : memref<!tpu.dma_semaphore, #tpu.memory_space<semaphore_mem>>) src(%dma_wait3A_41 : memref<40x128xi32, #tpu.memory_space<hbm>>) dst(%arg8 : memref<40x128xi32, #tpu.memory_space<vmem>>)
        tpu.yield
      }) : () -> ()
      %dma_start3A = arith.constant 0 : i32
      %dma_start3A_16 = arith.constant 0 : i32
      %dma_start3A_17 = tpu.memref_slice %arg7[%dma_start3A, %dma_start3A_16] : memref<40x128xi32, #tpu.memory_space<vmem>> -> memref<1x128xi32, #tpu.memory_space<vmem>>
      %dma_start3A_18 = tpu.memref_squeeze %dma_start3A_17 : memref<1x128xi32, #tpu.memory_space<vmem>> -> memref<128xi32, #tpu.memory_space<vmem>>
      %dma_start3A_19 = arith.constant 0 : i32
      %dma_start3A_20 = arith.constant 0 : i32
      %dma_start3A_21 = tpu.memref_slice %arg2[%dma_start3A_19, %dma_start3A_20] : memref<20000x128xf32, #tpu.memory_space<hbm>> -> memref<20000x128xf32, #tpu.memory_space<hbm>>
      tpu.enqueue_indirect_dma source(%dma_start3A_21 : memref<20000x128xf32, #tpu.memory_space<hbm>>) target(%arg9 : memref<128x128xf32, #tpu.memory_space<vmem>>) offsets(%dma_start3A_18 : memref<128xi32, #tpu.memory_space<vmem>>) semaphore(%arg12 : memref<!tpu.dma_semaphore, #tpu.memory_space<semaphore_mem>>)
      %dma_start3A_22 = arith.constant 1 : i32
      %dma_start3A_23 = arith.constant 0 : i32
      %dma_start3A_24 = tpu.memref_slice %arg7[%dma_start3A_22, %dma_start3A_23] : memref<40x128xi32, #tpu.memory_space<vmem>> -> memref<1x128xi32, #tpu.memory_space<vmem>>
      %dma_start3A_25 = tpu.memref_squeeze %dma_start3A_24 : memref<1x128xi32, #tpu.memory_space<vmem>> -> memref<128xi32, #tpu.memory_space<vmem>>
      %dma_start3A_26 = arith.constant 0 : i32
      %dma_start3A_27 = arith.constant 0 : i32
      %dma_start3A_28 = tpu.memref_slice %arg2[%dma_start3A_26, %dma_start3A_27] : memref<20000x128xf32, #tpu.memory_space<hbm>> -> memref<20000x128xf32, #tpu.memory_space<hbm>>
      tpu.enqueue_indirect_dma source(%dma_start3A_28 : memref<20000x128xf32, #tpu.memory_space<hbm>>) target(%arg10 : memref<128x128xf32, #tpu.memory_space<vmem>>) offsets(%dma_start3A_25 : memref<128xi32, #tpu.memory_space<vmem>>) semaphore(%arg13 : memref<!tpu.dma_semaphore, #tpu.memory_space<semaphore_mem>>)
      %scan3A_29 = arith.constant 0 : i32
      %scan3A_30 = arith.constant 0 : i32
      %scan3A_31 = arith.constant 20 : i32
      %scan3A_32 = arith.addi %scan3A_30, %scan3A_31 : i32
      %scan3A_33 = arith.constant 1 : i32
      scf.for %scan3A_35 = %scan3A_30 to %scan3A_32 step %scan3A_33  : i32 {
        %mul3A_36 = arith.constant 2 : i32
        %mul3A_37 = arith.muli %mul3A_36, %scan3A_35 : i32
        %add3A_38 = arith.constant 0 : i32
        %add3A_39 = arith.addi %mul3A_37, %add3A_38 : i32
        %dma_wait3A = arith.constant 0 : i32
        %dma_wait3A_40 = tpu.memref_slice %arg7[%add3A_39, %dma_wait3A] : memref<40x128xi32, #tpu.memory_space<vmem>> -> memref<1x128xi32, #tpu.memory_space<vmem>>
        %dma_wait3A_41 = tpu.memref_squeeze %dma_wait3A_40 : memref<1x128xi32, #tpu.memory_space<vmem>> -> memref<128xi32, #tpu.memory_space<vmem>>
        %dma_wait3A_42 = arith.constant 0 : i32
        %dma_wait3A_43 = arith.constant 0 : i32
        %dma_wait3A_44 = tpu.memref_slice %arg2[%dma_wait3A_42, %dma_wait3A_43] : memref<20000x128xf32, #tpu.memory_space<hbm>> -> memref<20000x128xf32, #tpu.memory_space<hbm>>
        tpu.wait_indirect_dma semaphore(%arg12 : memref<!tpu.dma_semaphore, #tpu.memory_space<semaphore_mem>>) src(%dma_wait3A_44 : memref<20000x128xf32, #tpu.memory_space<hbm>>) dst(%arg9 : memref<128x128xf32, #tpu.memory_space<vmem>>)
        "tpu.region"() ({
          %run_scoped3A = tpu.sem_alloc : memref<!tpu.dma_semaphore, #tpu.memory_space<semaphore_mem>>
          %dma_start3A_66 = arith.constant 0 : i32
          %dma_start3A_67 = tpu.memref_slice %arg8[%add3A_39, %dma_start3A_66] : memref<40x128xi32, #tpu.memory_space<vmem>> -> memref<1x128xi32, #tpu.memory_space<vmem>>
          %dma_start3A_68 = tpu.memref_squeeze %dma_start3A_67 : memref<1x128xi32, #tpu.memory_space<vmem>> -> memref<128xi32, #tpu.memory_space<vmem>>
          %dma_start3A_69 = arith.constant 0 : i32
          %dma_start3A_70 = arith.constant 0 : i32
          %dma_start3A_71 = tpu.memref_slice %arg11[%dma_start3A_69, %dma_start3A_70] : memref<10112x128xf32, #tpu.memory_space<vmem_shared>> -> memref<10112x128xf32, #tpu.memory_space<vmem_shared>>
          tpu.enqueue_indirect_dma source(%arg9 : memref<128x128xf32, #tpu.memory_space<vmem>>) target(%dma_start3A_71 : memref<10112x128xf32, #tpu.memory_space<vmem_shared>>) offsets(%dma_start3A_68 : memref<128xi32, #tpu.memory_space<vmem>>) semaphore(%run_scoped3A : memref<!tpu.dma_semaphore, #tpu.memory_space<semaphore_mem>>) {add = true}
          %dma_wait3A_72 = arith.constant 0 : i32
          %dma_wait3A_73 = tpu.memref_slice %arg8[%add3A_39, %dma_wait3A_72] : memref<40x128xi32, #tpu.memory_space<vmem>> -> memref<1x128xi32, #tpu.memory_space<vmem>>
          %dma_wait3A_74 = tpu.memref_squeeze %dma_wait3A_73 : memref<1x128xi32, #tpu.memory_space<vmem>> -> memref<128xi32, #tpu.memory_space<vmem>>
          %dma_wait3A_75 = arith.constant 0 : i32
          %dma_wait3A_76 = arith.constant 0 : i32
          %dma_wait3A_77 = tpu.memref_slice %arg11[%dma_wait3A_75, %dma_wait3A_76] : memref<10112x128xf32, #tpu.memory_space<vmem_shared>> -> memref<10112x128xf32, #tpu.memory_space<vmem_shared>>
          tpu.wait_indirect_dma semaphore(%run_scoped3A : memref<!tpu.dma_semaphore, #tpu.memory_space<semaphore_mem>>) src(%arg9 : memref<128x128xf32, #tpu.memory_space<vmem>>) dst(%dma_wait3A_77 : memref<10112x128xf32, #tpu.memory_space<vmem_shared>>)
          tpu.yield
        }) : () -> ()
        %add3A_45 = arith.constant 2 : i32
        %add3A_46 = arith.addi %add3A_39, %add3A_45 : i32
        %lt3A = arith.constant 40 : i32
        %lt3A_47 = arith.cmpi slt, %add3A_46, %lt3A : i32
        %convert_element_type3A = arith.extui %lt3A_47 : i1 to i32
        %cond3A = arith.constant 0 : i32
        %cond3A_48 = arith.cmpi ne, %convert_element_type3A, %cond3A : i32
        scf.if %cond3A_48 {
          %add3A_66 = arith.constant 2 : i32
          %add3A_67 = arith.addi %add3A_39, %add3A_66 : i32
          %dma_start3A_68 = arith.constant 0 : i32
          %dma_start3A_69 = tpu.memref_slice %arg7[%add3A_67, %dma_start3A_68] : memref<40x128xi32, #tpu.memory_space<vmem>> -> memref<1x128xi32, #tpu.memory_space<vmem>>
          %dma_start3A_70 = tpu.memref_squeeze %dma_start3A_69 : memref<1x128xi32, #tpu.memory_space<vmem>> -> memref<128xi32, #tpu.memory_space<vmem>>
          %dma_start3A_71 = arith.constant 0 : i32
          %dma_start3A_72 = arith.constant 0 : i32
          %dma_start3A_73 = tpu.memref_slice %arg2[%dma_start3A_71, %dma_start3A_72] : memref<20000x128xf32, #tpu.memory_space<hbm>> -> memref<20000x128xf32, #tpu.memory_space<hbm>>
          tpu.enqueue_indirect_dma source(%dma_start3A_73 : memref<20000x128xf32, #tpu.memory_space<hbm>>) target(%arg9 : memref<128x128xf32, #tpu.memory_space<vmem>>) offsets(%dma_start3A_70 : memref<128xi32, #tpu.memory_space<vmem>>) semaphore(%arg12 : memref<!tpu.dma_semaphore, #tpu.memory_space<semaphore_mem>>)
        } else {
        }
        %mul3A_49 = arith.constant 2 : i32
        %mul3A_50 = arith.muli %mul3A_49, %scan3A_35 : i32
        %add3A_51 = arith.constant 1 : i32
        %add3A_52 = arith.addi %mul3A_50, %add3A_51 : i32
        %dma_wait3A_53 = arith.constant 0 : i32
        %dma_wait3A_54 = tpu.memref_slice %arg7[%add3A_52, %dma_wait3A_53] : memref<40x128xi32, #tpu.memory_space<vmem>> -> memref<1x128xi32, #tpu.memory_space<vmem>>
        %dma_wait3A_55 = tpu.memref_squeeze %dma_wait3A_54 : memref<1x128xi32, #tpu.memory_space<vmem>> -> memref<128xi32, #tpu.memory_space<vmem>>
        %dma_wait3A_56 = arith.constant 0 : i32
        %dma_wait3A_57 = arith.constant 0 : i32
        %dma_wait3A_58 = tpu.memref_slice %arg2[%dma_wait3A_56, %dma_wait3A_57] : memref<20000x128xf32, #tpu.memory_space<hbm>> -> memref<20000x128xf32, #tpu.memory_space<hbm>>
        tpu.wait_indirect_dma semaphore(%arg13 : memref<!tpu.dma_semaphore, #tpu.memory_space<semaphore_mem>>) src(%dma_wait3A_58 : memref<20000x128xf32, #tpu.memory_space<hbm>>) dst(%arg10 : memref<128x128xf32, #tpu.memory_space<vmem>>)
        "tpu.region"() ({
          %run_scoped3A = tpu.sem_alloc : memref<!tpu.dma_semaphore, #tpu.memory_space<semaphore_mem>>
          %dma_start3A_66 = arith.constant 0 : i32
          %dma_start3A_67 = tpu.memref_slice %arg8[%add3A_52, %dma_start3A_66] : memref<40x128xi32, #tpu.memory_space<vmem>> -> memref<1x128xi32, #tpu.memory_space<vmem>>
          %dma_start3A_68 = tpu.memref_squeeze %dma_start3A_67 : memref<1x128xi32, #tpu.memory_space<vmem>> -> memref<128xi32, #tpu.memory_space<vmem>>
          %dma_start3A_69 = arith.constant 0 : i32
          %dma_start3A_70 = arith.constant 0 : i32
          %dma_start3A_71 = tpu.memref_slice %arg11[%dma_start3A_69, %dma_start3A_70] : memref<10112x128xf32, #tpu.memory_space<vmem_shared>> -> memref<10112x128xf32, #tpu.memory_space<vmem_shared>>
          tpu.enqueue_indirect_dma source(%arg10 : memref<128x128xf32, #tpu.memory_space<vmem>>) target(%dma_start3A_71 : memref<10112x128xf32, #tpu.memory_space<vmem_shared>>) offsets(%dma_start3A_68 : memref<128xi32, #tpu.memory_space<vmem>>) semaphore(%run_scoped3A : memref<!tpu.dma_semaphore, #tpu.memory_space<semaphore_mem>>) {add = true}
          %dma_wait3A_72 = arith.constant 0 : i32
          %dma_wait3A_73 = tpu.memref_slice %arg8[%add3A_52, %dma_wait3A_72] : memref<40x128xi32, #tpu.memory_space<vmem>> -> memref<1x128xi32, #tpu.memory_space<vmem>>
          %dma_wait3A_74 = tpu.memref_squeeze %dma_wait3A_73 : memref<1x128xi32, #tpu.memory_space<vmem>> -> memref<128xi32, #tpu.memory_space<vmem>>
          %dma_wait3A_75 = arith.constant 0 : i32
          %dma_wait3A_76 = arith.constant 0 : i32
          %dma_wait3A_77 = tpu.memref_slice %arg11[%dma_wait3A_75, %dma_wait3A_76] : memref<10112x128xf32, #tpu.memory_space<vmem_shared>> -> memref<10112x128xf32, #tpu.memory_space<vmem_shared>>
          tpu.wait_indirect_dma semaphore(%run_scoped3A : memref<!tpu.dma_semaphore, #tpu.memory_space<semaphore_mem>>) src(%arg10 : memref<128x128xf32, #tpu.memory_space<vmem>>) dst(%dma_wait3A_77 : memref<10112x128xf32, #tpu.memory_space<vmem_shared>>)
          tpu.yield
        }) : () -> ()
        %add3A_59 = arith.constant 2 : i32
        %add3A_60 = arith.addi %add3A_52, %add3A_59 : i32
        %lt3A_61 = arith.constant 40 : i32
        %lt3A_62 = arith.cmpi slt, %add3A_60, %lt3A_61 : i32
        %convert_element_type3A_63 = arith.extui %lt3A_62 : i1 to i32
        %cond3A_64 = arith.constant 0 : i32
        %cond3A_65 = arith.cmpi ne, %convert_element_type3A_63, %cond3A_64 : i32
        scf.if %cond3A_65 {
          %add3A_66 = arith.constant 2 : i32
          %add3A_67 = arith.addi %add3A_52, %add3A_66 : i32
          %dma_start3A_68 = arith.constant 0 : i32
          %dma_start3A_69 = tpu.memref_slice %arg7[%add3A_67, %dma_start3A_68] : memref<40x128xi32, #tpu.memory_space<vmem>> -> memref<1x128xi32, #tpu.memory_space<vmem>>
          %dma_start3A_70 = tpu.memref_squeeze %dma_start3A_69 : memref<1x128xi32, #tpu.memory_space<vmem>> -> memref<128xi32, #tpu.memory_space<vmem>>
          %dma_start3A_71 = arith.constant 0 : i32
          %dma_start3A_72 = arith.constant 0 : i32
          %dma_start3A_73 = tpu.memref_slice %arg2[%dma_start3A_71, %dma_start3A_72] : memref<20000x128xf32, #tpu.memory_space<hbm>> -> memref<20000x128xf32, #tpu.memory_space<hbm>>
          tpu.enqueue_indirect_dma source(%dma_start3A_73 : memref<20000x128xf32, #tpu.memory_space<hbm>>) target(%arg10 : memref<128x128xf32, #tpu.memory_space<vmem>>) offsets(%dma_start3A_70 : memref<128xi32, #tpu.memory_space<vmem>>) semaphore(%arg13 : memref<!tpu.dma_semaphore, #tpu.memory_space<semaphore_mem>>)
        } else {
        }
      }
      %scan3A_34 = arith.constant 20 : i32
    }
    %scan3A_7 = arith.constant 4 : i32
    %barrier3A_8 = arith.constant 0 : index
    tpu.barrier barrier_id(%barrier3A_8)
    %mul3A_9 = arith.constant 632 : i32
    %mul3A_10 = arith.muli %arg1, %mul3A_9 : i32
    %mul3A_11 = arith.constant 632 : i32
    %mul3A_12 = arith.muli %arg1, %mul3A_11 : i32
    "tpu.region"() ({
      %run_scoped3A = tpu.sem_alloc : memref<!tpu.dma_semaphore, #tpu.memory_space<semaphore_mem>>
      %dma_start3A = arith.constant 0 : i32
      %dma_start3A_13 = tpu.memref_slice %arg6[%arg0, %mul3A_12, %dma_start3A] : memref<2x10112x128xf32, #tpu.memory_space<hbm>> -> memref<1x632x128xf32, #tpu.memory_space<hbm>>
      %dma_start3A_14 = tpu.memref_squeeze %dma_start3A_13 : memref<1x632x128xf32, #tpu.memory_space<hbm>> -> memref<632x128xf32, #tpu.memory_space<hbm>>
      %dma_start3A_15 = arith.constant 0 : i32
      %dma_start3A_16 = tpu.memref_slice %arg11[%mul3A_10, %dma_start3A_15] : memref<10112x128xf32, #tpu.memory_space<vmem_shared>> -> memref<632x128xf32, #tpu.memory_space<vmem_shared>>
      tpu.enqueue_dma source(%dma_start3A_16 : memref<632x128xf32, #tpu.memory_space<vmem_shared>>) target(%dma_start3A_14 : memref<632x128xf32, #tpu.memory_space<hbm>>) target_semaphore(%run_scoped3A : memref<!tpu.dma_semaphore, #tpu.memory_space<semaphore_mem>>)
      %dma_wait3A = arith.constant 0 : i32
      %dma_wait3A_17 = tpu.memref_slice %arg6[%arg0, %mul3A_12, %dma_wait3A] : memref<2x10112x128xf32, #tpu.memory_space<hbm>> -> memref<1x632x128xf32, #tpu.memory_space<hbm>>
      %dma_wait3A_18 = tpu.memref_squeeze %dma_wait3A_17 : memref<1x632x128xf32, #tpu.memory_space<hbm>> -> memref<632x128xf32, #tpu.memory_space<hbm>>
      %dma_wait3A_19 = arith.constant 0 : i32
      %dma_wait3A_20 = tpu.memref_slice %arg11[%mul3A_10, %dma_wait3A_19] : memref<10112x128xf32, #tpu.memory_space<vmem_shared>> -> memref<632x128xf32, #tpu.memory_space<vmem_shared>>
      tpu.wait_dma2 semaphore(%run_scoped3A : memref<!tpu.dma_semaphore, #tpu.memory_space<semaphore_mem>>) src(%dma_wait3A_20 : memref<632x128xf32, #tpu.memory_space<vmem_shared>>) dst(%dma_wait3A_18 : memref<632x128xf32, #tpu.memory_space<hbm>>)
      tpu.yield
    }) : () -> ()
    return
  }
}

#map = affine_map<(d0, d1) -> (0, 0)>
#map1 = affine_map<(d0, d1) -> (0, 0, 0)>
module attributes {stable_mosaic.version = 14 : i64} {
  func.func @segsum(%arg0: i32, %arg1: i32, %arg2: memref<10000x128xf32, #tpu.memory_space<hbm>>, %arg3: memref<2x2560x128xi32, #tpu.memory_space<hbm>>, %arg4: memref<2560x128xi32, #tpu.memory_space<hbm>>, %arg5: memref<632x128xf32, #tpu.memory_space<hbm>>, %arg6: memref<2x10112x128xf32, #tpu.memory_space<hbm>>, %arg7: memref<40x128xi32, #tpu.memory_space<vmem>>, %arg8: memref<40x128xi32, #tpu.memory_space<vmem>>, %arg9: memref<128x128xf32, #tpu.memory_space<vmem>>, %arg10: memref<128x128xf32, #tpu.memory_space<vmem>>, %arg11: memref<10112x128xf32, #tpu.memory_space<vmem_shared>>, %arg12: memref<!tpu.dma_semaphore, #tpu.memory_space<semaphore_mem>>, %arg13: memref<!tpu.dma_semaphore, #tpu.memory_space<semaphore_mem>>) attributes {dimension_semantics = [#tpu.dimension_semantics<core_parallel>, #tpu.dimension_semantics<subcore_parallel>], iteration_bounds = array<i64: 2, 16>, scalar_prefetch = 0 : i64, scratch_operands = 7 : i64, tpu.core_type = #tpu.core_type<sc_vector_subcore>, window_params = [{transform_indices = #map}, {transform_indices = #map1}, {transform_indices = #map}, {transform_indices = #map}, {transform_indices = #map1}]} {
    %mul3A = arith.constant 16 : i32
    %mul3A_0 = arith.muli %arg0, %mul3A : i32
    %add3A = arith.addi %mul3A_0, %arg1 : i32
    %mul3A_1 = arith.constant 80 : i32
    %mul3A_2 = arith.muli %add3A, %mul3A_1 : i32
    %mul3A_3 = arith.constant 632 : i32
    %mul3A_4 = arith.muli %arg1, %mul3A_3 : i32
    "tpu.region"() ({
      %run_scoped3A = tpu.sem_alloc : memref<!tpu.dma_semaphore, #tpu.memory_space<semaphore_mem>>
      %dma_start3A = arith.constant 0 : i32
      %dma_start3A_15 = tpu.memref_slice %arg11[%mul3A_4, %dma_start3A] : memref<10112x128xf32, #tpu.memory_space<vmem_shared>> -> memref<632x128xf32, #tpu.memory_space<vmem_shared>>
      tpu.enqueue_dma source(%arg5 : memref<632x128xf32, #tpu.memory_space<hbm>>) target(%dma_start3A_15 : memref<632x128xf32, #tpu.memory_space<vmem_shared>>) target_semaphore(%run_scoped3A : memref<!tpu.dma_semaphore, #tpu.memory_space<semaphore_mem>>)
      %dma_wait3A = arith.constant 0 : i32
      %dma_wait3A_16 = tpu.memref_slice %arg11[%mul3A_4, %dma_wait3A] : memref<10112x128xf32, #tpu.memory_space<vmem_shared>> -> memref<632x128xf32, #tpu.memory_space<vmem_shared>>
      tpu.wait_dma2 semaphore(%run_scoped3A : memref<!tpu.dma_semaphore, #tpu.memory_space<semaphore_mem>>) src(%arg5 : memref<632x128xf32, #tpu.memory_space<hbm>>) dst(%dma_wait3A_16 : memref<632x128xf32, #tpu.memory_space<vmem_shared>>)
      tpu.yield
    }) : () -> ()
    %barrier3A = arith.constant 0 : index
    tpu.barrier barrier_id(%barrier3A)
    %scan3A = arith.constant 0 : i32
    %scan3A_5 = arith.constant 0 : i32
    %scan3A_6 = arith.constant 2 : i32
    %scan3A_7 = arith.addi %scan3A_5, %scan3A_6 : i32
    %scan3A_8 = arith.constant 1 : i32
    scf.for %scan3A_15 = %scan3A_5 to %scan3A_7 step %scan3A_8  : i32 {
      %mul3A_16 = arith.constant 40 : i32
      %mul3A_17 = arith.muli %scan3A_15, %mul3A_16 : i32
      %add3A_18 = arith.addi %mul3A_2, %mul3A_17 : i32
      "tpu.region"() ({
        %run_scoped3A = tpu.sem_alloc : memref<!tpu.dma_semaphore, #tpu.memory_space<semaphore_mem>>
        %dma_start3A_38 = arith.constant 0 : i32
        %dma_start3A_39 = tpu.memref_slice %arg3[%arg0, %add3A_18, %dma_start3A_38] : memref<2x2560x128xi32, #tpu.memory_space<hbm>> -> memref<1x40x128xi32, #tpu.memory_space<hbm>>
        %dma_start3A_40 = tpu.memref_squeeze %dma_start3A_39 : memref<1x40x128xi32, #tpu.memory_space<hbm>> -> memref<40x128xi32, #tpu.memory_space<hbm>>
        %dma_start3A_41 = arith.constant 0 : i32
        %dma_start3A_42 = tpu.memref_slice %arg3[%arg0, %add3A_18, %dma_start3A_41] : memref<2x2560x128xi32, #tpu.memory_space<hbm>> -> memref<1x40x128xi32, #tpu.memory_space<hbm>>
        %dma_start3A_43 = tpu.memref_squeeze %dma_start3A_42 : memref<1x40x128xi32, #tpu.memory_space<hbm>> -> memref<40x128xi32, #tpu.memory_space<hbm>>
        tpu.enqueue_dma source(%dma_start3A_43 : memref<40x128xi32, #tpu.memory_space<hbm>>) target(%arg7 : memref<40x128xi32, #tpu.memory_space<vmem>>) target_semaphore(%run_scoped3A : memref<!tpu.dma_semaphore, #tpu.memory_space<semaphore_mem>>)
        %dma_wait3A = arith.constant 0 : i32
        %dma_wait3A_44 = tpu.memref_slice %arg3[%arg0, %add3A_18, %dma_wait3A] : memref<2x2560x128xi32, #tpu.memory_space<hbm>> -> memref<1x40x128xi32, #tpu.memory_space<hbm>>
        %dma_wait3A_45 = tpu.memref_squeeze %dma_wait3A_44 : memref<1x40x128xi32, #tpu.memory_space<hbm>> -> memref<40x128xi32, #tpu.memory_space<hbm>>
        %dma_wait3A_46 = arith.constant 0 : i32
        %dma_wait3A_47 = tpu.memref_slice %arg3[%arg0, %add3A_18, %dma_wait3A_46] : memref<2x2560x128xi32, #tpu.memory_space<hbm>> -> memref<1x40x128xi32, #tpu.memory_space<hbm>>
        %dma_wait3A_48 = tpu.memref_squeeze %dma_wait3A_47 : memref<1x40x128xi32, #tpu.memory_space<hbm>> -> memref<40x128xi32, #tpu.memory_space<hbm>>
        tpu.wait_dma2 semaphore(%run_scoped3A : memref<!tpu.dma_semaphore, #tpu.memory_space<semaphore_mem>>) src(%dma_wait3A_48 : memref<40x128xi32, #tpu.memory_space<hbm>>) dst(%arg7 : memref<40x128xi32, #tpu.memory_space<vmem>>)
        tpu.yield
      }) : () -> ()
      "tpu.region"() ({
        %run_scoped3A = tpu.sem_alloc : memref<!tpu.dma_semaphore, #tpu.memory_space<semaphore_mem>>
        %dma_start3A_38 = arith.constant 0 : i32
        %dma_start3A_39 = tpu.memref_slice %arg4[%add3A_18, %dma_start3A_38] : memref<2560x128xi32, #tpu.memory_space<hbm>> -> memref<40x128xi32, #tpu.memory_space<hbm>>
        %dma_start3A_40 = arith.constant 0 : i32
        %dma_start3A_41 = tpu.memref_slice %arg4[%add3A_18, %dma_start3A_40] : memref<2560x128xi32, #tpu.memory_space<hbm>> -> memref<40x128xi32, #tpu.memory_space<hbm>>
        tpu.enqueue_dma source(%dma_start3A_41 : memref<40x128xi32, #tpu.memory_space<hbm>>) target(%arg8 : memref<40x128xi32, #tpu.memory_space<vmem>>) target_semaphore(%run_scoped3A : memref<!tpu.dma_semaphore, #tpu.memory_space<semaphore_mem>>)
        %dma_wait3A = arith.constant 0 : i32
        %dma_wait3A_42 = tpu.memref_slice %arg4[%add3A_18, %dma_wait3A] : memref<2560x128xi32, #tpu.memory_space<hbm>> -> memref<40x128xi32, #tpu.memory_space<hbm>>
        %dma_wait3A_43 = arith.constant 0 : i32
        %dma_wait3A_44 = tpu.memref_slice %arg4[%add3A_18, %dma_wait3A_43] : memref<2560x128xi32, #tpu.memory_space<hbm>> -> memref<40x128xi32, #tpu.memory_space<hbm>>
        tpu.wait_dma2 semaphore(%run_scoped3A : memref<!tpu.dma_semaphore, #tpu.memory_space<semaphore_mem>>) src(%dma_wait3A_44 : memref<40x128xi32, #tpu.memory_space<hbm>>) dst(%arg8 : memref<40x128xi32, #tpu.memory_space<vmem>>)
        tpu.yield
      }) : () -> ()
      %dma_start3A = arith.constant 0 : i32
      %dma_start3A_19 = arith.constant 0 : i32
      %dma_start3A_20 = tpu.memref_slice %arg7[%dma_start3A, %dma_start3A_19] : memref<40x128xi32, #tpu.memory_space<vmem>> -> memref<1x128xi32, #tpu.memory_space<vmem>>
      %dma_start3A_21 = tpu.memref_squeeze %dma_start3A_20 : memref<1x128xi32, #tpu.memory_space<vmem>> -> memref<128xi32, #tpu.memory_space<vmem>>
      %dma_start3A_22 = arith.constant 0 : i32
      %dma_start3A_23 = arith.constant 0 : i32
      %dma_start3A_24 = tpu.memref_slice %arg2[%dma_start3A_22, %dma_start3A_23] : memref<10000x128xf32, #tpu.memory_space<hbm>> -> memref<10000x128xf32, #tpu.memory_space<hbm>>
      tpu.enqueue_indirect_dma source(%dma_start3A_24 : memref<10000x128xf32, #tpu.memory_space<hbm>>) target(%arg9 : memref<128x128xf32, #tpu.memory_space<vmem>>) offsets(%dma_start3A_21 : memref<128xi32, #tpu.memory_space<vmem>>) semaphore(%arg12 : memref<!tpu.dma_semaphore, #tpu.memory_space<semaphore_mem>>)
      %dma_start3A_25 = arith.constant 1 : i32
      %dma_start3A_26 = arith.constant 0 : i32
      %dma_start3A_27 = tpu.memref_slice %arg7[%dma_start3A_25, %dma_start3A_26] : memref<40x128xi32, #tpu.memory_space<vmem>> -> memref<1x128xi32, #tpu.memory_space<vmem>>
      %dma_start3A_28 = tpu.memref_squeeze %dma_start3A_27 : memref<1x128xi32, #tpu.memory_space<vmem>> -> memref<128xi32, #tpu.memory_space<vmem>>
      %dma_start3A_29 = arith.constant 0 : i32
      %dma_start3A_30 = arith.constant 0 : i32
      %dma_start3A_31 = tpu.memref_slice %arg2[%dma_start3A_29, %dma_start3A_30] : memref<10000x128xf32, #tpu.memory_space<hbm>> -> memref<10000x128xf32, #tpu.memory_space<hbm>>
      tpu.enqueue_indirect_dma source(%dma_start3A_31 : memref<10000x128xf32, #tpu.memory_space<hbm>>) target(%arg10 : memref<128x128xf32, #tpu.memory_space<vmem>>) offsets(%dma_start3A_28 : memref<128xi32, #tpu.memory_space<vmem>>) semaphore(%arg13 : memref<!tpu.dma_semaphore, #tpu.memory_space<semaphore_mem>>)
      %scan3A_32 = arith.constant 0 : i32
      %scan3A_33 = arith.constant 0 : i32
      %scan3A_34 = arith.constant 20 : i32
      %scan3A_35 = arith.addi %scan3A_33, %scan3A_34 : i32
      %scan3A_36 = arith.constant 1 : i32
      scf.for %scan3A_38 = %scan3A_33 to %scan3A_35 step %scan3A_36  : i32 {
        %mul3A_39 = arith.constant 2 : i32
        %mul3A_40 = arith.muli %mul3A_39, %scan3A_38 : i32
        %add3A_41 = arith.constant 0 : i32
        %add3A_42 = arith.addi %mul3A_40, %add3A_41 : i32
        %dma_wait3A = arith.constant 0 : i32
        %dma_wait3A_43 = tpu.memref_slice %arg7[%add3A_42, %dma_wait3A] : memref<40x128xi32, #tpu.memory_space<vmem>> -> memref<1x128xi32, #tpu.memory_space<vmem>>
        %dma_wait3A_44 = tpu.memref_squeeze %dma_wait3A_43 : memref<1x128xi32, #tpu.memory_space<vmem>> -> memref<128xi32, #tpu.memory_space<vmem>>
        %dma_wait3A_45 = arith.constant 0 : i32
        %dma_wait3A_46 = arith.constant 0 : i32
        %dma_wait3A_47 = tpu.memref_slice %arg2[%dma_wait3A_45, %dma_wait3A_46] : memref<10000x128xf32, #tpu.memory_space<hbm>> -> memref<10000x128xf32, #tpu.memory_space<hbm>>
        tpu.wait_indirect_dma semaphore(%arg12 : memref<!tpu.dma_semaphore, #tpu.memory_space<semaphore_mem>>) src(%dma_wait3A_47 : memref<10000x128xf32, #tpu.memory_space<hbm>>) dst(%arg9 : memref<128x128xf32, #tpu.memory_space<vmem>>)
        "tpu.region"() ({
          %run_scoped3A = tpu.sem_alloc : memref<!tpu.dma_semaphore, #tpu.memory_space<semaphore_mem>>
          %dma_start3A_69 = arith.constant 0 : i32
          %dma_start3A_70 = tpu.memref_slice %arg8[%add3A_42, %dma_start3A_69] : memref<40x128xi32, #tpu.memory_space<vmem>> -> memref<1x128xi32, #tpu.memory_space<vmem>>
          %dma_start3A_71 = tpu.memref_squeeze %dma_start3A_70 : memref<1x128xi32, #tpu.memory_space<vmem>> -> memref<128xi32, #tpu.memory_space<vmem>>
          %dma_start3A_72 = arith.constant 0 : i32
          %dma_start3A_73 = arith.constant 0 : i32
          %dma_start3A_74 = tpu.memref_slice %arg11[%dma_start3A_72, %dma_start3A_73] : memref<10112x128xf32, #tpu.memory_space<vmem_shared>> -> memref<10112x128xf32, #tpu.memory_space<vmem_shared>>
          tpu.enqueue_indirect_dma source(%arg9 : memref<128x128xf32, #tpu.memory_space<vmem>>) target(%dma_start3A_74 : memref<10112x128xf32, #tpu.memory_space<vmem_shared>>) offsets(%dma_start3A_71 : memref<128xi32, #tpu.memory_space<vmem>>) semaphore(%run_scoped3A : memref<!tpu.dma_semaphore, #tpu.memory_space<semaphore_mem>>) {add = true}
          %dma_wait3A_75 = arith.constant 0 : i32
          %dma_wait3A_76 = tpu.memref_slice %arg8[%add3A_42, %dma_wait3A_75] : memref<40x128xi32, #tpu.memory_space<vmem>> -> memref<1x128xi32, #tpu.memory_space<vmem>>
          %dma_wait3A_77 = tpu.memref_squeeze %dma_wait3A_76 : memref<1x128xi32, #tpu.memory_space<vmem>> -> memref<128xi32, #tpu.memory_space<vmem>>
          %dma_wait3A_78 = arith.constant 0 : i32
          %dma_wait3A_79 = arith.constant 0 : i32
          %dma_wait3A_80 = tpu.memref_slice %arg11[%dma_wait3A_78, %dma_wait3A_79] : memref<10112x128xf32, #tpu.memory_space<vmem_shared>> -> memref<10112x128xf32, #tpu.memory_space<vmem_shared>>
          tpu.wait_indirect_dma semaphore(%run_scoped3A : memref<!tpu.dma_semaphore, #tpu.memory_space<semaphore_mem>>) src(%arg9 : memref<128x128xf32, #tpu.memory_space<vmem>>) dst(%dma_wait3A_80 : memref<10112x128xf32, #tpu.memory_space<vmem_shared>>)
          tpu.yield
        }) : () -> ()
        %add3A_48 = arith.constant 2 : i32
        %add3A_49 = arith.addi %add3A_42, %add3A_48 : i32
        %lt3A = arith.constant 40 : i32
        %lt3A_50 = arith.cmpi slt, %add3A_49, %lt3A : i32
        %convert_element_type3A = arith.extui %lt3A_50 : i1 to i32
        %cond3A = arith.constant 0 : i32
        %cond3A_51 = arith.cmpi ne, %convert_element_type3A, %cond3A : i32
        scf.if %cond3A_51 {
          %add3A_69 = arith.constant 2 : i32
          %add3A_70 = arith.addi %add3A_42, %add3A_69 : i32
          %dma_start3A_71 = arith.constant 0 : i32
          %dma_start3A_72 = tpu.memref_slice %arg7[%add3A_70, %dma_start3A_71] : memref<40x128xi32, #tpu.memory_space<vmem>> -> memref<1x128xi32, #tpu.memory_space<vmem>>
          %dma_start3A_73 = tpu.memref_squeeze %dma_start3A_72 : memref<1x128xi32, #tpu.memory_space<vmem>> -> memref<128xi32, #tpu.memory_space<vmem>>
          %dma_start3A_74 = arith.constant 0 : i32
          %dma_start3A_75 = arith.constant 0 : i32
          %dma_start3A_76 = tpu.memref_slice %arg2[%dma_start3A_74, %dma_start3A_75] : memref<10000x128xf32, #tpu.memory_space<hbm>> -> memref<10000x128xf32, #tpu.memory_space<hbm>>
          tpu.enqueue_indirect_dma source(%dma_start3A_76 : memref<10000x128xf32, #tpu.memory_space<hbm>>) target(%arg9 : memref<128x128xf32, #tpu.memory_space<vmem>>) offsets(%dma_start3A_73 : memref<128xi32, #tpu.memory_space<vmem>>) semaphore(%arg12 : memref<!tpu.dma_semaphore, #tpu.memory_space<semaphore_mem>>)
        } else {
        }
        %mul3A_52 = arith.constant 2 : i32
        %mul3A_53 = arith.muli %mul3A_52, %scan3A_38 : i32
        %add3A_54 = arith.constant 1 : i32
        %add3A_55 = arith.addi %mul3A_53, %add3A_54 : i32
        %dma_wait3A_56 = arith.constant 0 : i32
        %dma_wait3A_57 = tpu.memref_slice %arg7[%add3A_55, %dma_wait3A_56] : memref<40x128xi32, #tpu.memory_space<vmem>> -> memref<1x128xi32, #tpu.memory_space<vmem>>
        %dma_wait3A_58 = tpu.memref_squeeze %dma_wait3A_57 : memref<1x128xi32, #tpu.memory_space<vmem>> -> memref<128xi32, #tpu.memory_space<vmem>>
        %dma_wait3A_59 = arith.constant 0 : i32
        %dma_wait3A_60 = arith.constant 0 : i32
        %dma_wait3A_61 = tpu.memref_slice %arg2[%dma_wait3A_59, %dma_wait3A_60] : memref<10000x128xf32, #tpu.memory_space<hbm>> -> memref<10000x128xf32, #tpu.memory_space<hbm>>
        tpu.wait_indirect_dma semaphore(%arg13 : memref<!tpu.dma_semaphore, #tpu.memory_space<semaphore_mem>>) src(%dma_wait3A_61 : memref<10000x128xf32, #tpu.memory_space<hbm>>) dst(%arg10 : memref<128x128xf32, #tpu.memory_space<vmem>>)
        "tpu.region"() ({
          %run_scoped3A = tpu.sem_alloc : memref<!tpu.dma_semaphore, #tpu.memory_space<semaphore_mem>>
          %dma_start3A_69 = arith.constant 0 : i32
          %dma_start3A_70 = tpu.memref_slice %arg8[%add3A_55, %dma_start3A_69] : memref<40x128xi32, #tpu.memory_space<vmem>> -> memref<1x128xi32, #tpu.memory_space<vmem>>
          %dma_start3A_71 = tpu.memref_squeeze %dma_start3A_70 : memref<1x128xi32, #tpu.memory_space<vmem>> -> memref<128xi32, #tpu.memory_space<vmem>>
          %dma_start3A_72 = arith.constant 0 : i32
          %dma_start3A_73 = arith.constant 0 : i32
          %dma_start3A_74 = tpu.memref_slice %arg11[%dma_start3A_72, %dma_start3A_73] : memref<10112x128xf32, #tpu.memory_space<vmem_shared>> -> memref<10112x128xf32, #tpu.memory_space<vmem_shared>>
          tpu.enqueue_indirect_dma source(%arg10 : memref<128x128xf32, #tpu.memory_space<vmem>>) target(%dma_start3A_74 : memref<10112x128xf32, #tpu.memory_space<vmem_shared>>) offsets(%dma_start3A_71 : memref<128xi32, #tpu.memory_space<vmem>>) semaphore(%run_scoped3A : memref<!tpu.dma_semaphore, #tpu.memory_space<semaphore_mem>>) {add = true}
          %dma_wait3A_75 = arith.constant 0 : i32
          %dma_wait3A_76 = tpu.memref_slice %arg8[%add3A_55, %dma_wait3A_75] : memref<40x128xi32, #tpu.memory_space<vmem>> -> memref<1x128xi32, #tpu.memory_space<vmem>>
          %dma_wait3A_77 = tpu.memref_squeeze %dma_wait3A_76 : memref<1x128xi32, #tpu.memory_space<vmem>> -> memref<128xi32, #tpu.memory_space<vmem>>
          %dma_wait3A_78 = arith.constant 0 : i32
          %dma_wait3A_79 = arith.constant 0 : i32
          %dma_wait3A_80 = tpu.memref_slice %arg11[%dma_wait3A_78, %dma_wait3A_79] : memref<10112x128xf32, #tpu.memory_space<vmem_shared>> -> memref<10112x128xf32, #tpu.memory_space<vmem_shared>>
          tpu.wait_indirect_dma semaphore(%run_scoped3A : memref<!tpu.dma_semaphore, #tpu.memory_space<semaphore_mem>>) src(%arg10 : memref<128x128xf32, #tpu.memory_space<vmem>>) dst(%dma_wait3A_80 : memref<10112x128xf32, #tpu.memory_space<vmem_shared>>)
          tpu.yield
        }) : () -> ()
        %add3A_62 = arith.constant 2 : i32
        %add3A_63 = arith.addi %add3A_55, %add3A_62 : i32
        %lt3A_64 = arith.constant 40 : i32
        %lt3A_65 = arith.cmpi slt, %add3A_63, %lt3A_64 : i32
        %convert_element_type3A_66 = arith.extui %lt3A_65 : i1 to i32
        %cond3A_67 = arith.constant 0 : i32
        %cond3A_68 = arith.cmpi ne, %convert_element_type3A_66, %cond3A_67 : i32
        scf.if %cond3A_68 {
          %add3A_69 = arith.constant 2 : i32
          %add3A_70 = arith.addi %add3A_55, %add3A_69 : i32
          %dma_start3A_71 = arith.constant 0 : i32
          %dma_start3A_72 = tpu.memref_slice %arg7[%add3A_70, %dma_start3A_71] : memref<40x128xi32, #tpu.memory_space<vmem>> -> memref<1x128xi32, #tpu.memory_space<vmem>>
          %dma_start3A_73 = tpu.memref_squeeze %dma_start3A_72 : memref<1x128xi32, #tpu.memory_space<vmem>> -> memref<128xi32, #tpu.memory_space<vmem>>
          %dma_start3A_74 = arith.constant 0 : i32
          %dma_start3A_75 = arith.constant 0 : i32
          %dma_start3A_76 = tpu.memref_slice %arg2[%dma_start3A_74, %dma_start3A_75] : memref<10000x128xf32, #tpu.memory_space<hbm>> -> memref<10000x128xf32, #tpu.memory_space<hbm>>
          tpu.enqueue_indirect_dma source(%dma_start3A_76 : memref<10000x128xf32, #tpu.memory_space<hbm>>) target(%arg10 : memref<128x128xf32, #tpu.memory_space<vmem>>) offsets(%dma_start3A_73 : memref<128xi32, #tpu.memory_space<vmem>>) semaphore(%arg13 : memref<!tpu.dma_semaphore, #tpu.memory_space<semaphore_mem>>)
        } else {
        }
      }
      %scan3A_37 = arith.constant 20 : i32
    }
    %scan3A_9 = arith.constant 2 : i32
    %barrier3A_10 = arith.constant 0 : index
    tpu.barrier barrier_id(%barrier3A_10)
    %mul3A_11 = arith.constant 632 : i32
    %mul3A_12 = arith.muli %arg1, %mul3A_11 : i32
    %mul3A_13 = arith.constant 632 : i32
    %mul3A_14 = arith.muli %arg1, %mul3A_13 : i32
    "tpu.region"() ({
      %run_scoped3A = tpu.sem_alloc : memref<!tpu.dma_semaphore, #tpu.memory_space<semaphore_mem>>
      %dma_start3A = arith.constant 0 : i32
      %dma_start3A_15 = tpu.memref_slice %arg6[%arg0, %mul3A_14, %dma_start3A] : memref<2x10112x128xf32, #tpu.memory_space<hbm>> -> memref<1x632x128xf32, #tpu.memory_space<hbm>>
      %dma_start3A_16 = tpu.memref_squeeze %dma_start3A_15 : memref<1x632x128xf32, #tpu.memory_space<hbm>> -> memref<632x128xf32, #tpu.memory_space<hbm>>
      %dma_start3A_17 = arith.constant 0 : i32
      %dma_start3A_18 = tpu.memref_slice %arg11[%mul3A_12, %dma_start3A_17] : memref<10112x128xf32, #tpu.memory_space<vmem_shared>> -> memref<632x128xf32, #tpu.memory_space<vmem_shared>>
      tpu.enqueue_dma source(%dma_start3A_18 : memref<632x128xf32, #tpu.memory_space<vmem_shared>>) target(%dma_start3A_16 : memref<632x128xf32, #tpu.memory_space<hbm>>) target_semaphore(%run_scoped3A : memref<!tpu.dma_semaphore, #tpu.memory_space<semaphore_mem>>)
      %dma_wait3A = arith.constant 0 : i32
      %dma_wait3A_19 = tpu.memref_slice %arg6[%arg0, %mul3A_14, %dma_wait3A] : memref<2x10112x128xf32, #tpu.memory_space<hbm>> -> memref<1x632x128xf32, #tpu.memory_space<hbm>>
      %dma_wait3A_20 = tpu.memref_squeeze %dma_wait3A_19 : memref<1x632x128xf32, #tpu.memory_space<hbm>> -> memref<632x128xf32, #tpu.memory_space<hbm>>
      %dma_wait3A_21 = arith.constant 0 : i32
      %dma_wait3A_22 = tpu.memref_slice %arg11[%mul3A_12, %dma_wait3A_21] : memref<10112x128xf32, #tpu.memory_space<vmem_shared>> -> memref<632x128xf32, #tpu.memory_space<vmem_shared>>
      tpu.wait_dma2 semaphore(%run_scoped3A : memref<!tpu.dma_semaphore, #tpu.memory_space<semaphore_mem>>) src(%dma_wait3A_22 : memref<632x128xf32, #tpu.memory_space<vmem_shared>>) dst(%dma_wait3A_20 : memref<632x128xf32, #tpu.memory_space<hbm>>)
      tpu.yield
    }) : () -> ()
    return
  }
}

#map = affine_map<(d0, d1) -> (0, 0)>
#map1 = affine_map<(d0, d1) -> (0, 0, 0)>
module attributes {stable_mosaic.version = 14 : i64} {
  func.func @segsum(%arg0: i32, %arg1: i32, %arg2: memref<20000x128xf32, #tpu.memory_space<hbm>>, %arg3: memref<2x2560x128xi32, #tpu.memory_space<hbm>>, %arg4: memref<2560x128xi32, #tpu.memory_space<hbm>>, %arg5: memref<632x128xf32, #tpu.memory_space<hbm>>, %arg6: memref<2x10112x128xf32, #tpu.memory_space<hbm>>, %arg7: memref<40x128xi32, #tpu.memory_space<vmem>>, %arg8: memref<40x128xi32, #tpu.memory_space<vmem>>, %arg9: memref<128x128xf32, #tpu.memory_space<vmem>>, %arg10: memref<128x128xf32, #tpu.memory_space<vmem>>, %arg11: memref<10112x128xf32, #tpu.memory_space<vmem_shared>>, %arg12: memref<!tpu.dma_semaphore, #tpu.memory_space<semaphore_mem>>, %arg13: memref<!tpu.dma_semaphore, #tpu.memory_space<semaphore_mem>>) attributes {dimension_semantics = [#tpu.dimension_semantics<core_parallel>, #tpu.dimension_semantics<subcore_parallel>], iteration_bounds = array<i64: 2, 16>, scalar_prefetch = 0 : i64, scratch_operands = 7 : i64, tpu.core_type = #tpu.core_type<sc_vector_subcore>, window_params = [{transform_indices = #map}, {transform_indices = #map1}, {transform_indices = #map}, {transform_indices = #map}, {transform_indices = #map1}]} {
    %mul3A = arith.constant 160 : i32
    %mul3A_0 = arith.muli %arg1, %mul3A : i32
    %mul3A_1 = arith.constant 632 : i32
    %mul3A_2 = arith.muli %arg1, %mul3A_1 : i32
    "tpu.region"() ({
      %run_scoped3A = tpu.sem_alloc : memref<!tpu.dma_semaphore, #tpu.memory_space<semaphore_mem>>
      %dma_start3A = arith.constant 0 : i32
      %dma_start3A_13 = tpu.memref_slice %arg11[%mul3A_2, %dma_start3A] : memref<10112x128xf32, #tpu.memory_space<vmem_shared>> -> memref<632x128xf32, #tpu.memory_space<vmem_shared>>
      tpu.enqueue_dma source(%arg5 : memref<632x128xf32, #tpu.memory_space<hbm>>) target(%dma_start3A_13 : memref<632x128xf32, #tpu.memory_space<vmem_shared>>) target_semaphore(%run_scoped3A : memref<!tpu.dma_semaphore, #tpu.memory_space<semaphore_mem>>)
      %dma_wait3A = arith.constant 0 : i32
      %dma_wait3A_14 = tpu.memref_slice %arg11[%mul3A_2, %dma_wait3A] : memref<10112x128xf32, #tpu.memory_space<vmem_shared>> -> memref<632x128xf32, #tpu.memory_space<vmem_shared>>
      tpu.wait_dma2 semaphore(%run_scoped3A : memref<!tpu.dma_semaphore, #tpu.memory_space<semaphore_mem>>) src(%arg5 : memref<632x128xf32, #tpu.memory_space<hbm>>) dst(%dma_wait3A_14 : memref<632x128xf32, #tpu.memory_space<vmem_shared>>)
      tpu.yield
    }) : () -> ()
    %barrier3A = arith.constant 0 : index
    tpu.barrier barrier_id(%barrier3A)
    %scan3A = arith.constant 0 : i32
    %scan3A_3 = arith.constant 0 : i32
    %scan3A_4 = arith.constant 4 : i32
    %scan3A_5 = arith.addi %scan3A_3, %scan3A_4 : i32
    %scan3A_6 = arith.constant 1 : i32
    scf.for %scan3A_13 = %scan3A_3 to %scan3A_5 step %scan3A_6  : i32 {
      %mul3A_14 = arith.constant 40 : i32
      %mul3A_15 = arith.muli %scan3A_13, %mul3A_14 : i32
      %add3A = arith.addi %mul3A_0, %mul3A_15 : i32
      "tpu.region"() ({
        %run_scoped3A = tpu.sem_alloc : memref<!tpu.dma_semaphore, #tpu.memory_space<semaphore_mem>>
        %dma_start3A_35 = arith.constant 0 : i32
        %dma_start3A_36 = tpu.memref_slice %arg3[%arg0, %add3A, %dma_start3A_35] : memref<2x2560x128xi32, #tpu.memory_space<hbm>> -> memref<1x40x128xi32, #tpu.memory_space<hbm>>
        %dma_start3A_37 = tpu.memref_squeeze %dma_start3A_36 : memref<1x40x128xi32, #tpu.memory_space<hbm>> -> memref<40x128xi32, #tpu.memory_space<hbm>>
        %dma_start3A_38 = arith.constant 0 : i32
        %dma_start3A_39 = tpu.memref_slice %arg3[%arg0, %add3A, %dma_start3A_38] : memref<2x2560x128xi32, #tpu.memory_space<hbm>> -> memref<1x40x128xi32, #tpu.memory_space<hbm>>
        %dma_start3A_40 = tpu.memref_squeeze %dma_start3A_39 : memref<1x40x128xi32, #tpu.memory_space<hbm>> -> memref<40x128xi32, #tpu.memory_space<hbm>>
        tpu.enqueue_dma source(%dma_start3A_40 : memref<40x128xi32, #tpu.memory_space<hbm>>) target(%arg7 : memref<40x128xi32, #tpu.memory_space<vmem>>) target_semaphore(%run_scoped3A : memref<!tpu.dma_semaphore, #tpu.memory_space<semaphore_mem>>)
        %dma_wait3A = arith.constant 0 : i32
        %dma_wait3A_41 = tpu.memref_slice %arg3[%arg0, %add3A, %dma_wait3A] : memref<2x2560x128xi32, #tpu.memory_space<hbm>> -> memref<1x40x128xi32, #tpu.memory_space<hbm>>
        %dma_wait3A_42 = tpu.memref_squeeze %dma_wait3A_41 : memref<1x40x128xi32, #tpu.memory_space<hbm>> -> memref<40x128xi32, #tpu.memory_space<hbm>>
        %dma_wait3A_43 = arith.constant 0 : i32
        %dma_wait3A_44 = tpu.memref_slice %arg3[%arg0, %add3A, %dma_wait3A_43] : memref<2x2560x128xi32, #tpu.memory_space<hbm>> -> memref<1x40x128xi32, #tpu.memory_space<hbm>>
        %dma_wait3A_45 = tpu.memref_squeeze %dma_wait3A_44 : memref<1x40x128xi32, #tpu.memory_space<hbm>> -> memref<40x128xi32, #tpu.memory_space<hbm>>
        tpu.wait_dma2 semaphore(%run_scoped3A : memref<!tpu.dma_semaphore, #tpu.memory_space<semaphore_mem>>) src(%dma_wait3A_45 : memref<40x128xi32, #tpu.memory_space<hbm>>) dst(%arg7 : memref<40x128xi32, #tpu.memory_space<vmem>>)
        tpu.yield
      }) : () -> ()
      "tpu.region"() ({
        %run_scoped3A = tpu.sem_alloc : memref<!tpu.dma_semaphore, #tpu.memory_space<semaphore_mem>>
        %dma_start3A_35 = arith.constant 0 : i32
        %dma_start3A_36 = tpu.memref_slice %arg4[%add3A, %dma_start3A_35] : memref<2560x128xi32, #tpu.memory_space<hbm>> -> memref<40x128xi32, #tpu.memory_space<hbm>>
        %dma_start3A_37 = arith.constant 0 : i32
        %dma_start3A_38 = tpu.memref_slice %arg4[%add3A, %dma_start3A_37] : memref<2560x128xi32, #tpu.memory_space<hbm>> -> memref<40x128xi32, #tpu.memory_space<hbm>>
        tpu.enqueue_dma source(%dma_start3A_38 : memref<40x128xi32, #tpu.memory_space<hbm>>) target(%arg8 : memref<40x128xi32, #tpu.memory_space<vmem>>) target_semaphore(%run_scoped3A : memref<!tpu.dma_semaphore, #tpu.memory_space<semaphore_mem>>)
        %dma_wait3A = arith.constant 0 : i32
        %dma_wait3A_39 = tpu.memref_slice %arg4[%add3A, %dma_wait3A] : memref<2560x128xi32, #tpu.memory_space<hbm>> -> memref<40x128xi32, #tpu.memory_space<hbm>>
        %dma_wait3A_40 = arith.constant 0 : i32
        %dma_wait3A_41 = tpu.memref_slice %arg4[%add3A, %dma_wait3A_40] : memref<2560x128xi32, #tpu.memory_space<hbm>> -> memref<40x128xi32, #tpu.memory_space<hbm>>
        tpu.wait_dma2 semaphore(%run_scoped3A : memref<!tpu.dma_semaphore, #tpu.memory_space<semaphore_mem>>) src(%dma_wait3A_41 : memref<40x128xi32, #tpu.memory_space<hbm>>) dst(%arg8 : memref<40x128xi32, #tpu.memory_space<vmem>>)
        tpu.yield
      }) : () -> ()
      %dma_start3A = arith.constant 0 : i32
      %dma_start3A_16 = arith.constant 0 : i32
      %dma_start3A_17 = tpu.memref_slice %arg7[%dma_start3A, %dma_start3A_16] : memref<40x128xi32, #tpu.memory_space<vmem>> -> memref<1x128xi32, #tpu.memory_space<vmem>>
      %dma_start3A_18 = tpu.memref_squeeze %dma_start3A_17 : memref<1x128xi32, #tpu.memory_space<vmem>> -> memref<128xi32, #tpu.memory_space<vmem>>
      %dma_start3A_19 = arith.constant 0 : i32
      %dma_start3A_20 = arith.constant 0 : i32
      %dma_start3A_21 = tpu.memref_slice %arg2[%dma_start3A_19, %dma_start3A_20] : memref<20000x128xf32, #tpu.memory_space<hbm>> -> memref<20000x128xf32, #tpu.memory_space<hbm>>
      tpu.enqueue_indirect_dma source(%dma_start3A_21 : memref<20000x128xf32, #tpu.memory_space<hbm>>) target(%arg9 : memref<128x128xf32, #tpu.memory_space<vmem>>) offsets(%dma_start3A_18 : memref<128xi32, #tpu.memory_space<vmem>>) semaphore(%arg12 : memref<!tpu.dma_semaphore, #tpu.memory_space<semaphore_mem>>)
      %dma_start3A_22 = arith.constant 1 : i32
      %dma_start3A_23 = arith.constant 0 : i32
      %dma_start3A_24 = tpu.memref_slice %arg7[%dma_start3A_22, %dma_start3A_23] : memref<40x128xi32, #tpu.memory_space<vmem>> -> memref<1x128xi32, #tpu.memory_space<vmem>>
      %dma_start3A_25 = tpu.memref_squeeze %dma_start3A_24 : memref<1x128xi32, #tpu.memory_space<vmem>> -> memref<128xi32, #tpu.memory_space<vmem>>
      %dma_start3A_26 = arith.constant 0 : i32
      %dma_start3A_27 = arith.constant 0 : i32
      %dma_start3A_28 = tpu.memref_slice %arg2[%dma_start3A_26, %dma_start3A_27] : memref<20000x128xf32, #tpu.memory_space<hbm>> -> memref<20000x128xf32, #tpu.memory_space<hbm>>
      tpu.enqueue_indirect_dma source(%dma_start3A_28 : memref<20000x128xf32, #tpu.memory_space<hbm>>) target(%arg10 : memref<128x128xf32, #tpu.memory_space<vmem>>) offsets(%dma_start3A_25 : memref<128xi32, #tpu.memory_space<vmem>>) semaphore(%arg13 : memref<!tpu.dma_semaphore, #tpu.memory_space<semaphore_mem>>)
      %scan3A_29 = arith.constant 0 : i32
      %scan3A_30 = arith.constant 0 : i32
      %scan3A_31 = arith.constant 20 : i32
      %scan3A_32 = arith.addi %scan3A_30, %scan3A_31 : i32
      %scan3A_33 = arith.constant 1 : i32
      scf.for %scan3A_35 = %scan3A_30 to %scan3A_32 step %scan3A_33  : i32 {
        %mul3A_36 = arith.constant 2 : i32
        %mul3A_37 = arith.muli %mul3A_36, %scan3A_35 : i32
        %add3A_38 = arith.constant 0 : i32
        %add3A_39 = arith.addi %mul3A_37, %add3A_38 : i32
        %dma_wait3A = arith.constant 0 : i32
        %dma_wait3A_40 = tpu.memref_slice %arg7[%add3A_39, %dma_wait3A] : memref<40x128xi32, #tpu.memory_space<vmem>> -> memref<1x128xi32, #tpu.memory_space<vmem>>
        %dma_wait3A_41 = tpu.memref_squeeze %dma_wait3A_40 : memref<1x128xi32, #tpu.memory_space<vmem>> -> memref<128xi32, #tpu.memory_space<vmem>>
        %dma_wait3A_42 = arith.constant 0 : i32
        %dma_wait3A_43 = arith.constant 0 : i32
        %dma_wait3A_44 = tpu.memref_slice %arg2[%dma_wait3A_42, %dma_wait3A_43] : memref<20000x128xf32, #tpu.memory_space<hbm>> -> memref<20000x128xf32, #tpu.memory_space<hbm>>
        tpu.wait_indirect_dma semaphore(%arg12 : memref<!tpu.dma_semaphore, #tpu.memory_space<semaphore_mem>>) src(%dma_wait3A_44 : memref<20000x128xf32, #tpu.memory_space<hbm>>) dst(%arg9 : memref<128x128xf32, #tpu.memory_space<vmem>>)
        "tpu.region"() ({
          %run_scoped3A = tpu.sem_alloc : memref<!tpu.dma_semaphore, #tpu.memory_space<semaphore_mem>>
          %dma_start3A_66 = arith.constant 0 : i32
          %dma_start3A_67 = tpu.memref_slice %arg8[%add3A_39, %dma_start3A_66] : memref<40x128xi32, #tpu.memory_space<vmem>> -> memref<1x128xi32, #tpu.memory_space<vmem>>
          %dma_start3A_68 = tpu.memref_squeeze %dma_start3A_67 : memref<1x128xi32, #tpu.memory_space<vmem>> -> memref<128xi32, #tpu.memory_space<vmem>>
          %dma_start3A_69 = arith.constant 0 : i32
          %dma_start3A_70 = arith.constant 0 : i32
          %dma_start3A_71 = tpu.memref_slice %arg11[%dma_start3A_69, %dma_start3A_70] : memref<10112x128xf32, #tpu.memory_space<vmem_shared>> -> memref<10112x128xf32, #tpu.memory_space<vmem_shared>>
          tpu.enqueue_indirect_dma source(%arg9 : memref<128x128xf32, #tpu.memory_space<vmem>>) target(%dma_start3A_71 : memref<10112x128xf32, #tpu.memory_space<vmem_shared>>) offsets(%dma_start3A_68 : memref<128xi32, #tpu.memory_space<vmem>>) semaphore(%run_scoped3A : memref<!tpu.dma_semaphore, #tpu.memory_space<semaphore_mem>>) {add = true}
          %dma_wait3A_72 = arith.constant 0 : i32
          %dma_wait3A_73 = tpu.memref_slice %arg8[%add3A_39, %dma_wait3A_72] : memref<40x128xi32, #tpu.memory_space<vmem>> -> memref<1x128xi32, #tpu.memory_space<vmem>>
          %dma_wait3A_74 = tpu.memref_squeeze %dma_wait3A_73 : memref<1x128xi32, #tpu.memory_space<vmem>> -> memref<128xi32, #tpu.memory_space<vmem>>
          %dma_wait3A_75 = arith.constant 0 : i32
          %dma_wait3A_76 = arith.constant 0 : i32
          %dma_wait3A_77 = tpu.memref_slice %arg11[%dma_wait3A_75, %dma_wait3A_76] : memref<10112x128xf32, #tpu.memory_space<vmem_shared>> -> memref<10112x128xf32, #tpu.memory_space<vmem_shared>>
          tpu.wait_indirect_dma semaphore(%run_scoped3A : memref<!tpu.dma_semaphore, #tpu.memory_space<semaphore_mem>>) src(%arg9 : memref<128x128xf32, #tpu.memory_space<vmem>>) dst(%dma_wait3A_77 : memref<10112x128xf32, #tpu.memory_space<vmem_shared>>)
          tpu.yield
        }) : () -> ()
        %add3A_45 = arith.constant 2 : i32
        %add3A_46 = arith.addi %add3A_39, %add3A_45 : i32
        %lt3A = arith.constant 40 : i32
        %lt3A_47 = arith.cmpi slt, %add3A_46, %lt3A : i32
        %convert_element_type3A = arith.extui %lt3A_47 : i1 to i32
        %cond3A = arith.constant 0 : i32
        %cond3A_48 = arith.cmpi ne, %convert_element_type3A, %cond3A : i32
        scf.if %cond3A_48 {
          %add3A_66 = arith.constant 2 : i32
          %add3A_67 = arith.addi %add3A_39, %add3A_66 : i32
          %dma_start3A_68 = arith.constant 0 : i32
          %dma_start3A_69 = tpu.memref_slice %arg7[%add3A_67, %dma_start3A_68] : memref<40x128xi32, #tpu.memory_space<vmem>> -> memref<1x128xi32, #tpu.memory_space<vmem>>
          %dma_start3A_70 = tpu.memref_squeeze %dma_start3A_69 : memref<1x128xi32, #tpu.memory_space<vmem>> -> memref<128xi32, #tpu.memory_space<vmem>>
          %dma_start3A_71 = arith.constant 0 : i32
          %dma_start3A_72 = arith.constant 0 : i32
          %dma_start3A_73 = tpu.memref_slice %arg2[%dma_start3A_71, %dma_start3A_72] : memref<20000x128xf32, #tpu.memory_space<hbm>> -> memref<20000x128xf32, #tpu.memory_space<hbm>>
          tpu.enqueue_indirect_dma source(%dma_start3A_73 : memref<20000x128xf32, #tpu.memory_space<hbm>>) target(%arg9 : memref<128x128xf32, #tpu.memory_space<vmem>>) offsets(%dma_start3A_70 : memref<128xi32, #tpu.memory_space<vmem>>) semaphore(%arg12 : memref<!tpu.dma_semaphore, #tpu.memory_space<semaphore_mem>>)
        } else {
        }
        %mul3A_49 = arith.constant 2 : i32
        %mul3A_50 = arith.muli %mul3A_49, %scan3A_35 : i32
        %add3A_51 = arith.constant 1 : i32
        %add3A_52 = arith.addi %mul3A_50, %add3A_51 : i32
        %dma_wait3A_53 = arith.constant 0 : i32
        %dma_wait3A_54 = tpu.memref_slice %arg7[%add3A_52, %dma_wait3A_53] : memref<40x128xi32, #tpu.memory_space<vmem>> -> memref<1x128xi32, #tpu.memory_space<vmem>>
        %dma_wait3A_55 = tpu.memref_squeeze %dma_wait3A_54 : memref<1x128xi32, #tpu.memory_space<vmem>> -> memref<128xi32, #tpu.memory_space<vmem>>
        %dma_wait3A_56 = arith.constant 0 : i32
        %dma_wait3A_57 = arith.constant 0 : i32
        %dma_wait3A_58 = tpu.memref_slice %arg2[%dma_wait3A_56, %dma_wait3A_57] : memref<20000x128xf32, #tpu.memory_space<hbm>> -> memref<20000x128xf32, #tpu.memory_space<hbm>>
        tpu.wait_indirect_dma semaphore(%arg13 : memref<!tpu.dma_semaphore, #tpu.memory_space<semaphore_mem>>) src(%dma_wait3A_58 : memref<20000x128xf32, #tpu.memory_space<hbm>>) dst(%arg10 : memref<128x128xf32, #tpu.memory_space<vmem>>)
        "tpu.region"() ({
          %run_scoped3A = tpu.sem_alloc : memref<!tpu.dma_semaphore, #tpu.memory_space<semaphore_mem>>
          %dma_start3A_66 = arith.constant 0 : i32
          %dma_start3A_67 = tpu.memref_slice %arg8[%add3A_52, %dma_start3A_66] : memref<40x128xi32, #tpu.memory_space<vmem>> -> memref<1x128xi32, #tpu.memory_space<vmem>>
          %dma_start3A_68 = tpu.memref_squeeze %dma_start3A_67 : memref<1x128xi32, #tpu.memory_space<vmem>> -> memref<128xi32, #tpu.memory_space<vmem>>
          %dma_start3A_69 = arith.constant 0 : i32
          %dma_start3A_70 = arith.constant 0 : i32
          %dma_start3A_71 = tpu.memref_slice %arg11[%dma_start3A_69, %dma_start3A_70] : memref<10112x128xf32, #tpu.memory_space<vmem_shared>> -> memref<10112x128xf32, #tpu.memory_space<vmem_shared>>
          tpu.enqueue_indirect_dma source(%arg10 : memref<128x128xf32, #tpu.memory_space<vmem>>) target(%dma_start3A_71 : memref<10112x128xf32, #tpu.memory_space<vmem_shared>>) offsets(%dma_start3A_68 : memref<128xi32, #tpu.memory_space<vmem>>) semaphore(%run_scoped3A : memref<!tpu.dma_semaphore, #tpu.memory_space<semaphore_mem>>) {add = true}
          %dma_wait3A_72 = arith.constant 0 : i32
          %dma_wait3A_73 = tpu.memref_slice %arg8[%add3A_52, %dma_wait3A_72] : memref<40x128xi32, #tpu.memory_space<vmem>> -> memref<1x128xi32, #tpu.memory_space<vmem>>
          %dma_wait3A_74 = tpu.memref_squeeze %dma_wait3A_73 : memref<1x128xi32, #tpu.memory_space<vmem>> -> memref<128xi32, #tpu.memory_space<vmem>>
          %dma_wait3A_75 = arith.constant 0 : i32
          %dma_wait3A_76 = arith.constant 0 : i32
          %dma_wait3A_77 = tpu.memref_slice %arg11[%dma_wait3A_75, %dma_wait3A_76] : memref<10112x128xf32, #tpu.memory_space<vmem_shared>> -> memref<10112x128xf32, #tpu.memory_space<vmem_shared>>
          tpu.wait_indirect_dma semaphore(%run_scoped3A : memref<!tpu.dma_semaphore, #tpu.memory_space<semaphore_mem>>) src(%arg10 : memref<128x128xf32, #tpu.memory_space<vmem>>) dst(%dma_wait3A_77 : memref<10112x128xf32, #tpu.memory_space<vmem_shared>>)
          tpu.yield
        }) : () -> ()
        %add3A_59 = arith.constant 2 : i32
        %add3A_60 = arith.addi %add3A_52, %add3A_59 : i32
        %lt3A_61 = arith.constant 40 : i32
        %lt3A_62 = arith.cmpi slt, %add3A_60, %lt3A_61 : i32
        %convert_element_type3A_63 = arith.extui %lt3A_62 : i1 to i32
        %cond3A_64 = arith.constant 0 : i32
        %cond3A_65 = arith.cmpi ne, %convert_element_type3A_63, %cond3A_64 : i32
        scf.if %cond3A_65 {
          %add3A_66 = arith.constant 2 : i32
          %add3A_67 = arith.addi %add3A_52, %add3A_66 : i32
          %dma_start3A_68 = arith.constant 0 : i32
          %dma_start3A_69 = tpu.memref_slice %arg7[%add3A_67, %dma_start3A_68] : memref<40x128xi32, #tpu.memory_space<vmem>> -> memref<1x128xi32, #tpu.memory_space<vmem>>
          %dma_start3A_70 = tpu.memref_squeeze %dma_start3A_69 : memref<1x128xi32, #tpu.memory_space<vmem>> -> memref<128xi32, #tpu.memory_space<vmem>>
          %dma_start3A_71 = arith.constant 0 : i32
          %dma_start3A_72 = arith.constant 0 : i32
          %dma_start3A_73 = tpu.memref_slice %arg2[%dma_start3A_71, %dma_start3A_72] : memref<20000x128xf32, #tpu.memory_space<hbm>> -> memref<20000x128xf32, #tpu.memory_space<hbm>>
          tpu.enqueue_indirect_dma source(%dma_start3A_73 : memref<20000x128xf32, #tpu.memory_space<hbm>>) target(%arg10 : memref<128x128xf32, #tpu.memory_space<vmem>>) offsets(%dma_start3A_70 : memref<128xi32, #tpu.memory_space<vmem>>) semaphore(%arg13 : memref<!tpu.dma_semaphore, #tpu.memory_space<semaphore_mem>>)
        } else {
        }
      }
      %scan3A_34 = arith.constant 20 : i32
    }
    %scan3A_7 = arith.constant 4 : i32
    %barrier3A_8 = arith.constant 0 : index
    tpu.barrier barrier_id(%barrier3A_8)
    %mul3A_9 = arith.constant 632 : i32
    %mul3A_10 = arith.muli %arg1, %mul3A_9 : i32
    %mul3A_11 = arith.constant 632 : i32
    %mul3A_12 = arith.muli %arg1, %mul3A_11 : i32
    "tpu.region"() ({
      %run_scoped3A = tpu.sem_alloc : memref<!tpu.dma_semaphore, #tpu.memory_space<semaphore_mem>>
      %dma_start3A = arith.constant 0 : i32
      %dma_start3A_13 = tpu.memref_slice %arg6[%arg0, %mul3A_12, %dma_start3A] : memref<2x10112x128xf32, #tpu.memory_space<hbm>> -> memref<1x632x128xf32, #tpu.memory_space<hbm>>
      %dma_start3A_14 = tpu.memref_squeeze %dma_start3A_13 : memref<1x632x128xf32, #tpu.memory_space<hbm>> -> memref<632x128xf32, #tpu.memory_space<hbm>>
      %dma_start3A_15 = arith.constant 0 : i32
      %dma_start3A_16 = tpu.memref_slice %arg11[%mul3A_10, %dma_start3A_15] : memref<10112x128xf32, #tpu.memory_space<vmem_shared>> -> memref<632x128xf32, #tpu.memory_space<vmem_shared>>
      tpu.enqueue_dma source(%dma_start3A_16 : memref<632x128xf32, #tpu.memory_space<vmem_shared>>) target(%dma_start3A_14 : memref<632x128xf32, #tpu.memory_space<hbm>>) target_semaphore(%run_scoped3A : memref<!tpu.dma_semaphore, #tpu.memory_space<semaphore_mem>>)
      %dma_wait3A = arith.constant 0 : i32
      %dma_wait3A_17 = tpu.memref_slice %arg6[%arg0, %mul3A_12, %dma_wait3A] : memref<2x10112x128xf32, #tpu.memory_space<hbm>> -> memref<1x632x128xf32, #tpu.memory_space<hbm>>
      %dma_wait3A_18 = tpu.memref_squeeze %dma_wait3A_17 : memref<1x632x128xf32, #tpu.memory_space<hbm>> -> memref<632x128xf32, #tpu.memory_space<hbm>>
      %dma_wait3A_19 = arith.constant 0 : i32
      %dma_wait3A_20 = tpu.memref_slice %arg11[%mul3A_10, %dma_wait3A_19] : memref<10112x128xf32, #tpu.memory_space<vmem_shared>> -> memref<632x128xf32, #tpu.memory_space<vmem_shared>>
      tpu.wait_dma2 semaphore(%run_scoped3A : memref<!tpu.dma_semaphore, #tpu.memory_space<semaphore_mem>>) src(%dma_wait3A_20 : memref<632x128xf32, #tpu.memory_space<vmem_shared>>) dst(%dma_wait3A_18 : memref<632x128xf32, #tpu.memory_space<hbm>>)
      tpu.yield
    }) : () -> ()
    return
  }
}

#map = affine_map<(d0, d1) -> (0, 0)>
#map1 = affine_map<(d0, d1) -> (0, 0, 0)>
module attributes {stable_mosaic.version = 14 : i64} {
  func.func @segsum(%arg0: i32, %arg1: i32, %arg2: memref<20000x128xf32, #tpu.memory_space<hbm>>, %arg3: memref<2x2560x128xi32, #tpu.memory_space<hbm>>, %arg4: memref<2560x128xi32, #tpu.memory_space<hbm>>, %arg5: memref<632x128xf32, #tpu.memory_space<hbm>>, %arg6: memref<2x10112x128xf32, #tpu.memory_space<hbm>>, %arg7: memref<40x128xi32, #tpu.memory_space<vmem>>, %arg8: memref<40x128xi32, #tpu.memory_space<vmem>>, %arg9: memref<128x128xf32, #tpu.memory_space<vmem>>, %arg10: memref<128x128xf32, #tpu.memory_space<vmem>>, %arg11: memref<10112x128xf32, #tpu.memory_space<vmem_shared>>, %arg12: memref<!tpu.dma_semaphore, #tpu.memory_space<semaphore_mem>>, %arg13: memref<!tpu.dma_semaphore, #tpu.memory_space<semaphore_mem>>) attributes {dimension_semantics = [#tpu.dimension_semantics<core_parallel>, #tpu.dimension_semantics<subcore_parallel>], iteration_bounds = array<i64: 2, 16>, scalar_prefetch = 0 : i64, scratch_operands = 7 : i64, tpu.core_type = #tpu.core_type<sc_vector_subcore>, window_params = [{transform_indices = #map}, {transform_indices = #map1}, {transform_indices = #map}, {transform_indices = #map}, {transform_indices = #map1}]} {
    %mul3A = arith.constant 160 : i32
    %mul3A_0 = arith.muli %arg1, %mul3A : i32
    %mul3A_1 = arith.constant 632 : i32
    %mul3A_2 = arith.muli %arg1, %mul3A_1 : i32
    "tpu.region"() ({
      %run_scoped3A = tpu.sem_alloc : memref<!tpu.dma_semaphore, #tpu.memory_space<semaphore_mem>>
      %dma_start3A = arith.constant 0 : i32
      %dma_start3A_13 = tpu.memref_slice %arg11[%mul3A_2, %dma_start3A] : memref<10112x128xf32, #tpu.memory_space<vmem_shared>> -> memref<632x128xf32, #tpu.memory_space<vmem_shared>>
      tpu.enqueue_dma source(%arg5 : memref<632x128xf32, #tpu.memory_space<hbm>>) target(%dma_start3A_13 : memref<632x128xf32, #tpu.memory_space<vmem_shared>>) target_semaphore(%run_scoped3A : memref<!tpu.dma_semaphore, #tpu.memory_space<semaphore_mem>>)
      %dma_wait3A = arith.constant 0 : i32
      %dma_wait3A_14 = tpu.memref_slice %arg11[%mul3A_2, %dma_wait3A] : memref<10112x128xf32, #tpu.memory_space<vmem_shared>> -> memref<632x128xf32, #tpu.memory_space<vmem_shared>>
      tpu.wait_dma2 semaphore(%run_scoped3A : memref<!tpu.dma_semaphore, #tpu.memory_space<semaphore_mem>>) src(%arg5 : memref<632x128xf32, #tpu.memory_space<hbm>>) dst(%dma_wait3A_14 : memref<632x128xf32, #tpu.memory_space<vmem_shared>>)
      tpu.yield
    }) : () -> ()
    %barrier3A = arith.constant 0 : index
    tpu.barrier barrier_id(%barrier3A)
    %scan3A = arith.constant 0 : i32
    %scan3A_3 = arith.constant 0 : i32
    %scan3A_4 = arith.constant 4 : i32
    %scan3A_5 = arith.addi %scan3A_3, %scan3A_4 : i32
    %scan3A_6 = arith.constant 1 : i32
    scf.for %scan3A_13 = %scan3A_3 to %scan3A_5 step %scan3A_6  : i32 {
      %mul3A_14 = arith.constant 40 : i32
      %mul3A_15 = arith.muli %scan3A_13, %mul3A_14 : i32
      %add3A = arith.addi %mul3A_0, %mul3A_15 : i32
      "tpu.region"() ({
        %run_scoped3A = tpu.sem_alloc : memref<!tpu.dma_semaphore, #tpu.memory_space<semaphore_mem>>
        %dma_start3A_35 = arith.constant 0 : i32
        %dma_start3A_36 = tpu.memref_slice %arg3[%arg0, %add3A, %dma_start3A_35] : memref<2x2560x128xi32, #tpu.memory_space<hbm>> -> memref<1x40x128xi32, #tpu.memory_space<hbm>>
        %dma_start3A_37 = tpu.memref_squeeze %dma_start3A_36 : memref<1x40x128xi32, #tpu.memory_space<hbm>> -> memref<40x128xi32, #tpu.memory_space<hbm>>
        %dma_start3A_38 = arith.constant 0 : i32
        %dma_start3A_39 = tpu.memref_slice %arg3[%arg0, %add3A, %dma_start3A_38] : memref<2x2560x128xi32, #tpu.memory_space<hbm>> -> memref<1x40x128xi32, #tpu.memory_space<hbm>>
        %dma_start3A_40 = tpu.memref_squeeze %dma_start3A_39 : memref<1x40x128xi32, #tpu.memory_space<hbm>> -> memref<40x128xi32, #tpu.memory_space<hbm>>
        tpu.enqueue_dma source(%dma_start3A_40 : memref<40x128xi32, #tpu.memory_space<hbm>>) target(%arg7 : memref<40x128xi32, #tpu.memory_space<vmem>>) target_semaphore(%run_scoped3A : memref<!tpu.dma_semaphore, #tpu.memory_space<semaphore_mem>>)
        %dma_wait3A = arith.constant 0 : i32
        %dma_wait3A_41 = tpu.memref_slice %arg3[%arg0, %add3A, %dma_wait3A] : memref<2x2560x128xi32, #tpu.memory_space<hbm>> -> memref<1x40x128xi32, #tpu.memory_space<hbm>>
        %dma_wait3A_42 = tpu.memref_squeeze %dma_wait3A_41 : memref<1x40x128xi32, #tpu.memory_space<hbm>> -> memref<40x128xi32, #tpu.memory_space<hbm>>
        %dma_wait3A_43 = arith.constant 0 : i32
        %dma_wait3A_44 = tpu.memref_slice %arg3[%arg0, %add3A, %dma_wait3A_43] : memref<2x2560x128xi32, #tpu.memory_space<hbm>> -> memref<1x40x128xi32, #tpu.memory_space<hbm>>
        %dma_wait3A_45 = tpu.memref_squeeze %dma_wait3A_44 : memref<1x40x128xi32, #tpu.memory_space<hbm>> -> memref<40x128xi32, #tpu.memory_space<hbm>>
        tpu.wait_dma2 semaphore(%run_scoped3A : memref<!tpu.dma_semaphore, #tpu.memory_space<semaphore_mem>>) src(%dma_wait3A_45 : memref<40x128xi32, #tpu.memory_space<hbm>>) dst(%arg7 : memref<40x128xi32, #tpu.memory_space<vmem>>)
        tpu.yield
      }) : () -> ()
      "tpu.region"() ({
        %run_scoped3A = tpu.sem_alloc : memref<!tpu.dma_semaphore, #tpu.memory_space<semaphore_mem>>
        %dma_start3A_35 = arith.constant 0 : i32
        %dma_start3A_36 = tpu.memref_slice %arg4[%add3A, %dma_start3A_35] : memref<2560x128xi32, #tpu.memory_space<hbm>> -> memref<40x128xi32, #tpu.memory_space<hbm>>
        %dma_start3A_37 = arith.constant 0 : i32
        %dma_start3A_38 = tpu.memref_slice %arg4[%add3A, %dma_start3A_37] : memref<2560x128xi32, #tpu.memory_space<hbm>> -> memref<40x128xi32, #tpu.memory_space<hbm>>
        tpu.enqueue_dma source(%dma_start3A_38 : memref<40x128xi32, #tpu.memory_space<hbm>>) target(%arg8 : memref<40x128xi32, #tpu.memory_space<vmem>>) target_semaphore(%run_scoped3A : memref<!tpu.dma_semaphore, #tpu.memory_space<semaphore_mem>>)
        %dma_wait3A = arith.constant 0 : i32
        %dma_wait3A_39 = tpu.memref_slice %arg4[%add3A, %dma_wait3A] : memref<2560x128xi32, #tpu.memory_space<hbm>> -> memref<40x128xi32, #tpu.memory_space<hbm>>
        %dma_wait3A_40 = arith.constant 0 : i32
        %dma_wait3A_41 = tpu.memref_slice %arg4[%add3A, %dma_wait3A_40] : memref<2560x128xi32, #tpu.memory_space<hbm>> -> memref<40x128xi32, #tpu.memory_space<hbm>>
        tpu.wait_dma2 semaphore(%run_scoped3A : memref<!tpu.dma_semaphore, #tpu.memory_space<semaphore_mem>>) src(%dma_wait3A_41 : memref<40x128xi32, #tpu.memory_space<hbm>>) dst(%arg8 : memref<40x128xi32, #tpu.memory_space<vmem>>)
        tpu.yield
      }) : () -> ()
      %dma_start3A = arith.constant 0 : i32
      %dma_start3A_16 = arith.constant 0 : i32
      %dma_start3A_17 = tpu.memref_slice %arg7[%dma_start3A, %dma_start3A_16] : memref<40x128xi32, #tpu.memory_space<vmem>> -> memref<1x128xi32, #tpu.memory_space<vmem>>
      %dma_start3A_18 = tpu.memref_squeeze %dma_start3A_17 : memref<1x128xi32, #tpu.memory_space<vmem>> -> memref<128xi32, #tpu.memory_space<vmem>>
      %dma_start3A_19 = arith.constant 0 : i32
      %dma_start3A_20 = arith.constant 0 : i32
      %dma_start3A_21 = tpu.memref_slice %arg2[%dma_start3A_19, %dma_start3A_20] : memref<20000x128xf32, #tpu.memory_space<hbm>> -> memref<20000x128xf32, #tpu.memory_space<hbm>>
      tpu.enqueue_indirect_dma source(%dma_start3A_21 : memref<20000x128xf32, #tpu.memory_space<hbm>>) target(%arg9 : memref<128x128xf32, #tpu.memory_space<vmem>>) offsets(%dma_start3A_18 : memref<128xi32, #tpu.memory_space<vmem>>) semaphore(%arg12 : memref<!tpu.dma_semaphore, #tpu.memory_space<semaphore_mem>>)
      %dma_start3A_22 = arith.constant 1 : i32
      %dma_start3A_23 = arith.constant 0 : i32
      %dma_start3A_24 = tpu.memref_slice %arg7[%dma_start3A_22, %dma_start3A_23] : memref<40x128xi32, #tpu.memory_space<vmem>> -> memref<1x128xi32, #tpu.memory_space<vmem>>
      %dma_start3A_25 = tpu.memref_squeeze %dma_start3A_24 : memref<1x128xi32, #tpu.memory_space<vmem>> -> memref<128xi32, #tpu.memory_space<vmem>>
      %dma_start3A_26 = arith.constant 0 : i32
      %dma_start3A_27 = arith.constant 0 : i32
      %dma_start3A_28 = tpu.memref_slice %arg2[%dma_start3A_26, %dma_start3A_27] : memref<20000x128xf32, #tpu.memory_space<hbm>> -> memref<20000x128xf32, #tpu.memory_space<hbm>>
      tpu.enqueue_indirect_dma source(%dma_start3A_28 : memref<20000x128xf32, #tpu.memory_space<hbm>>) target(%arg10 : memref<128x128xf32, #tpu.memory_space<vmem>>) offsets(%dma_start3A_25 : memref<128xi32, #tpu.memory_space<vmem>>) semaphore(%arg13 : memref<!tpu.dma_semaphore, #tpu.memory_space<semaphore_mem>>)
      %scan3A_29 = arith.constant 0 : i32
      %scan3A_30 = arith.constant 0 : i32
      %scan3A_31 = arith.constant 20 : i32
      %scan3A_32 = arith.addi %scan3A_30, %scan3A_31 : i32
      %scan3A_33 = arith.constant 1 : i32
      scf.for %scan3A_35 = %scan3A_30 to %scan3A_32 step %scan3A_33  : i32 {
        %mul3A_36 = arith.constant 2 : i32
        %mul3A_37 = arith.muli %mul3A_36, %scan3A_35 : i32
        %add3A_38 = arith.constant 0 : i32
        %add3A_39 = arith.addi %mul3A_37, %add3A_38 : i32
        %dma_wait3A = arith.constant 0 : i32
        %dma_wait3A_40 = tpu.memref_slice %arg7[%add3A_39, %dma_wait3A] : memref<40x128xi32, #tpu.memory_space<vmem>> -> memref<1x128xi32, #tpu.memory_space<vmem>>
        %dma_wait3A_41 = tpu.memref_squeeze %dma_wait3A_40 : memref<1x128xi32, #tpu.memory_space<vmem>> -> memref<128xi32, #tpu.memory_space<vmem>>
        %dma_wait3A_42 = arith.constant 0 : i32
        %dma_wait3A_43 = arith.constant 0 : i32
        %dma_wait3A_44 = tpu.memref_slice %arg2[%dma_wait3A_42, %dma_wait3A_43] : memref<20000x128xf32, #tpu.memory_space<hbm>> -> memref<20000x128xf32, #tpu.memory_space<hbm>>
        tpu.wait_indirect_dma semaphore(%arg12 : memref<!tpu.dma_semaphore, #tpu.memory_space<semaphore_mem>>) src(%dma_wait3A_44 : memref<20000x128xf32, #tpu.memory_space<hbm>>) dst(%arg9 : memref<128x128xf32, #tpu.memory_space<vmem>>)
        "tpu.region"() ({
          %run_scoped3A = tpu.sem_alloc : memref<!tpu.dma_semaphore, #tpu.memory_space<semaphore_mem>>
          %dma_start3A_66 = arith.constant 0 : i32
          %dma_start3A_67 = tpu.memref_slice %arg8[%add3A_39, %dma_start3A_66] : memref<40x128xi32, #tpu.memory_space<vmem>> -> memref<1x128xi32, #tpu.memory_space<vmem>>
          %dma_start3A_68 = tpu.memref_squeeze %dma_start3A_67 : memref<1x128xi32, #tpu.memory_space<vmem>> -> memref<128xi32, #tpu.memory_space<vmem>>
          %dma_start3A_69 = arith.constant 0 : i32
          %dma_start3A_70 = arith.constant 0 : i32
          %dma_start3A_71 = tpu.memref_slice %arg11[%dma_start3A_69, %dma_start3A_70] : memref<10112x128xf32, #tpu.memory_space<vmem_shared>> -> memref<10112x128xf32, #tpu.memory_space<vmem_shared>>
          tpu.enqueue_indirect_dma source(%arg9 : memref<128x128xf32, #tpu.memory_space<vmem>>) target(%dma_start3A_71 : memref<10112x128xf32, #tpu.memory_space<vmem_shared>>) offsets(%dma_start3A_68 : memref<128xi32, #tpu.memory_space<vmem>>) semaphore(%run_scoped3A : memref<!tpu.dma_semaphore, #tpu.memory_space<semaphore_mem>>) {add = true}
          %dma_wait3A_72 = arith.constant 0 : i32
          %dma_wait3A_73 = tpu.memref_slice %arg8[%add3A_39, %dma_wait3A_72] : memref<40x128xi32, #tpu.memory_space<vmem>> -> memref<1x128xi32, #tpu.memory_space<vmem>>
          %dma_wait3A_74 = tpu.memref_squeeze %dma_wait3A_73 : memref<1x128xi32, #tpu.memory_space<vmem>> -> memref<128xi32, #tpu.memory_space<vmem>>
          %dma_wait3A_75 = arith.constant 0 : i32
          %dma_wait3A_76 = arith.constant 0 : i32
          %dma_wait3A_77 = tpu.memref_slice %arg11[%dma_wait3A_75, %dma_wait3A_76] : memref<10112x128xf32, #tpu.memory_space<vmem_shared>> -> memref<10112x128xf32, #tpu.memory_space<vmem_shared>>
          tpu.wait_indirect_dma semaphore(%run_scoped3A : memref<!tpu.dma_semaphore, #tpu.memory_space<semaphore_mem>>) src(%arg9 : memref<128x128xf32, #tpu.memory_space<vmem>>) dst(%dma_wait3A_77 : memref<10112x128xf32, #tpu.memory_space<vmem_shared>>)
          tpu.yield
        }) : () -> ()
        %add3A_45 = arith.constant 2 : i32
        %add3A_46 = arith.addi %add3A_39, %add3A_45 : i32
        %lt3A = arith.constant 40 : i32
        %lt3A_47 = arith.cmpi slt, %add3A_46, %lt3A : i32
        %convert_element_type3A = arith.extui %lt3A_47 : i1 to i32
        %cond3A = arith.constant 0 : i32
        %cond3A_48 = arith.cmpi ne, %convert_element_type3A, %cond3A : i32
        scf.if %cond3A_48 {
          %add3A_66 = arith.constant 2 : i32
          %add3A_67 = arith.addi %add3A_39, %add3A_66 : i32
          %dma_start3A_68 = arith.constant 0 : i32
          %dma_start3A_69 = tpu.memref_slice %arg7[%add3A_67, %dma_start3A_68] : memref<40x128xi32, #tpu.memory_space<vmem>> -> memref<1x128xi32, #tpu.memory_space<vmem>>
          %dma_start3A_70 = tpu.memref_squeeze %dma_start3A_69 : memref<1x128xi32, #tpu.memory_space<vmem>> -> memref<128xi32, #tpu.memory_space<vmem>>
          %dma_start3A_71 = arith.constant 0 : i32
          %dma_start3A_72 = arith.constant 0 : i32
          %dma_start3A_73 = tpu.memref_slice %arg2[%dma_start3A_71, %dma_start3A_72] : memref<20000x128xf32, #tpu.memory_space<hbm>> -> memref<20000x128xf32, #tpu.memory_space<hbm>>
          tpu.enqueue_indirect_dma source(%dma_start3A_73 : memref<20000x128xf32, #tpu.memory_space<hbm>>) target(%arg9 : memref<128x128xf32, #tpu.memory_space<vmem>>) offsets(%dma_start3A_70 : memref<128xi32, #tpu.memory_space<vmem>>) semaphore(%arg12 : memref<!tpu.dma_semaphore, #tpu.memory_space<semaphore_mem>>)
        } else {
        }
        %mul3A_49 = arith.constant 2 : i32
        %mul3A_50 = arith.muli %mul3A_49, %scan3A_35 : i32
        %add3A_51 = arith.constant 1 : i32
        %add3A_52 = arith.addi %mul3A_50, %add3A_51 : i32
        %dma_wait3A_53 = arith.constant 0 : i32
        %dma_wait3A_54 = tpu.memref_slice %arg7[%add3A_52, %dma_wait3A_53] : memref<40x128xi32, #tpu.memory_space<vmem>> -> memref<1x128xi32, #tpu.memory_space<vmem>>
        %dma_wait3A_55 = tpu.memref_squeeze %dma_wait3A_54 : memref<1x128xi32, #tpu.memory_space<vmem>> -> memref<128xi32, #tpu.memory_space<vmem>>
        %dma_wait3A_56 = arith.constant 0 : i32
        %dma_wait3A_57 = arith.constant 0 : i32
        %dma_wait3A_58 = tpu.memref_slice %arg2[%dma_wait3A_56, %dma_wait3A_57] : memref<20000x128xf32, #tpu.memory_space<hbm>> -> memref<20000x128xf32, #tpu.memory_space<hbm>>
        tpu.wait_indirect_dma semaphore(%arg13 : memref<!tpu.dma_semaphore, #tpu.memory_space<semaphore_mem>>) src(%dma_wait3A_58 : memref<20000x128xf32, #tpu.memory_space<hbm>>) dst(%arg10 : memref<128x128xf32, #tpu.memory_space<vmem>>)
        "tpu.region"() ({
          %run_scoped3A = tpu.sem_alloc : memref<!tpu.dma_semaphore, #tpu.memory_space<semaphore_mem>>
          %dma_start3A_66 = arith.constant 0 : i32
          %dma_start3A_67 = tpu.memref_slice %arg8[%add3A_52, %dma_start3A_66] : memref<40x128xi32, #tpu.memory_space<vmem>> -> memref<1x128xi32, #tpu.memory_space<vmem>>
          %dma_start3A_68 = tpu.memref_squeeze %dma_start3A_67 : memref<1x128xi32, #tpu.memory_space<vmem>> -> memref<128xi32, #tpu.memory_space<vmem>>
          %dma_start3A_69 = arith.constant 0 : i32
          %dma_start3A_70 = arith.constant 0 : i32
          %dma_start3A_71 = tpu.memref_slice %arg11[%dma_start3A_69, %dma_start3A_70] : memref<10112x128xf32, #tpu.memory_space<vmem_shared>> -> memref<10112x128xf32, #tpu.memory_space<vmem_shared>>
          tpu.enqueue_indirect_dma source(%arg10 : memref<128x128xf32, #tpu.memory_space<vmem>>) target(%dma_start3A_71 : memref<10112x128xf32, #tpu.memory_space<vmem_shared>>) offsets(%dma_start3A_68 : memref<128xi32, #tpu.memory_space<vmem>>) semaphore(%run_scoped3A : memref<!tpu.dma_semaphore, #tpu.memory_space<semaphore_mem>>) {add = true}
          %dma_wait3A_72 = arith.constant 0 : i32
          %dma_wait3A_73 = tpu.memref_slice %arg8[%add3A_52, %dma_wait3A_72] : memref<40x128xi32, #tpu.memory_space<vmem>> -> memref<1x128xi32, #tpu.memory_space<vmem>>
          %dma_wait3A_74 = tpu.memref_squeeze %dma_wait3A_73 : memref<1x128xi32, #tpu.memory_space<vmem>> -> memref<128xi32, #tpu.memory_space<vmem>>
          %dma_wait3A_75 = arith.constant 0 : i32
          %dma_wait3A_76 = arith.constant 0 : i32
          %dma_wait3A_77 = tpu.memref_slice %arg11[%dma_wait3A_75, %dma_wait3A_76] : memref<10112x128xf32, #tpu.memory_space<vmem_shared>> -> memref<10112x128xf32, #tpu.memory_space<vmem_shared>>
          tpu.wait_indirect_dma semaphore(%run_scoped3A : memref<!tpu.dma_semaphore, #tpu.memory_space<semaphore_mem>>) src(%arg10 : memref<128x128xf32, #tpu.memory_space<vmem>>) dst(%dma_wait3A_77 : memref<10112x128xf32, #tpu.memory_space<vmem_shared>>)
          tpu.yield
        }) : () -> ()
        %add3A_59 = arith.constant 2 : i32
        %add3A_60 = arith.addi %add3A_52, %add3A_59 : i32
        %lt3A_61 = arith.constant 40 : i32
        %lt3A_62 = arith.cmpi slt, %add3A_60, %lt3A_61 : i32
        %convert_element_type3A_63 = arith.extui %lt3A_62 : i1 to i32
        %cond3A_64 = arith.constant 0 : i32
        %cond3A_65 = arith.cmpi ne, %convert_element_type3A_63, %cond3A_64 : i32
        scf.if %cond3A_65 {
          %add3A_66 = arith.constant 2 : i32
          %add3A_67 = arith.addi %add3A_52, %add3A_66 : i32
          %dma_start3A_68 = arith.constant 0 : i32
          %dma_start3A_69 = tpu.memref_slice %arg7[%add3A_67, %dma_start3A_68] : memref<40x128xi32, #tpu.memory_space<vmem>> -> memref<1x128xi32, #tpu.memory_space<vmem>>
          %dma_start3A_70 = tpu.memref_squeeze %dma_start3A_69 : memref<1x128xi32, #tpu.memory_space<vmem>> -> memref<128xi32, #tpu.memory_space<vmem>>
          %dma_start3A_71 = arith.constant 0 : i32
          %dma_start3A_72 = arith.constant 0 : i32
          %dma_start3A_73 = tpu.memref_slice %arg2[%dma_start3A_71, %dma_start3A_72] : memref<20000x128xf32, #tpu.memory_space<hbm>> -> memref<20000x128xf32, #tpu.memory_space<hbm>>
          tpu.enqueue_indirect_dma source(%dma_start3A_73 : memref<20000x128xf32, #tpu.memory_space<hbm>>) target(%arg10 : memref<128x128xf32, #tpu.memory_space<vmem>>) offsets(%dma_start3A_70 : memref<128xi32, #tpu.memory_space<vmem>>) semaphore(%arg13 : memref<!tpu.dma_semaphore, #tpu.memory_space<semaphore_mem>>)
        } else {
        }
      }
      %scan3A_34 = arith.constant 20 : i32
    }
    %scan3A_7 = arith.constant 4 : i32
    %barrier3A_8 = arith.constant 0 : index
    tpu.barrier barrier_id(%barrier3A_8)
    %mul3A_9 = arith.constant 632 : i32
    %mul3A_10 = arith.muli %arg1, %mul3A_9 : i32
    %mul3A_11 = arith.constant 632 : i32
    %mul3A_12 = arith.muli %arg1, %mul3A_11 : i32
    "tpu.region"() ({
      %run_scoped3A = tpu.sem_alloc : memref<!tpu.dma_semaphore, #tpu.memory_space<semaphore_mem>>
      %dma_start3A = arith.constant 0 : i32
      %dma_start3A_13 = tpu.memref_slice %arg6[%arg0, %mul3A_12, %dma_start3A] : memref<2x10112x128xf32, #tpu.memory_space<hbm>> -> memref<1x632x128xf32, #tpu.memory_space<hbm>>
      %dma_start3A_14 = tpu.memref_squeeze %dma_start3A_13 : memref<1x632x128xf32, #tpu.memory_space<hbm>> -> memref<632x128xf32, #tpu.memory_space<hbm>>
      %dma_start3A_15 = arith.constant 0 : i32
      %dma_start3A_16 = tpu.memref_slice %arg11[%mul3A_10, %dma_start3A_15] : memref<10112x128xf32, #tpu.memory_space<vmem_shared>> -> memref<632x128xf32, #tpu.memory_space<vmem_shared>>
      tpu.enqueue_dma source(%dma_start3A_16 : memref<632x128xf32, #tpu.memory_space<vmem_shared>>) target(%dma_start3A_14 : memref<632x128xf32, #tpu.memory_space<hbm>>) target_semaphore(%run_scoped3A : memref<!tpu.dma_semaphore, #tpu.memory_space<semaphore_mem>>)
      %dma_wait3A = arith.constant 0 : i32
      %dma_wait3A_17 = tpu.memref_slice %arg6[%arg0, %mul3A_12, %dma_wait3A] : memref<2x10112x128xf32, #tpu.memory_space<hbm>> -> memref<1x632x128xf32, #tpu.memory_space<hbm>>
      %dma_wait3A_18 = tpu.memref_squeeze %dma_wait3A_17 : memref<1x632x128xf32, #tpu.memory_space<hbm>> -> memref<632x128xf32, #tpu.memory_space<hbm>>
      %dma_wait3A_19 = arith.constant 0 : i32
      %dma_wait3A_20 = tpu.memref_slice %arg11[%mul3A_10, %dma_wait3A_19] : memref<10112x128xf32, #tpu.memory_space<vmem_shared>> -> memref<632x128xf32, #tpu.memory_space<vmem_shared>>
      tpu.wait_dma2 semaphore(%run_scoped3A : memref<!tpu.dma_semaphore, #tpu.memory_space<semaphore_mem>>) src(%dma_wait3A_20 : memref<632x128xf32, #tpu.memory_space<vmem_shared>>) dst(%dma_wait3A_18 : memref<632x128xf32, #tpu.memory_space<hbm>>)
      tpu.yield
    }) : () -> ()
    return
  }
}

#map = affine_map<(d0, d1) -> (0, 0)>
#map1 = affine_map<(d0, d1) -> (0, 0, 0)>
module attributes {stable_mosaic.version = 14 : i64} {
  func.func @segsum(%arg0: i32, %arg1: i32, %arg2: memref<20000x128xf32, #tpu.memory_space<hbm>>, %arg3: memref<2x2560x128xi32, #tpu.memory_space<hbm>>, %arg4: memref<2560x128xi32, #tpu.memory_space<hbm>>, %arg5: memref<632x128xf32, #tpu.memory_space<hbm>>, %arg6: memref<2x10112x128xf32, #tpu.memory_space<hbm>>, %arg7: memref<40x128xi32, #tpu.memory_space<vmem>>, %arg8: memref<40x128xi32, #tpu.memory_space<vmem>>, %arg9: memref<128x128xf32, #tpu.memory_space<vmem>>, %arg10: memref<128x128xf32, #tpu.memory_space<vmem>>, %arg11: memref<10112x128xf32, #tpu.memory_space<vmem_shared>>, %arg12: memref<!tpu.dma_semaphore, #tpu.memory_space<semaphore_mem>>, %arg13: memref<!tpu.dma_semaphore, #tpu.memory_space<semaphore_mem>>) attributes {dimension_semantics = [#tpu.dimension_semantics<core_parallel>, #tpu.dimension_semantics<subcore_parallel>], iteration_bounds = array<i64: 2, 16>, scalar_prefetch = 0 : i64, scratch_operands = 7 : i64, tpu.core_type = #tpu.core_type<sc_vector_subcore>, window_params = [{transform_indices = #map}, {transform_indices = #map1}, {transform_indices = #map}, {transform_indices = #map}, {transform_indices = #map1}]} {
    %mul3A = arith.constant 160 : i32
    %mul3A_0 = arith.muli %arg1, %mul3A : i32
    %mul3A_1 = arith.constant 632 : i32
    %mul3A_2 = arith.muli %arg1, %mul3A_1 : i32
    "tpu.region"() ({
      %run_scoped3A = tpu.sem_alloc : memref<!tpu.dma_semaphore, #tpu.memory_space<semaphore_mem>>
      %dma_start3A = arith.constant 0 : i32
      %dma_start3A_13 = tpu.memref_slice %arg11[%mul3A_2, %dma_start3A] : memref<10112x128xf32, #tpu.memory_space<vmem_shared>> -> memref<632x128xf32, #tpu.memory_space<vmem_shared>>
      tpu.enqueue_dma source(%arg5 : memref<632x128xf32, #tpu.memory_space<hbm>>) target(%dma_start3A_13 : memref<632x128xf32, #tpu.memory_space<vmem_shared>>) target_semaphore(%run_scoped3A : memref<!tpu.dma_semaphore, #tpu.memory_space<semaphore_mem>>)
      %dma_wait3A = arith.constant 0 : i32
      %dma_wait3A_14 = tpu.memref_slice %arg11[%mul3A_2, %dma_wait3A] : memref<10112x128xf32, #tpu.memory_space<vmem_shared>> -> memref<632x128xf32, #tpu.memory_space<vmem_shared>>
      tpu.wait_dma2 semaphore(%run_scoped3A : memref<!tpu.dma_semaphore, #tpu.memory_space<semaphore_mem>>) src(%arg5 : memref<632x128xf32, #tpu.memory_space<hbm>>) dst(%dma_wait3A_14 : memref<632x128xf32, #tpu.memory_space<vmem_shared>>)
      tpu.yield
    }) : () -> ()
    %barrier3A = arith.constant 0 : index
    tpu.barrier barrier_id(%barrier3A)
    %scan3A = arith.constant 0 : i32
    %scan3A_3 = arith.constant 0 : i32
    %scan3A_4 = arith.constant 4 : i32
    %scan3A_5 = arith.addi %scan3A_3, %scan3A_4 : i32
    %scan3A_6 = arith.constant 1 : i32
    scf.for %scan3A_13 = %scan3A_3 to %scan3A_5 step %scan3A_6  : i32 {
      %mul3A_14 = arith.constant 40 : i32
      %mul3A_15 = arith.muli %scan3A_13, %mul3A_14 : i32
      %add3A = arith.addi %mul3A_0, %mul3A_15 : i32
      "tpu.region"() ({
        %run_scoped3A = tpu.sem_alloc : memref<!tpu.dma_semaphore, #tpu.memory_space<semaphore_mem>>
        %dma_start3A_35 = arith.constant 0 : i32
        %dma_start3A_36 = tpu.memref_slice %arg3[%arg0, %add3A, %dma_start3A_35] : memref<2x2560x128xi32, #tpu.memory_space<hbm>> -> memref<1x40x128xi32, #tpu.memory_space<hbm>>
        %dma_start3A_37 = tpu.memref_squeeze %dma_start3A_36 : memref<1x40x128xi32, #tpu.memory_space<hbm>> -> memref<40x128xi32, #tpu.memory_space<hbm>>
        %dma_start3A_38 = arith.constant 0 : i32
        %dma_start3A_39 = tpu.memref_slice %arg3[%arg0, %add3A, %dma_start3A_38] : memref<2x2560x128xi32, #tpu.memory_space<hbm>> -> memref<1x40x128xi32, #tpu.memory_space<hbm>>
        %dma_start3A_40 = tpu.memref_squeeze %dma_start3A_39 : memref<1x40x128xi32, #tpu.memory_space<hbm>> -> memref<40x128xi32, #tpu.memory_space<hbm>>
        tpu.enqueue_dma source(%dma_start3A_40 : memref<40x128xi32, #tpu.memory_space<hbm>>) target(%arg7 : memref<40x128xi32, #tpu.memory_space<vmem>>) target_semaphore(%run_scoped3A : memref<!tpu.dma_semaphore, #tpu.memory_space<semaphore_mem>>)
        %dma_wait3A = arith.constant 0 : i32
        %dma_wait3A_41 = tpu.memref_slice %arg3[%arg0, %add3A, %dma_wait3A] : memref<2x2560x128xi32, #tpu.memory_space<hbm>> -> memref<1x40x128xi32, #tpu.memory_space<hbm>>
        %dma_wait3A_42 = tpu.memref_squeeze %dma_wait3A_41 : memref<1x40x128xi32, #tpu.memory_space<hbm>> -> memref<40x128xi32, #tpu.memory_space<hbm>>
        %dma_wait3A_43 = arith.constant 0 : i32
        %dma_wait3A_44 = tpu.memref_slice %arg3[%arg0, %add3A, %dma_wait3A_43] : memref<2x2560x128xi32, #tpu.memory_space<hbm>> -> memref<1x40x128xi32, #tpu.memory_space<hbm>>
        %dma_wait3A_45 = tpu.memref_squeeze %dma_wait3A_44 : memref<1x40x128xi32, #tpu.memory_space<hbm>> -> memref<40x128xi32, #tpu.memory_space<hbm>>
        tpu.wait_dma2 semaphore(%run_scoped3A : memref<!tpu.dma_semaphore, #tpu.memory_space<semaphore_mem>>) src(%dma_wait3A_45 : memref<40x128xi32, #tpu.memory_space<hbm>>) dst(%arg7 : memref<40x128xi32, #tpu.memory_space<vmem>>)
        tpu.yield
      }) : () -> ()
      "tpu.region"() ({
        %run_scoped3A = tpu.sem_alloc : memref<!tpu.dma_semaphore, #tpu.memory_space<semaphore_mem>>
        %dma_start3A_35 = arith.constant 0 : i32
        %dma_start3A_36 = tpu.memref_slice %arg4[%add3A, %dma_start3A_35] : memref<2560x128xi32, #tpu.memory_space<hbm>> -> memref<40x128xi32, #tpu.memory_space<hbm>>
        %dma_start3A_37 = arith.constant 0 : i32
        %dma_start3A_38 = tpu.memref_slice %arg4[%add3A, %dma_start3A_37] : memref<2560x128xi32, #tpu.memory_space<hbm>> -> memref<40x128xi32, #tpu.memory_space<hbm>>
        tpu.enqueue_dma source(%dma_start3A_38 : memref<40x128xi32, #tpu.memory_space<hbm>>) target(%arg8 : memref<40x128xi32, #tpu.memory_space<vmem>>) target_semaphore(%run_scoped3A : memref<!tpu.dma_semaphore, #tpu.memory_space<semaphore_mem>>)
        %dma_wait3A = arith.constant 0 : i32
        %dma_wait3A_39 = tpu.memref_slice %arg4[%add3A, %dma_wait3A] : memref<2560x128xi32, #tpu.memory_space<hbm>> -> memref<40x128xi32, #tpu.memory_space<hbm>>
        %dma_wait3A_40 = arith.constant 0 : i32
        %dma_wait3A_41 = tpu.memref_slice %arg4[%add3A, %dma_wait3A_40] : memref<2560x128xi32, #tpu.memory_space<hbm>> -> memref<40x128xi32, #tpu.memory_space<hbm>>
        tpu.wait_dma2 semaphore(%run_scoped3A : memref<!tpu.dma_semaphore, #tpu.memory_space<semaphore_mem>>) src(%dma_wait3A_41 : memref<40x128xi32, #tpu.memory_space<hbm>>) dst(%arg8 : memref<40x128xi32, #tpu.memory_space<vmem>>)
        tpu.yield
      }) : () -> ()
      %dma_start3A = arith.constant 0 : i32
      %dma_start3A_16 = arith.constant 0 : i32
      %dma_start3A_17 = tpu.memref_slice %arg7[%dma_start3A, %dma_start3A_16] : memref<40x128xi32, #tpu.memory_space<vmem>> -> memref<1x128xi32, #tpu.memory_space<vmem>>
      %dma_start3A_18 = tpu.memref_squeeze %dma_start3A_17 : memref<1x128xi32, #tpu.memory_space<vmem>> -> memref<128xi32, #tpu.memory_space<vmem>>
      %dma_start3A_19 = arith.constant 0 : i32
      %dma_start3A_20 = arith.constant 0 : i32
      %dma_start3A_21 = tpu.memref_slice %arg2[%dma_start3A_19, %dma_start3A_20] : memref<20000x128xf32, #tpu.memory_space<hbm>> -> memref<20000x128xf32, #tpu.memory_space<hbm>>
      tpu.enqueue_indirect_dma source(%dma_start3A_21 : memref<20000x128xf32, #tpu.memory_space<hbm>>) target(%arg9 : memref<128x128xf32, #tpu.memory_space<vmem>>) offsets(%dma_start3A_18 : memref<128xi32, #tpu.memory_space<vmem>>) semaphore(%arg12 : memref<!tpu.dma_semaphore, #tpu.memory_space<semaphore_mem>>)
      %dma_start3A_22 = arith.constant 1 : i32
      %dma_start3A_23 = arith.constant 0 : i32
      %dma_start3A_24 = tpu.memref_slice %arg7[%dma_start3A_22, %dma_start3A_23] : memref<40x128xi32, #tpu.memory_space<vmem>> -> memref<1x128xi32, #tpu.memory_space<vmem>>
      %dma_start3A_25 = tpu.memref_squeeze %dma_start3A_24 : memref<1x128xi32, #tpu.memory_space<vmem>> -> memref<128xi32, #tpu.memory_space<vmem>>
      %dma_start3A_26 = arith.constant 0 : i32
      %dma_start3A_27 = arith.constant 0 : i32
      %dma_start3A_28 = tpu.memref_slice %arg2[%dma_start3A_26, %dma_start3A_27] : memref<20000x128xf32, #tpu.memory_space<hbm>> -> memref<20000x128xf32, #tpu.memory_space<hbm>>
      tpu.enqueue_indirect_dma source(%dma_start3A_28 : memref<20000x128xf32, #tpu.memory_space<hbm>>) target(%arg10 : memref<128x128xf32, #tpu.memory_space<vmem>>) offsets(%dma_start3A_25 : memref<128xi32, #tpu.memory_space<vmem>>) semaphore(%arg13 : memref<!tpu.dma_semaphore, #tpu.memory_space<semaphore_mem>>)
      %scan3A_29 = arith.constant 0 : i32
      %scan3A_30 = arith.constant 0 : i32
      %scan3A_31 = arith.constant 20 : i32
      %scan3A_32 = arith.addi %scan3A_30, %scan3A_31 : i32
      %scan3A_33 = arith.constant 1 : i32
      scf.for %scan3A_35 = %scan3A_30 to %scan3A_32 step %scan3A_33  : i32 {
        %mul3A_36 = arith.constant 2 : i32
        %mul3A_37 = arith.muli %mul3A_36, %scan3A_35 : i32
        %add3A_38 = arith.constant 0 : i32
        %add3A_39 = arith.addi %mul3A_37, %add3A_38 : i32
        %dma_wait3A = arith.constant 0 : i32
        %dma_wait3A_40 = tpu.memref_slice %arg7[%add3A_39, %dma_wait3A] : memref<40x128xi32, #tpu.memory_space<vmem>> -> memref<1x128xi32, #tpu.memory_space<vmem>>
        %dma_wait3A_41 = tpu.memref_squeeze %dma_wait3A_40 : memref<1x128xi32, #tpu.memory_space<vmem>> -> memref<128xi32, #tpu.memory_space<vmem>>
        %dma_wait3A_42 = arith.constant 0 : i32
        %dma_wait3A_43 = arith.constant 0 : i32
        %dma_wait3A_44 = tpu.memref_slice %arg2[%dma_wait3A_42, %dma_wait3A_43] : memref<20000x128xf32, #tpu.memory_space<hbm>> -> memref<20000x128xf32, #tpu.memory_space<hbm>>
        tpu.wait_indirect_dma semaphore(%arg12 : memref<!tpu.dma_semaphore, #tpu.memory_space<semaphore_mem>>) src(%dma_wait3A_44 : memref<20000x128xf32, #tpu.memory_space<hbm>>) dst(%arg9 : memref<128x128xf32, #tpu.memory_space<vmem>>)
        "tpu.region"() ({
          %run_scoped3A = tpu.sem_alloc : memref<!tpu.dma_semaphore, #tpu.memory_space<semaphore_mem>>
          %dma_start3A_66 = arith.constant 0 : i32
          %dma_start3A_67 = tpu.memref_slice %arg8[%add3A_39, %dma_start3A_66] : memref<40x128xi32, #tpu.memory_space<vmem>> -> memref<1x128xi32, #tpu.memory_space<vmem>>
          %dma_start3A_68 = tpu.memref_squeeze %dma_start3A_67 : memref<1x128xi32, #tpu.memory_space<vmem>> -> memref<128xi32, #tpu.memory_space<vmem>>
          %dma_start3A_69 = arith.constant 0 : i32
          %dma_start3A_70 = arith.constant 0 : i32
          %dma_start3A_71 = tpu.memref_slice %arg11[%dma_start3A_69, %dma_start3A_70] : memref<10112x128xf32, #tpu.memory_space<vmem_shared>> -> memref<10112x128xf32, #tpu.memory_space<vmem_shared>>
          tpu.enqueue_indirect_dma source(%arg9 : memref<128x128xf32, #tpu.memory_space<vmem>>) target(%dma_start3A_71 : memref<10112x128xf32, #tpu.memory_space<vmem_shared>>) offsets(%dma_start3A_68 : memref<128xi32, #tpu.memory_space<vmem>>) semaphore(%run_scoped3A : memref<!tpu.dma_semaphore, #tpu.memory_space<semaphore_mem>>) {add = true}
          %dma_wait3A_72 = arith.constant 0 : i32
          %dma_wait3A_73 = tpu.memref_slice %arg8[%add3A_39, %dma_wait3A_72] : memref<40x128xi32, #tpu.memory_space<vmem>> -> memref<1x128xi32, #tpu.memory_space<vmem>>
          %dma_wait3A_74 = tpu.memref_squeeze %dma_wait3A_73 : memref<1x128xi32, #tpu.memory_space<vmem>> -> memref<128xi32, #tpu.memory_space<vmem>>
          %dma_wait3A_75 = arith.constant 0 : i32
          %dma_wait3A_76 = arith.constant 0 : i32
          %dma_wait3A_77 = tpu.memref_slice %arg11[%dma_wait3A_75, %dma_wait3A_76] : memref<10112x128xf32, #tpu.memory_space<vmem_shared>> -> memref<10112x128xf32, #tpu.memory_space<vmem_shared>>
          tpu.wait_indirect_dma semaphore(%run_scoped3A : memref<!tpu.dma_semaphore, #tpu.memory_space<semaphore_mem>>) src(%arg9 : memref<128x128xf32, #tpu.memory_space<vmem>>) dst(%dma_wait3A_77 : memref<10112x128xf32, #tpu.memory_space<vmem_shared>>)
          tpu.yield
        }) : () -> ()
        %add3A_45 = arith.constant 2 : i32
        %add3A_46 = arith.addi %add3A_39, %add3A_45 : i32
        %lt3A = arith.constant 40 : i32
        %lt3A_47 = arith.cmpi slt, %add3A_46, %lt3A : i32
        %convert_element_type3A = arith.extui %lt3A_47 : i1 to i32
        %cond3A = arith.constant 0 : i32
        %cond3A_48 = arith.cmpi ne, %convert_element_type3A, %cond3A : i32
        scf.if %cond3A_48 {
          %add3A_66 = arith.constant 2 : i32
          %add3A_67 = arith.addi %add3A_39, %add3A_66 : i32
          %dma_start3A_68 = arith.constant 0 : i32
          %dma_start3A_69 = tpu.memref_slice %arg7[%add3A_67, %dma_start3A_68] : memref<40x128xi32, #tpu.memory_space<vmem>> -> memref<1x128xi32, #tpu.memory_space<vmem>>
          %dma_start3A_70 = tpu.memref_squeeze %dma_start3A_69 : memref<1x128xi32, #tpu.memory_space<vmem>> -> memref<128xi32, #tpu.memory_space<vmem>>
          %dma_start3A_71 = arith.constant 0 : i32
          %dma_start3A_72 = arith.constant 0 : i32
          %dma_start3A_73 = tpu.memref_slice %arg2[%dma_start3A_71, %dma_start3A_72] : memref<20000x128xf32, #tpu.memory_space<hbm>> -> memref<20000x128xf32, #tpu.memory_space<hbm>>
          tpu.enqueue_indirect_dma source(%dma_start3A_73 : memref<20000x128xf32, #tpu.memory_space<hbm>>) target(%arg9 : memref<128x128xf32, #tpu.memory_space<vmem>>) offsets(%dma_start3A_70 : memref<128xi32, #tpu.memory_space<vmem>>) semaphore(%arg12 : memref<!tpu.dma_semaphore, #tpu.memory_space<semaphore_mem>>)
        } else {
        }
        %mul3A_49 = arith.constant 2 : i32
        %mul3A_50 = arith.muli %mul3A_49, %scan3A_35 : i32
        %add3A_51 = arith.constant 1 : i32
        %add3A_52 = arith.addi %mul3A_50, %add3A_51 : i32
        %dma_wait3A_53 = arith.constant 0 : i32
        %dma_wait3A_54 = tpu.memref_slice %arg7[%add3A_52, %dma_wait3A_53] : memref<40x128xi32, #tpu.memory_space<vmem>> -> memref<1x128xi32, #tpu.memory_space<vmem>>
        %dma_wait3A_55 = tpu.memref_squeeze %dma_wait3A_54 : memref<1x128xi32, #tpu.memory_space<vmem>> -> memref<128xi32, #tpu.memory_space<vmem>>
        %dma_wait3A_56 = arith.constant 0 : i32
        %dma_wait3A_57 = arith.constant 0 : i32
        %dma_wait3A_58 = tpu.memref_slice %arg2[%dma_wait3A_56, %dma_wait3A_57] : memref<20000x128xf32, #tpu.memory_space<hbm>> -> memref<20000x128xf32, #tpu.memory_space<hbm>>
        tpu.wait_indirect_dma semaphore(%arg13 : memref<!tpu.dma_semaphore, #tpu.memory_space<semaphore_mem>>) src(%dma_wait3A_58 : memref<20000x128xf32, #tpu.memory_space<hbm>>) dst(%arg10 : memref<128x128xf32, #tpu.memory_space<vmem>>)
        "tpu.region"() ({
          %run_scoped3A = tpu.sem_alloc : memref<!tpu.dma_semaphore, #tpu.memory_space<semaphore_mem>>
          %dma_start3A_66 = arith.constant 0 : i32
          %dma_start3A_67 = tpu.memref_slice %arg8[%add3A_52, %dma_start3A_66] : memref<40x128xi32, #tpu.memory_space<vmem>> -> memref<1x128xi32, #tpu.memory_space<vmem>>
          %dma_start3A_68 = tpu.memref_squeeze %dma_start3A_67 : memref<1x128xi32, #tpu.memory_space<vmem>> -> memref<128xi32, #tpu.memory_space<vmem>>
          %dma_start3A_69 = arith.constant 0 : i32
          %dma_start3A_70 = arith.constant 0 : i32
          %dma_start3A_71 = tpu.memref_slice %arg11[%dma_start3A_69, %dma_start3A_70] : memref<10112x128xf32, #tpu.memory_space<vmem_shared>> -> memref<10112x128xf32, #tpu.memory_space<vmem_shared>>
          tpu.enqueue_indirect_dma source(%arg10 : memref<128x128xf32, #tpu.memory_space<vmem>>) target(%dma_start3A_71 : memref<10112x128xf32, #tpu.memory_space<vmem_shared>>) offsets(%dma_start3A_68 : memref<128xi32, #tpu.memory_space<vmem>>) semaphore(%run_scoped3A : memref<!tpu.dma_semaphore, #tpu.memory_space<semaphore_mem>>) {add = true}
          %dma_wait3A_72 = arith.constant 0 : i32
          %dma_wait3A_73 = tpu.memref_slice %arg8[%add3A_52, %dma_wait3A_72] : memref<40x128xi32, #tpu.memory_space<vmem>> -> memref<1x128xi32, #tpu.memory_space<vmem>>
          %dma_wait3A_74 = tpu.memref_squeeze %dma_wait3A_73 : memref<1x128xi32, #tpu.memory_space<vmem>> -> memref<128xi32, #tpu.memory_space<vmem>>
          %dma_wait3A_75 = arith.constant 0 : i32
          %dma_wait3A_76 = arith.constant 0 : i32
          %dma_wait3A_77 = tpu.memref_slice %arg11[%dma_wait3A_75, %dma_wait3A_76] : memref<10112x128xf32, #tpu.memory_space<vmem_shared>> -> memref<10112x128xf32, #tpu.memory_space<vmem_shared>>
          tpu.wait_indirect_dma semaphore(%run_scoped3A : memref<!tpu.dma_semaphore, #tpu.memory_space<semaphore_mem>>) src(%arg10 : memref<128x128xf32, #tpu.memory_space<vmem>>) dst(%dma_wait3A_77 : memref<10112x128xf32, #tpu.memory_space<vmem_shared>>)
          tpu.yield
        }) : () -> ()
        %add3A_59 = arith.constant 2 : i32
        %add3A_60 = arith.addi %add3A_52, %add3A_59 : i32
        %lt3A_61 = arith.constant 40 : i32
        %lt3A_62 = arith.cmpi slt, %add3A_60, %lt3A_61 : i32
        %convert_element_type3A_63 = arith.extui %lt3A_62 : i1 to i32
        %cond3A_64 = arith.constant 0 : i32
        %cond3A_65 = arith.cmpi ne, %convert_element_type3A_63, %cond3A_64 : i32
        scf.if %cond3A_65 {
          %add3A_66 = arith.constant 2 : i32
          %add3A_67 = arith.addi %add3A_52, %add3A_66 : i32
          %dma_start3A_68 = arith.constant 0 : i32
          %dma_start3A_69 = tpu.memref_slice %arg7[%add3A_67, %dma_start3A_68] : memref<40x128xi32, #tpu.memory_space<vmem>> -> memref<1x128xi32, #tpu.memory_space<vmem>>
          %dma_start3A_70 = tpu.memref_squeeze %dma_start3A_69 : memref<1x128xi32, #tpu.memory_space<vmem>> -> memref<128xi32, #tpu.memory_space<vmem>>
          %dma_start3A_71 = arith.constant 0 : i32
          %dma_start3A_72 = arith.constant 0 : i32
          %dma_start3A_73 = tpu.memref_slice %arg2[%dma_start3A_71, %dma_start3A_72] : memref<20000x128xf32, #tpu.memory_space<hbm>> -> memref<20000x128xf32, #tpu.memory_space<hbm>>
          tpu.enqueue_indirect_dma source(%dma_start3A_73 : memref<20000x128xf32, #tpu.memory_space<hbm>>) target(%arg10 : memref<128x128xf32, #tpu.memory_space<vmem>>) offsets(%dma_start3A_70 : memref<128xi32, #tpu.memory_space<vmem>>) semaphore(%arg13 : memref<!tpu.dma_semaphore, #tpu.memory_space<semaphore_mem>>)
        } else {
        }
      }
      %scan3A_34 = arith.constant 20 : i32
    }
    %scan3A_7 = arith.constant 4 : i32
    %barrier3A_8 = arith.constant 0 : index
    tpu.barrier barrier_id(%barrier3A_8)
    %mul3A_9 = arith.constant 632 : i32
    %mul3A_10 = arith.muli %arg1, %mul3A_9 : i32
    %mul3A_11 = arith.constant 632 : i32
    %mul3A_12 = arith.muli %arg1, %mul3A_11 : i32
    "tpu.region"() ({
      %run_scoped3A = tpu.sem_alloc : memref<!tpu.dma_semaphore, #tpu.memory_space<semaphore_mem>>
      %dma_start3A = arith.constant 0 : i32
      %dma_start3A_13 = tpu.memref_slice %arg6[%arg0, %mul3A_12, %dma_start3A] : memref<2x10112x128xf32, #tpu.memory_space<hbm>> -> memref<1x632x128xf32, #tpu.memory_space<hbm>>
      %dma_start3A_14 = tpu.memref_squeeze %dma_start3A_13 : memref<1x632x128xf32, #tpu.memory_space<hbm>> -> memref<632x128xf32, #tpu.memory_space<hbm>>
      %dma_start3A_15 = arith.constant 0 : i32
      %dma_start3A_16 = tpu.memref_slice %arg11[%mul3A_10, %dma_start3A_15] : memref<10112x128xf32, #tpu.memory_space<vmem_shared>> -> memref<632x128xf32, #tpu.memory_space<vmem_shared>>
      tpu.enqueue_dma source(%dma_start3A_16 : memref<632x128xf32, #tpu.memory_space<vmem_shared>>) target(%dma_start3A_14 : memref<632x128xf32, #tpu.memory_space<hbm>>) target_semaphore(%run_scoped3A : memref<!tpu.dma_semaphore, #tpu.memory_space<semaphore_mem>>)
      %dma_wait3A = arith.constant 0 : i32
      %dma_wait3A_17 = tpu.memref_slice %arg6[%arg0, %mul3A_12, %dma_wait3A] : memref<2x10112x128xf32, #tpu.memory_space<hbm>> -> memref<1x632x128xf32, #tpu.memory_space<hbm>>
      %dma_wait3A_18 = tpu.memref_squeeze %dma_wait3A_17 : memref<1x632x128xf32, #tpu.memory_space<hbm>> -> memref<632x128xf32, #tpu.memory_space<hbm>>
      %dma_wait3A_19 = arith.constant 0 : i32
      %dma_wait3A_20 = tpu.memref_slice %arg11[%mul3A_10, %dma_wait3A_19] : memref<10112x128xf32, #tpu.memory_space<vmem_shared>> -> memref<632x128xf32, #tpu.memory_space<vmem_shared>>
      tpu.wait_dma2 semaphore(%run_scoped3A : memref<!tpu.dma_semaphore, #tpu.memory_space<semaphore_mem>>) src(%dma_wait3A_20 : memref<632x128xf32, #tpu.memory_space<vmem_shared>>) dst(%dma_wait3A_18 : memref<632x128xf32, #tpu.memory_space<hbm>>)
      tpu.yield
    }) : () -> ()
    return
  }
}

module attributes {stable_mosaic.version = 14 : i64} {
  func.func @body(%arg0: i32, %arg1: memref<2000x128xf32, #tpu.memory_space<vmem>>, %arg2: memref<2x2000x128xf32, #tpu.memory_space<vmem>>, %arg3: memref<128x256xf32, #tpu.memory_space<vmem>>, %arg4: memref<1x256xf32, #tpu.memory_space<vmem>>, %arg5: memref<256x256xf32, #tpu.memory_space<vmem>>, %arg6: memref<1x256xf32, #tpu.memory_space<vmem>>, %arg7: memref<1x1xf32, #tpu.memory_space<vmem>>, %arg8: memref<1x256xf32, #tpu.memory_space<vmem>>, %arg9: memref<1x256xf32, #tpu.memory_space<vmem>>, %arg10: memref<2x2000x128xf32, #tpu.memory_space<vmem>>) attributes {dimension_semantics = [#tpu.dimension_semantics<arbitrary>], iteration_bounds = array<i64: 5>, scalar_prefetch = 0 : i64, scratch_operands = 0 : i64, tpu.core_type = #tpu.core_type<tc>, window_params = [{transform_indices = @transform_0, window_bounds = array<i64: 2000, 128>}, {transform_indices = @transform_1, window_bounds = array<i64: 2, 2000, 128>}, {pipeline_mode = #tpu.pipeline_mode<synchronous>, transform_indices = @transform_2, window_bounds = array<i64: 128, 256>}, {pipeline_mode = #tpu.pipeline_mode<synchronous>, transform_indices = @transform_3, window_bounds = array<i64: 1, 256>}, {pipeline_mode = #tpu.pipeline_mode<synchronous>, transform_indices = @transform_4, window_bounds = array<i64: 256, 256>}, {pipeline_mode = #tpu.pipeline_mode<synchronous>, transform_indices = @transform_5, window_bounds = array<i64: 1, 256>}, {pipeline_mode = #tpu.pipeline_mode<synchronous>, transform_indices = @transform_6, window_bounds = array<i64: 1, 1>}, {pipeline_mode = #tpu.pipeline_mode<synchronous>, transform_indices = @transform_7, window_bounds = array<i64: 1, 256>}, {pipeline_mode = #tpu.pipeline_mode<synchronous>, transform_indices = @transform_8, window_bounds = array<i64: 1, 256>}, {transform_indices = @transform_9, window_bounds = array<i64: 2, 2000, 128>}]} {
    %get3A = arith.constant 0 : index
    %get3A_0 = arith.constant 0 : index
    %get3A_1 = vector.load %arg1[%get3A, %get3A_0] : memref<2000x128xf32, #tpu.memory_space<vmem>>, vector<2000x128xf32>
    %get3A_2 = arith.constant 0 : index
    %get3A_3 = arith.constant 0 : index
    %get3A_4 = arith.constant 0 : index
    %get3A_5 = vector.load %arg2[%get3A_2, %get3A_3, %get3A_4] : memref<2x2000x128xf32, #tpu.memory_space<vmem>>, vector<1x2000x128xf32>
    %get3A_6 = vector.shape_cast %get3A_5 : vector<1x2000x128xf32> to vector<2000x128xf32>
    %get3A_7 = arith.constant 1 : index
    %get3A_8 = arith.constant 0 : index
    %get3A_9 = arith.constant 0 : index
    %get3A_10 = vector.load %arg2[%get3A_7, %get3A_8, %get3A_9] : memref<2x2000x128xf32, #tpu.memory_space<vmem>>, vector<1x2000x128xf32>
    %get3A_11 = vector.shape_cast %get3A_10 : vector<1x2000x128xf32> to vector<2000x128xf32>
    %add3A = arith.addf %get3A_6, %get3A_11 : vector<2000x128xf32>
    %get3A_12 = arith.constant 0 : index
    %get3A_13 = arith.constant 0 : index
    %get3A_14 = vector.load %arg7[%get3A_12, %get3A_13] : memref<1x1xf32, #tpu.memory_space<vmem>>, vector<1x1xf32>
    %get3A_15 = vector.extract %get3A_14[0, 0] : f32 from vector<1x1xf32>
    %mul3A = vector.broadcast %get3A_15 : f32 to vector<2000x128xf32>
    %mul3A_16 = arith.mulf %mul3A, %get3A_1 : vector<2000x128xf32>
    %add3A_17 = arith.addf %mul3A_16, %add3A : vector<2000x128xf32>
    %get3A_18 = arith.constant 0 : index
    %get3A_19 = arith.constant 0 : index
    %get3A_20 = vector.load %arg3[%get3A_18, %get3A_19] : memref<128x256xf32, #tpu.memory_space<vmem>>, vector<128x256xf32>
    %dot_general3A = arith.constant dense<0.000000e+00> : vector<2000x256xf32>
    %dot_general3A_21 = tpu.matmul %add3A_17, %get3A_20, %dot_general3A {dimension_numbers = #tpu.dot_dimension_numbers<[1], [0], [0], [1], [0, 0, 1, 1], [], []>, transpose_lhs_hint = false} : vector<2000x128xf32>, vector<128x256xf32>, vector<2000x256xf32> -> vector<2000x256xf32>
    %get3A_22 = arith.constant 0 : index
    %get3A_23 = arith.constant 0 : index
    %get3A_24 = vector.load %arg4[%get3A_22, %get3A_23] : memref<1x256xf32, #tpu.memory_space<vmem>>, vector<1x256xf32>
    %add3A_25 = vector.broadcast %get3A_24 : vector<1x256xf32> to vector<2000x256xf32>
    %add3A_26 = arith.addf %dot_general3A_21, %add3A_25 : vector<2000x256xf32>
    %max3A = arith.constant 0.000000e+00 : f32
    %max3A_27 = vector.broadcast %max3A : f32 to vector<2000x256xf32>
    %max3A_28 = arith.maximumf %add3A_26, %max3A_27 : vector<2000x256xf32>
    %get3A_29 = arith.constant 0 : index
    %get3A_30 = arith.constant 0 : index
    %get3A_31 = vector.load %arg5[%get3A_29, %get3A_30] : memref<256x256xf32, #tpu.memory_space<vmem>>, vector<256x256xf32>
    %dot_general3A_32 = arith.constant dense<0.000000e+00> : vector<2000x256xf32>
    %dot_general3A_33 = tpu.matmul %max3A_28, %get3A_31, %dot_general3A_32 {dimension_numbers = #tpu.dot_dimension_numbers<[1], [0], [0], [1], [0, 0, 1, 1], [], []>, transpose_lhs_hint = false} : vector<2000x256xf32>, vector<256x256xf32>, vector<2000x256xf32> -> vector<2000x256xf32>
    %get3A_34 = arith.constant 0 : index
    %get3A_35 = arith.constant 0 : index
    %get3A_36 = vector.load %arg6[%get3A_34, %get3A_35] : memref<1x256xf32, #tpu.memory_space<vmem>>, vector<1x256xf32>
    %add3A_37 = vector.broadcast %get3A_36 : vector<1x256xf32> to vector<2000x256xf32>
    %add3A_38 = arith.addf %dot_general3A_33, %add3A_37 : vector<2000x256xf32>
    %get3A_39 = arith.constant 0 : index
    %get3A_40 = arith.constant 0 : index
    %get3A_41 = vector.load %arg8[%get3A_39, %get3A_40] : memref<1x256xf32, #tpu.memory_space<vmem>>, vector<1x256xf32>
    %mul3A_42 = vector.broadcast %get3A_41 : vector<1x256xf32> to vector<2000x256xf32>
    %mul3A_43 = arith.mulf %add3A_38, %mul3A_42 : vector<2000x256xf32>
    %get3A_44 = arith.constant 0 : index
    %get3A_45 = arith.constant 0 : index
    %get3A_46 = vector.load %arg9[%get3A_44, %get3A_45] : memref<1x256xf32, #tpu.memory_space<vmem>>, vector<1x256xf32>
    %add3A_47 = vector.broadcast %get3A_46 : vector<1x256xf32> to vector<2000x256xf32>
    %add3A_48 = arith.addf %mul3A_43, %add3A_47 : vector<2000x256xf32>
    %max3A_49 = arith.constant 0.000000e+00 : f32
    %max3A_50 = vector.broadcast %max3A_49 : f32 to vector<2000x256xf32>
    %max3A_51 = arith.maximumf %add3A_48, %max3A_50 : vector<2000x256xf32>
    %slice3A = vector.extract_strided_slice %max3A_51 {offsets = [0, 0], sizes = [2000, 128], strides = [1, 1]} : vector<2000x256xf32> to vector<2000x128xf32>
    %swap3A = arith.constant 0 : index
    %swap3A_52 = arith.constant 0 : index
    %swap3A_53 = arith.constant 0 : index
    %swap3A_54 = vector.load %arg10[%swap3A, %swap3A_52, %swap3A_53] : memref<2x2000x128xf32, #tpu.memory_space<vmem>>, vector<1x2000x128xf32>
    %swap3A_55 = vector.shape_cast %swap3A_54 : vector<1x2000x128xf32> to vector<2000x128xf32>
    %swap3A_56 = vector.shape_cast %slice3A : vector<2000x128xf32> to vector<1x2000x128xf32>
    tpu.vector_store %arg10[%swap3A, %swap3A_52, %swap3A_53], %swap3A_56 {strides = array<i32>} : memref<2x2000x128xf32, #tpu.memory_space<vmem>>, vector<1x2000x128xf32>,
    %slice3A_57 = vector.extract_strided_slice %max3A_51 {offsets = [0, 128], sizes = [2000, 128], strides = [1, 1]} : vector<2000x256xf32> to vector<2000x128xf32>
    %swap3A_58 = arith.constant 1 : index
    %swap3A_59 = arith.constant 0 : index
    %swap3A_60 = arith.constant 0 : index
    %swap3A_61 = vector.load %arg10[%swap3A_58, %swap3A_59, %swap3A_60] : memref<2x2000x128xf32, #tpu.memory_space<vmem>>, vector<1x2000x128xf32>
    %swap3A_62 = vector.shape_cast %swap3A_61 : vector<1x2000x128xf32> to vector<2000x128xf32>
    %swap3A_63 = vector.shape_cast %slice3A_57 : vector<2000x128xf32> to vector<1x2000x128xf32>
    tpu.vector_store %arg10[%swap3A_58, %swap3A_59, %swap3A_60], %swap3A_63 {strides = array<i32>} : memref<2x2000x128xf32, #tpu.memory_space<vmem>>, vector<1x2000x128xf32>,
    return
  }
  func.func @transform_0(%arg0: i32) -> (i32, i32) {
    %c0_i32 = arith.constant 0 : i32
    %c0_i32_0 = arith.constant 0 : i32
    return %arg0, %c0_i32 : i32, i32
  }
  func.func @transform_1(%arg0: i32) -> (i32, i32, i32) {
    %c0_i32 = arith.constant 0 : i32
    %c0_i32_0 = arith.constant 0 : i32
    %c0_i32_1 = arith.constant 0 : i32
    return %c0_i32, %arg0, %c0_i32_0 : i32, i32, i32
  }
  func.func @transform_2(%arg0: i32) -> (i32, i32) {
    %c0_i32 = arith.constant 0 : i32
    %c0_i32_0 = arith.constant 0 : i32
    %c0_i32_1 = arith.constant 0 : i32
    return %c0_i32, %c0_i32_0 : i32, i32
  }
  func.func @transform_3(%arg0: i32) -> (i32, i32) {
    %c0_i32 = arith.constant 0 : i32
    %c0_i32_0 = arith.constant 0 : i32
    %c0_i32_1 = arith.constant 0 : i32
    return %c0_i32, %c0_i32_0 : i32, i32
  }
  func.func @transform_4(%arg0: i32) -> (i32, i32) {
    %c0_i32 = arith.constant 0 : i32
    %c0_i32_0 = arith.constant 0 : i32
    %c0_i32_1 = arith.constant 0 : i32
    return %c0_i32, %c0_i32_0 : i32, i32
  }
  func.func @transform_5(%arg0: i32) -> (i32, i32) {
    %c0_i32 = arith.constant 0 : i32
    %c0_i32_0 = arith.constant 0 : i32
    %c0_i32_1 = arith.constant 0 : i32
    return %c0_i32, %c0_i32_0 : i32, i32
  }
  func.func @transform_6(%arg0: i32) -> (i32, i32) {
    %c0_i32 = arith.constant 0 : i32
    %c0_i32_0 = arith.constant 0 : i32
    %c0_i32_1 = arith.constant 0 : i32
    return %c0_i32, %c0_i32_0 : i32, i32
  }
  func.func @transform_7(%arg0: i32) -> (i32, i32) {
    %c0_i32 = arith.constant 0 : i32
    %c0_i32_0 = arith.constant 0 : i32
    %c0_i32_1 = arith.constant 0 : i32
    return %c0_i32, %c0_i32_0 : i32, i32
  }
  func.func @transform_8(%arg0: i32) -> (i32, i32) {
    %c0_i32 = arith.constant 0 : i32
    %c0_i32_0 = arith.constant 0 : i32
    %c0_i32_1 = arith.constant 0 : i32
    return %c0_i32, %c0_i32_0 : i32, i32
  }
  func.func @transform_9(%arg0: i32) -> (i32, i32, i32) {
    %c0_i32 = arith.constant 0 : i32
    %c0_i32_0 = arith.constant 0 : i32
    %c0_i32_1 = arith.constant 0 : i32
    return %c0_i32, %arg0, %c0_i32_0 : i32, i32, i32
  }
}

module attributes {stable_mosaic.version = 14 : i64} {
  func.func @body(%arg0: i32, %arg1: memref<2x2000x128xf32, #tpu.memory_space<vmem>>, %arg2: memref<2x2000x128xf32, #tpu.memory_space<vmem>>, %arg3: memref<256x256xf32, #tpu.memory_space<vmem>>, %arg4: memref<1x256xf32, #tpu.memory_space<vmem>>, %arg5: memref<256x256xf32, #tpu.memory_space<vmem>>, %arg6: memref<1x256xf32, #tpu.memory_space<vmem>>, %arg7: memref<1x1xf32, #tpu.memory_space<vmem>>, %arg8: memref<1x256xf32, #tpu.memory_space<vmem>>, %arg9: memref<1x256xf32, #tpu.memory_space<vmem>>, %arg10: memref<2x2000x128xf32, #tpu.memory_space<vmem>>) attributes {dimension_semantics = [#tpu.dimension_semantics<arbitrary>], iteration_bounds = array<i64: 5>, scalar_prefetch = 0 : i64, scratch_operands = 0 : i64, tpu.core_type = #tpu.core_type<tc>, window_params = [{transform_indices = @transform_0, window_bounds = array<i64: 2, 2000, 128>}, {transform_indices = @transform_1, window_bounds = array<i64: 2, 2000, 128>}, {pipeline_mode = #tpu.pipeline_mode<synchronous>, transform_indices = @transform_2, window_bounds = array<i64: 256, 256>}, {pipeline_mode = #tpu.pipeline_mode<synchronous>, transform_indices = @transform_3, window_bounds = array<i64: 1, 256>}, {pipeline_mode = #tpu.pipeline_mode<synchronous>, transform_indices = @transform_4, window_bounds = array<i64: 256, 256>}, {pipeline_mode = #tpu.pipeline_mode<synchronous>, transform_indices = @transform_5, window_bounds = array<i64: 1, 256>}, {pipeline_mode = #tpu.pipeline_mode<synchronous>, transform_indices = @transform_6, window_bounds = array<i64: 1, 1>}, {pipeline_mode = #tpu.pipeline_mode<synchronous>, transform_indices = @transform_7, window_bounds = array<i64: 1, 256>}, {pipeline_mode = #tpu.pipeline_mode<synchronous>, transform_indices = @transform_8, window_bounds = array<i64: 1, 256>}, {transform_indices = @transform_9, window_bounds = array<i64: 2, 2000, 128>}]} {
    %get3A = arith.constant 0 : index
    %get3A_0 = arith.constant 0 : index
    %get3A_1 = arith.constant 0 : index
    %get3A_2 = vector.load %arg1[%get3A, %get3A_0, %get3A_1] : memref<2x2000x128xf32, #tpu.memory_space<vmem>>, vector<1x2000x128xf32>
    %get3A_3 = vector.shape_cast %get3A_2 : vector<1x2000x128xf32> to vector<2000x128xf32>
    %get3A_4 = arith.constant 1 : index
    %get3A_5 = arith.constant 0 : index
    %get3A_6 = arith.constant 0 : index
    %get3A_7 = vector.load %arg1[%get3A_4, %get3A_5, %get3A_6] : memref<2x2000x128xf32, #tpu.memory_space<vmem>>, vector<1x2000x128xf32>
    %get3A_8 = vector.shape_cast %get3A_7 : vector<1x2000x128xf32> to vector<2000x128xf32>
    %concatenate3A = tpu.concatenate %get3A_3, %get3A_8 in 1 : vector<2000x128xf32>, vector<2000x128xf32> -> vector<2000x256xf32>
    %get3A_9 = arith.constant 0 : index
    %get3A_10 = arith.constant 0 : index
    %get3A_11 = arith.constant 0 : index
    %get3A_12 = vector.load %arg2[%get3A_9, %get3A_10, %get3A_11] : memref<2x2000x128xf32, #tpu.memory_space<vmem>>, vector<1x2000x128xf32>
    %get3A_13 = vector.shape_cast %get3A_12 : vector<1x2000x128xf32> to vector<2000x128xf32>
    %get3A_14 = arith.constant 1 : index
    %get3A_15 = arith.constant 0 : index
    %get3A_16 = arith.constant 0 : index
    %get3A_17 = vector.load %arg2[%get3A_14, %get3A_15, %get3A_16] : memref<2x2000x128xf32, #tpu.memory_space<vmem>>, vector<1x2000x128xf32>
    %get3A_18 = vector.shape_cast %get3A_17 : vector<1x2000x128xf32> to vector<2000x128xf32>
    %concatenate3A_19 = tpu.concatenate %get3A_13, %get3A_18 in 1 : vector<2000x128xf32>, vector<2000x128xf32> -> vector<2000x256xf32>
    %get3A_20 = arith.constant 0 : index
    %get3A_21 = arith.constant 0 : index
    %get3A_22 = vector.load %arg7[%get3A_20, %get3A_21] : memref<1x1xf32, #tpu.memory_space<vmem>>, vector<1x1xf32>
    %get3A_23 = vector.extract %get3A_22[0, 0] : f32 from vector<1x1xf32>
    %mul3A = vector.broadcast %get3A_23 : f32 to vector<2000x256xf32>
    %mul3A_24 = arith.mulf %mul3A, %concatenate3A : vector<2000x256xf32>
    %add3A = arith.addf %mul3A_24, %concatenate3A_19 : vector<2000x256xf32>
    %get3A_25 = arith.constant 0 : index
    %get3A_26 = arith.constant 0 : index
    %get3A_27 = vector.load %arg3[%get3A_25, %get3A_26] : memref<256x256xf32, #tpu.memory_space<vmem>>, vector<256x256xf32>
    %dot_general3A = arith.constant dense<0.000000e+00> : vector<2000x256xf32>
    %dot_general3A_28 = tpu.matmul %add3A, %get3A_27, %dot_general3A {dimension_numbers = #tpu.dot_dimension_numbers<[1], [0], [0], [1], [0, 0, 1, 1], [], []>, transpose_lhs_hint = false} : vector<2000x256xf32>, vector<256x256xf32>, vector<2000x256xf32> -> vector<2000x256xf32>
    %get3A_29 = arith.constant 0 : index
    %get3A_30 = arith.constant 0 : index
    %get3A_31 = vector.load %arg4[%get3A_29, %get3A_30] : memref<1x256xf32, #tpu.memory_space<vmem>>, vector<1x256xf32>
    %add3A_32 = vector.broadcast %get3A_31 : vector<1x256xf32> to vector<2000x256xf32>
    %add3A_33 = arith.addf %dot_general3A_28, %add3A_32 : vector<2000x256xf32>
    %max3A = arith.constant 0.000000e+00 : f32
    %max3A_34 = vector.broadcast %max3A : f32 to vector<2000x256xf32>
    %max3A_35 = arith.maximumf %add3A_33, %max3A_34 : vector<2000x256xf32>
    %get3A_36 = arith.constant 0 : index
    %get3A_37 = arith.constant 0 : index
    %get3A_38 = vector.load %arg5[%get3A_36, %get3A_37] : memref<256x256xf32, #tpu.memory_space<vmem>>, vector<256x256xf32>
    %dot_general3A_39 = arith.constant dense<0.000000e+00> : vector<2000x256xf32>
    %dot_general3A_40 = tpu.matmul %max3A_35, %get3A_38, %dot_general3A_39 {dimension_numbers = #tpu.dot_dimension_numbers<[1], [0], [0], [1], [0, 0, 1, 1], [], []>, transpose_lhs_hint = false} : vector<2000x256xf32>, vector<256x256xf32>, vector<2000x256xf32> -> vector<2000x256xf32>
    %get3A_41 = arith.constant 0 : index
    %get3A_42 = arith.constant 0 : index
    %get3A_43 = vector.load %arg6[%get3A_41, %get3A_42] : memref<1x256xf32, #tpu.memory_space<vmem>>, vector<1x256xf32>
    %add3A_44 = vector.broadcast %get3A_43 : vector<1x256xf32> to vector<2000x256xf32>
    %add3A_45 = arith.addf %dot_general3A_40, %add3A_44 : vector<2000x256xf32>
    %get3A_46 = arith.constant 0 : index
    %get3A_47 = arith.constant 0 : index
    %get3A_48 = vector.load %arg8[%get3A_46, %get3A_47] : memref<1x256xf32, #tpu.memory_space<vmem>>, vector<1x256xf32>
    %mul3A_49 = vector.broadcast %get3A_48 : vector<1x256xf32> to vector<2000x256xf32>
    %mul3A_50 = arith.mulf %add3A_45, %mul3A_49 : vector<2000x256xf32>
    %get3A_51 = arith.constant 0 : index
    %get3A_52 = arith.constant 0 : index
    %get3A_53 = vector.load %arg9[%get3A_51, %get3A_52] : memref<1x256xf32, #tpu.memory_space<vmem>>, vector<1x256xf32>
    %add3A_54 = vector.broadcast %get3A_53 : vector<1x256xf32> to vector<2000x256xf32>
    %add3A_55 = arith.addf %mul3A_50, %add3A_54 : vector<2000x256xf32>
    %max3A_56 = arith.constant 0.000000e+00 : f32
    %max3A_57 = vector.broadcast %max3A_56 : f32 to vector<2000x256xf32>
    %max3A_58 = arith.maximumf %add3A_55, %max3A_57 : vector<2000x256xf32>
    %slice3A = vector.extract_strided_slice %max3A_58 {offsets = [0, 0], sizes = [2000, 128], strides = [1, 1]} : vector<2000x256xf32> to vector<2000x128xf32>
    %swap3A = arith.constant 0 : index
    %swap3A_59 = arith.constant 0 : index
    %swap3A_60 = arith.constant 0 : index
    %swap3A_61 = vector.load %arg10[%swap3A, %swap3A_59, %swap3A_60] : memref<2x2000x128xf32, #tpu.memory_space<vmem>>, vector<1x2000x128xf32>
    %swap3A_62 = vector.shape_cast %swap3A_61 : vector<1x2000x128xf32> to vector<2000x128xf32>
    %swap3A_63 = vector.shape_cast %slice3A : vector<2000x128xf32> to vector<1x2000x128xf32>
    tpu.vector_store %arg10[%swap3A, %swap3A_59, %swap3A_60], %swap3A_63 {strides = array<i32>} : memref<2x2000x128xf32, #tpu.memory_space<vmem>>, vector<1x2000x128xf32>,
    %slice3A_64 = vector.extract_strided_slice %max3A_58 {offsets = [0, 128], sizes = [2000, 128], strides = [1, 1]} : vector<2000x256xf32> to vector<2000x128xf32>
    %swap3A_65 = arith.constant 1 : index
    %swap3A_66 = arith.constant 0 : index
    %swap3A_67 = arith.constant 0 : index
    %swap3A_68 = vector.load %arg10[%swap3A_65, %swap3A_66, %swap3A_67] : memref<2x2000x128xf32, #tpu.memory_space<vmem>>, vector<1x2000x128xf32>
    %swap3A_69 = vector.shape_cast %swap3A_68 : vector<1x2000x128xf32> to vector<2000x128xf32>
    %swap3A_70 = vector.shape_cast %slice3A_64 : vector<2000x128xf32> to vector<1x2000x128xf32>
    tpu.vector_store %arg10[%swap3A_65, %swap3A_66, %swap3A_67], %swap3A_70 {strides = array<i32>} : memref<2x2000x128xf32, #tpu.memory_space<vmem>>, vector<1x2000x128xf32>,
    return
  }
  func.func @transform_0(%arg0: i32) -> (i32, i32, i32) {
    %c0_i32 = arith.constant 0 : i32
    %c0_i32_0 = arith.constant 0 : i32
    %c0_i32_1 = arith.constant 0 : i32
    return %c0_i32, %arg0, %c0_i32_0 : i32, i32, i32
  }
  func.func @transform_1(%arg0: i32) -> (i32, i32, i32) {
    %c0_i32 = arith.constant 0 : i32
    %c0_i32_0 = arith.constant 0 : i32
    %c0_i32_1 = arith.constant 0 : i32
    return %c0_i32, %arg0, %c0_i32_0 : i32, i32, i32
  }
  func.func @transform_2(%arg0: i32) -> (i32, i32) {
    %c0_i32 = arith.constant 0 : i32
    %c0_i32_0 = arith.constant 0 : i32
    %c0_i32_1 = arith.constant 0 : i32
    return %c0_i32, %c0_i32_0 : i32, i32
  }
  func.func @transform_3(%arg0: i32) -> (i32, i32) {
    %c0_i32 = arith.constant 0 : i32
    %c0_i32_0 = arith.constant 0 : i32
    %c0_i32_1 = arith.constant 0 : i32
    return %c0_i32, %c0_i32_0 : i32, i32
  }
  func.func @transform_4(%arg0: i32) -> (i32, i32) {
    %c0_i32 = arith.constant 0 : i32
    %c0_i32_0 = arith.constant 0 : i32
    %c0_i32_1 = arith.constant 0 : i32
    return %c0_i32, %c0_i32_0 : i32, i32
  }
  func.func @transform_5(%arg0: i32) -> (i32, i32) {
    %c0_i32 = arith.constant 0 : i32
    %c0_i32_0 = arith.constant 0 : i32
    %c0_i32_1 = arith.constant 0 : i32
    return %c0_i32, %c0_i32_0 : i32, i32
  }
  func.func @transform_6(%arg0: i32) -> (i32, i32) {
    %c0_i32 = arith.constant 0 : i32
    %c0_i32_0 = arith.constant 0 : i32
    %c0_i32_1 = arith.constant 0 : i32
    return %c0_i32, %c0_i32_0 : i32, i32
  }
  func.func @transform_7(%arg0: i32) -> (i32, i32) {
    %c0_i32 = arith.constant 0 : i32
    %c0_i32_0 = arith.constant 0 : i32
    %c0_i32_1 = arith.constant 0 : i32
    return %c0_i32, %c0_i32_0 : i32, i32
  }
  func.func @transform_8(%arg0: i32) -> (i32, i32) {
    %c0_i32 = arith.constant 0 : i32
    %c0_i32_0 = arith.constant 0 : i32
    %c0_i32_1 = arith.constant 0 : i32
    return %c0_i32, %c0_i32_0 : i32, i32
  }
  func.func @transform_9(%arg0: i32) -> (i32, i32, i32) {
    %c0_i32 = arith.constant 0 : i32
    %c0_i32_0 = arith.constant 0 : i32
    %c0_i32_1 = arith.constant 0 : i32
    return %c0_i32, %arg0, %c0_i32_0 : i32, i32, i32
  }
}

module attributes {stable_mosaic.version = 14 : i64} {
  func.func @body(%arg0: i32, %arg1: memref<2x2000x128xf32, #tpu.memory_space<vmem>>, %arg2: memref<2x2000x128xf32, #tpu.memory_space<vmem>>, %arg3: memref<256x256xf32, #tpu.memory_space<vmem>>, %arg4: memref<1x256xf32, #tpu.memory_space<vmem>>, %arg5: memref<256x128xf32, #tpu.memory_space<vmem>>, %arg6: memref<1x128xf32, #tpu.memory_space<vmem>>, %arg7: memref<1x1xf32, #tpu.memory_space<vmem>>, %arg8: memref<1x256xf32, #tpu.memory_space<vmem>>, %arg9: memref<1x256xf32, #tpu.memory_space<vmem>>, %arg10: memref<2000x128xf32, #tpu.memory_space<vmem>>) attributes {dimension_semantics = [#tpu.dimension_semantics<arbitrary>], iteration_bounds = array<i64: 5>, scalar_prefetch = 0 : i64, scratch_operands = 0 : i64, tpu.core_type = #tpu.core_type<tc>, window_params = [{transform_indices = @transform_0, window_bounds = array<i64: 2, 2000, 128>}, {transform_indices = @transform_1, window_bounds = array<i64: 2, 2000, 128>}, {pipeline_mode = #tpu.pipeline_mode<synchronous>, transform_indices = @transform_2, window_bounds = array<i64: 256, 256>}, {pipeline_mode = #tpu.pipeline_mode<synchronous>, transform_indices = @transform_3, window_bounds = array<i64: 1, 256>}, {pipeline_mode = #tpu.pipeline_mode<synchronous>, transform_indices = @transform_4, window_bounds = array<i64: 256, 128>}, {pipeline_mode = #tpu.pipeline_mode<synchronous>, transform_indices = @transform_5, window_bounds = array<i64: 1, 128>}, {pipeline_mode = #tpu.pipeline_mode<synchronous>, transform_indices = @transform_6, window_bounds = array<i64: 1, 1>}, {pipeline_mode = #tpu.pipeline_mode<synchronous>, transform_indices = @transform_7, window_bounds = array<i64: 1, 256>}, {pipeline_mode = #tpu.pipeline_mode<synchronous>, transform_indices = @transform_8, window_bounds = array<i64: 1, 256>}, {transform_indices = @transform_9, window_bounds = array<i64: 2000, 128>}]} {
    %get3A = arith.constant 0 : index
    %get3A_0 = arith.constant 0 : index
    %get3A_1 = arith.constant 0 : index
    %get3A_2 = vector.load %arg1[%get3A, %get3A_0, %get3A_1] : memref<2x2000x128xf32, #tpu.memory_space<vmem>>, vector<1x2000x128xf32>
    %get3A_3 = vector.shape_cast %get3A_2 : vector<1x2000x128xf32> to vector<2000x128xf32>
    %get3A_4 = arith.constant 1 : index
    %get3A_5 = arith.constant 0 : index
    %get3A_6 = arith.constant 0 : index
    %get3A_7 = vector.load %arg1[%get3A_4, %get3A_5, %get3A_6] : memref<2x2000x128xf32, #tpu.memory_space<vmem>>, vector<1x2000x128xf32>
    %get3A_8 = vector.shape_cast %get3A_7 : vector<1x2000x128xf32> to vector<2000x128xf32>
    %concatenate3A = tpu.concatenate %get3A_3, %get3A_8 in 1 : vector<2000x128xf32>, vector<2000x128xf32> -> vector<2000x256xf32>
    %get3A_9 = arith.constant 0 : index
    %get3A_10 = arith.constant 0 : index
    %get3A_11 = arith.constant 0 : index
    %get3A_12 = vector.load %arg2[%get3A_9, %get3A_10, %get3A_11] : memref<2x2000x128xf32, #tpu.memory_space<vmem>>, vector<1x2000x128xf32>
    %get3A_13 = vector.shape_cast %get3A_12 : vector<1x2000x128xf32> to vector<2000x128xf32>
    %get3A_14 = arith.constant 1 : index
    %get3A_15 = arith.constant 0 : index
    %get3A_16 = arith.constant 0 : index
    %get3A_17 = vector.load %arg2[%get3A_14, %get3A_15, %get3A_16] : memref<2x2000x128xf32, #tpu.memory_space<vmem>>, vector<1x2000x128xf32>
    %get3A_18 = vector.shape_cast %get3A_17 : vector<1x2000x128xf32> to vector<2000x128xf32>
    %concatenate3A_19 = tpu.concatenate %get3A_13, %get3A_18 in 1 : vector<2000x128xf32>, vector<2000x128xf32> -> vector<2000x256xf32>
    %get3A_20 = arith.constant 0 : index
    %get3A_21 = arith.constant 0 : index
    %get3A_22 = vector.load %arg7[%get3A_20, %get3A_21] : memref<1x1xf32, #tpu.memory_space<vmem>>, vector<1x1xf32>
    %get3A_23 = vector.extract %get3A_22[0, 0] : f32 from vector<1x1xf32>
    %mul3A = vector.broadcast %get3A_23 : f32 to vector<2000x256xf32>
    %mul3A_24 = arith.mulf %mul3A, %concatenate3A : vector<2000x256xf32>
    %add3A = arith.addf %mul3A_24, %concatenate3A_19 : vector<2000x256xf32>
    %get3A_25 = arith.constant 0 : index
    %get3A_26 = arith.constant 0 : index
    %get3A_27 = vector.load %arg3[%get3A_25, %get3A_26] : memref<256x256xf32, #tpu.memory_space<vmem>>, vector<256x256xf32>
    %dot_general3A = arith.constant dense<0.000000e+00> : vector<2000x256xf32>
    %dot_general3A_28 = tpu.matmul %add3A, %get3A_27, %dot_general3A {dimension_numbers = #tpu.dot_dimension_numbers<[1], [0], [0], [1], [0, 0, 1, 1], [], []>, transpose_lhs_hint = false} : vector<2000x256xf32>, vector<256x256xf32>, vector<2000x256xf32> -> vector<2000x256xf32>
    %get3A_29 = arith.constant 0 : index
    %get3A_30 = arith.constant 0 : index
    %get3A_31 = vector.load %arg4[%get3A_29, %get3A_30] : memref<1x256xf32, #tpu.memory_space<vmem>>, vector<1x256xf32>
    %add3A_32 = vector.broadcast %get3A_31 : vector<1x256xf32> to vector<2000x256xf32>
    %add3A_33 = arith.addf %dot_general3A_28, %add3A_32 : vector<2000x256xf32>
    %max3A = arith.constant 0.000000e+00 : f32
    %max3A_34 = vector.broadcast %max3A : f32 to vector<2000x256xf32>
    %max3A_35 = arith.maximumf %add3A_33, %max3A_34 : vector<2000x256xf32>
    %get3A_36 = arith.constant 0 : index
    %get3A_37 = arith.constant 0 : index
    %get3A_38 = vector.load %arg5[%get3A_36, %get3A_37] : memref<256x128xf32, #tpu.memory_space<vmem>>, vector<256x128xf32>
    %dot_general3A_39 = arith.constant dense<0.000000e+00> : vector<2000x128xf32>
    %dot_general3A_40 = tpu.matmul %max3A_35, %get3A_38, %dot_general3A_39 {dimension_numbers = #tpu.dot_dimension_numbers<[1], [0], [0], [1], [0, 0, 1, 1], [], []>, transpose_lhs_hint = false} : vector<2000x256xf32>, vector<256x128xf32>, vector<2000x128xf32> -> vector<2000x128xf32>
    %get3A_41 = arith.constant 0 : index
    %get3A_42 = arith.constant 0 : index
    %get3A_43 = vector.load %arg6[%get3A_41, %get3A_42] : memref<1x128xf32, #tpu.memory_space<vmem>>, vector<1x128xf32>
    %add3A_44 = vector.broadcast %get3A_43 : vector<1x128xf32> to vector<2000x128xf32>
    %add3A_45 = arith.addf %dot_general3A_40, %add3A_44 : vector<2000x128xf32>
    %swap3A = arith.constant 0 : index
    %swap3A_46 = arith.constant 0 : index
    %swap3A_47 = vector.load %arg10[%swap3A, %swap3A_46] : memref<2000x128xf32, #tpu.memory_space<vmem>>, vector<2000x128xf32>
    tpu.vector_store %arg10[%swap3A, %swap3A_46], %add3A_45 {strides = array<i32>} : memref<2000x128xf32, #tpu.memory_space<vmem>>, vector<2000x128xf32>,
    return
  }
  func.func @transform_0(%arg0: i32) -> (i32, i32, i32) {
    %c0_i32 = arith.constant 0 : i32
    %c0_i32_0 = arith.constant 0 : i32
    %c0_i32_1 = arith.constant 0 : i32
    return %c0_i32, %arg0, %c0_i32_0 : i32, i32, i32
  }
  func.func @transform_1(%arg0: i32) -> (i32, i32, i32) {
    %c0_i32 = arith.constant 0 : i32
    %c0_i32_0 = arith.constant 0 : i32
    %c0_i32_1 = arith.constant 0 : i32
    return %c0_i32, %arg0, %c0_i32_0 : i32, i32, i32
  }
  func.func @transform_2(%arg0: i32) -> (i32, i32) {
    %c0_i32 = arith.constant 0 : i32
    %c0_i32_0 = arith.constant 0 : i32
    %c0_i32_1 = arith.constant 0 : i32
    return %c0_i32, %c0_i32_0 : i32, i32
  }
  func.func @transform_3(%arg0: i32) -> (i32, i32) {
    %c0_i32 = arith.constant 0 : i32
    %c0_i32_0 = arith.constant 0 : i32
    %c0_i32_1 = arith.constant 0 : i32
    return %c0_i32, %c0_i32_0 : i32, i32
  }
  func.func @transform_4(%arg0: i32) -> (i32, i32) {
    %c0_i32 = arith.constant 0 : i32
    %c0_i32_0 = arith.constant 0 : i32
    %c0_i32_1 = arith.constant 0 : i32
    return %c0_i32, %c0_i32_0 : i32, i32
  }
  func.func @transform_5(%arg0: i32) -> (i32, i32) {
    %c0_i32 = arith.constant 0 : i32
    %c0_i32_0 = arith.constant 0 : i32
    %c0_i32_1 = arith.constant 0 : i32
    return %c0_i32, %c0_i32_0 : i32, i32
  }
  func.func @transform_6(%arg0: i32) -> (i32, i32) {
    %c0_i32 = arith.constant 0 : i32
    %c0_i32_0 = arith.constant 0 : i32
    %c0_i32_1 = arith.constant 0 : i32
    return %c0_i32, %c0_i32_0 : i32, i32
  }
  func.func @transform_7(%arg0: i32) -> (i32, i32) {
    %c0_i32 = arith.constant 0 : i32
    %c0_i32_0 = arith.constant 0 : i32
    %c0_i32_1 = arith.constant 0 : i32
    return %c0_i32, %c0_i32_0 : i32, i32
  }
  func.func @transform_8(%arg0: i32) -> (i32, i32) {
    %c0_i32 = arith.constant 0 : i32
    %c0_i32_0 = arith.constant 0 : i32
    %c0_i32_1 = arith.constant 0 : i32
    return %c0_i32, %c0_i32_0 : i32, i32
  }
  func.func @transform_9(%arg0: i32) -> (i32, i32) {
    %c0_i32 = arith.constant 0 : i32
    %c0_i32_0 = arith.constant 0 : i32
    return %arg0, %c0_i32 : i32, i32
  }
}

</mosaic_0001>

<sc_bundles>
// kernel: kernel.12.cloned.1.call-start
scs
__scs_entry_jumppad:
0x0: {  	(pc) =	sbr.rel $0x88, $3  }
0x1: {  	(tag) =	ssettag $0x0;
	lr =	simm.s32 $0x1  }
0x2: {  	[smem:$0x3F90] =	sst lr;
	_ =	strace $0xD0000000  }
0x3: {  	_ = 	snop  }
0x4: {  	_ = 	snop  }
0x5: {  	_ = 	snop  }
0x6: {  	_ = 	snop  }
0x7: {  	_ = 	snop  }
__scs_overlays_trampoline_lowered:
0x8: {  	[smem:$0x3F9F] =	sst s0  }
0x9: {  	[smem:$0x3FA0] =	sst s1  }
0xa: {  	[smem:$0x3FA1] =	sst s2  }
0xb: {  	[smem:$0x3FA2] =	sst s3  }
0xc: {  	[smem:$0x3FA3] =	sst s4  }
0xd: {  	[smem:$0x3FA4] =	sst s5  }
0xe: {  	[smem:$0x3FA5] =	sst s6  }
0xf: {  	[smem:$0x3FA6] =	sst s7  }
0x10: {  	[smem:$0x3FA7] =	sst s8  }
0x11: {  	[smem:$0x3FA8] =	sst s9;
	s0 =	simm.s32 @!p0 $0x0  }
0x12: {  	s1 =	sld [smem:$0x3F8E];
	s0 =	simm.s32 @p0 $0x1  }
0x13: {  	[smem:$0x3FA9] =	sst s0;
	s0 =	simm.s32 @!p1 $0x0  }
0x14: {  	s2 =	sld [smem:$0x3F8D];
	s0 =	simm.s32 @p1 $0x1  }
0x15: {  	[smem:$0x3FAA] =	sst s0;
	s0 =	simm.s32 @!p2 $0x0  }
0x16: {  	s3 =	sld [smem:$0x3FDB];
	s0 =	simm.s32 @p2 $0x1  }
0x17: {  	s4 =	simm.s32 $0x1BF5;
	[smem:$0x3FAC] =	sst s0  }
0x18: {  	s0 =	sld [smem:$0x3F8F];
	_ =	swait.ge [sflag:s4], $0x0  }
0x19: {  	s7 =	sld [smem:$0x3F90]  }
0x1a: {  	s8 =	sadd.s32 $0xFFFFE003, lr  }
0x1b: {  	s9 =	sadd.s32 $0xFFFFFEF7, lr;
	s5 =	simm.s32 $0xFFFFFFFF;
	p2 =	slt.u32 s8, $0xFFFFF086  }
0x1c: {  	p1 =	slt.u32 s9, $0xF7A;
	s5 =	simm.s32 @!p2 $0x0  }
0x1d: {  	s5 =	simm.s32 @p1 $0x1;
	p0 =	seq.s32 s7, s2  }
0x1e: {  	s7 =	smul.u32 @!p0 $0xF7A, s2;
	p2 =	seq.s32 @!p0 s5, $0x0  }
0x1f: {  	s9 =	smul.u32 $0xF7A, s1;
	s8 =	simm.s32 @!p0 $0x1BF5;
	p2 =	por !p2, p0  }
0x20: {  	[sflag:s8] =	ssyncset.s32 @!p0 $0xFFFFF086;
	s6 =	sadd.s32 @!p0 s3, s7;
	s7 =	simm.s32 @!p0 $0x108  }
0x21: {  	s3 =	sadd.s32 s3, s9;
	s6 =	sadd.s32 @!p0 $0x88, s6;
	s7 =	simm.s32 @p2 $0x1082  }
0x22: {  	[simem:s7], [sflag:s8] =	dma.local @!p0 [hbm:s6], $0xF7A  }
0x23: {  	s9 =	sor.u32 $0xD0000000, s2;
	s6 =	simm.s32 $0x108;
	_ =	swait.ge @!p0 [sflag:s8], $0x0  }
0x24: {  	s3 =	sadd.s32 $0x88, s3;
	s6 =	simm.s32 @!p1 $0x1082;
	[sflag:s4] =	ssyncset.s32 $0xFFFFF086  }
0x25: {  	[simem:s6], [sflag:s4] =	dma.local [hbm:s3], $0xF7A  }
0x26: {  	[smem:$0x3F90] =	sst s1;
	(tag) =	ssettag s2;
	_ =	strace s9  }
0x27: {  	s1 =	sld [smem:$0x3FA0]  }
0x28: {  	s2 =	sld [smem:$0x3FA1]  }
0x29: {  	s4 =	sld [smem:$0x3FA3]  }
0x2a: {  	p0 =	seq.s32 s5, $0x0;
	s5 =	sld [smem:$0x3FA4]  }
0x2b: {  	s6 =	sld [smem:$0x3FA5]  }
0x2c: {  	s7 =	sld [smem:$0x3FA6]  }
0x2d: {  	s3 =	simm.s32 $0x108;
	s8 =	sld [smem:$0x3FA7]  }
0x2e: {  	s3 =	simm.s32 @!p0 $0x1082;
	s9 =	sld [smem:$0x3FA8]  }
0x2f: {  	lr =	sadd.s32 s0, s3;
	s0 =	sld [smem:$0x3F9F]  }
0x30: {  	s3 =	sld [smem:$0x3FA2]  }
0x31: {  	[smem:$0x3FAB] =	sst s10  }
0x32: {  	s10 =	sld [smem:$0x3FA9];
	_ =	sdelay $0x3  }
0x33: {  	p0 =	seq.s32 s10, $0x1;
	s10 =	sld [smem:$0x3FAB];
	_ =	sdelay $0x3  }
0x34: {  	[smem:$0x3FAB] =	sst s10  }
0x35: {  	s10 =	sld [smem:$0x3FAA];
	_ =	sdelay $0x3  }
0x36: {  	p1 =	seq.s32 s10, $0x1;
	s10 =	sld [smem:$0x3FAB];
	_ =	sdelay $0x3  }
0x37: {  	[smem:$0x3FAB] =	sst s10  }
0x38: {  	s10 =	sld [smem:$0x3FAC]  }
0x39: {  	_ = 	snop;
	(pc) =	sbr.ind lr, $3  }
0x3a: {  	_ = 	snop  }
0x3b: {  	_ = 	snop  }
0x3c: {  	p2 =	seq.s32 s10, $0x1;
	s10 =	sld [smem:$0x3FAB]  }
0x3d: {  	_ =	shalt  }
0x3e: {  	_ =	shalt  }
0x3f: {  	_ =	shalt  }
0x40: {  	_ =	shalt  }
0x41: {  	_ =	shalt  }
0x42: {  	_ =	shalt  }
0x43: {  	_ =	shalt  }
0x44: {  	_ =	shalt  }
0x45: {  	_ =	shalt  }
0x46: {  	_ =	shalt  }
0x47: {  	_ =	shalt  }
0x48: {  	_ =	shalt  }
0x49: {  	_ =	shalt  }
0x4a: {  	_ =	shalt  }
0x4b: {  	_ =	shalt  }
0x4c: {  	_ =	shalt  }
0x4d: {  	_ =	shalt  }
0x4e: {  	_ =	shalt  }
0x4f: {  	_ =	shalt  }
0x50: {  	_ =	shalt  }
0x51: {  	_ =	shalt  }
0x52: {  	_ =	shalt  }
0x53: {  	_ =	shalt  }
0x54: {  	_ =	shalt  }
0x55: {  	_ =	shalt  }
0x56: {  	_ =	shalt  }
0x57: {  	_ =	shalt  }
0x58: {  	_ =	shalt  }
0x59: {  	_ =	shalt  }
0x5a: {  	_ =	shalt  }
0x5b: {  	_ =	shalt  }
0x5c: {  	_ =	shalt  }
0x5d: {  	_ =	shalt  }
0x5e: {  	_ =	shalt  }
0x5f: {  	_ =	shalt  }
0x60: {  	_ =	shalt  }
0x61: {  	_ =	shalt  }
0x62: {  	_ =	shalt  }
0x63: {  	_ =	shalt  }
0x64: {  	_ =	shalt  }
0x65: {  	_ =	shalt  }
0x66: {  	_ =	shalt  }
0x67: {  	_ =	shalt  }
0x68: {  	_ =	shalt  }
0x69: {  	_ =	shalt  }
0x6a: {  	_ =	shalt  }
0x6b: {  	_ =	shalt  }
0x6c: {  	_ =	shalt  }
0x6d: {  	_ =	shalt  }
0x6e: {  	_ =	shalt  }
0x6f: {  	_ =	shalt  }
0x70: {  	_ =	shalt  }
0x71: {  	_ =	shalt  }
0x72: {  	_ =	shalt  }
0x73: {  	_ =	shalt  }
0x74: {  	_ =	shalt  }
0x75: {  	_ =	shalt  }
0x76: {  	_ =	shalt  }
0x77: {  	_ =	shalt  }
0x78: {  	_ =	shalt  }
0x79: {  	_ =	shalt  }
0x7a: {  	_ =	shalt  }
0x7b: {  	_ =	shalt  }
0x7c: {  	_ =	shalt  }
0x7d: {  	_ =	shalt  }
0x7e: {  	_ =	shalt  }
0x7f: {  	_ =	shalt  }
0x80: {  	_ =	shalt  }
0x81: {  	_ =	shalt  }
0x82: {  	_ =	shalt  }
0x83: {  	_ =	shalt  }
0x84: {  	_ =	shalt  }
0x85: {  	_ =	shalt  }
0x86: {  	_ =	shalt  }
0x87: {  	_ =	shalt  }
.Lfunc_end0:
.L_simem_size_0:
called_computation_lowered:
.L_overlay_start_0:
0x88: {  	s2 =	sld [smem:$0x3FD9]  }
0x89: {  	s3 =	sld [smem:$0x3FFE];
	_ =	sdelay $0x1  }
0x8a: {  	s1 =	srdreg.scid  }
0x8b: {  	s0 =	sand.u32 $0x1, s1  }
0x8c: {  	s17 =	sshll.u32 s0, $0xA;
	s2 =	sadd.s32 s3, s2  }
0x8d: {  	s2 =	sadd.s32 s2, s17  }
0x8e: {  	[smem:$0x3FB7] =	sst s2  }
0x8f: {  	_ = 	snop  }
0x90: {  	s2 =	sld [smem:$0x3FC9];
	(tm) =	ssettm $0x1  }
0x91: {  	s18 =	sld [smem:$0x3FFB];
	_ =	sdelay $0x3  }
0x92: {  	_ =	strace s18  }
0x93: {  	s3 =	sld [smem:$0x3FFC];
	_ =	sdelay $0x3  }
0x94: {  	_ =	strace s3  }
0x95: {  	s3 =	sld [smem:$0x3FFD];
	_ =	sdelay $0x3  }
0x96: {  	_ =	strace s3  }
0x97: {  	_ =	strace $0x8FFFFFFF  }
0x98: {  	s19 =	sld [smem:$0x3FDB];
	_ =	sdelay $0x1  }
0x99: {  	s4 =	simm.s32 $_scs_section_size  }
0x9a: {  	s5 =	simm.s32 $_size__tile_overlayer_lowered;
	s6 =	simm.s32 $_tile_overlayer_lowered  }
0x9b: {  	s22 =	simm.s32 $0x1BFF;
	s21 =	sshll.u32 s6, $0x1;
	s3 =	sadd.s32 s4, s19  }
0x9c: {  	s7 =	simm.s32 $0x0;
	s20 =	sshll.u32 s5, $0x1;
	s5 =	sadd.s32 s21, s3  }
0x9d: {  	[timem:s7], [sflag:s22] =	dma.local [hbm:s5], s20  }
0x9e: {  	_ =	swait.ge [sflag:s22], s20  }
0x9f: {  	s4 =	ssub.s32 $0x0, s20;
	[sflag:s22] =	ssyncset.done $0x0  }
0xa0: {  	[sflag:s22] =	ssyncadd.s32 s4;
	_ =	sdelay $0x1  }
0xa1: {  	s23 =	simm.s32 $0x1B8B  }
0xa2: {  	_ =	swait.ge [sflag:s23], $0x1  }
0xa3: {  	[sflag:s23] =	ssyncset.done $0x0  }
0xa4: {  	s25 =	simm.s32 $0x1B8E;
	s24 =	sld [smem:$0x3FFE];
	[sflag:s23] =	ssyncadd.s32 $0xFFFFFFFF  }
0xa5: {  	s26 =	simm.s32 $execute0_lowered;
	[smem:$0x3FD2] =	sst s25  }
0xa6: {  	s5 =	sshll.u32 s26, $0x1;
	_ =	strace $0x80000046;
	[dreg:$0x1] =	wrdreg $0xFFFFFFFF  }
0xa7: {  	s28 =	simm.s32 $_size_execute0_lowered;
	s3 =	sadd.s32 s3, s5;
	[dreg:$0x0] =	wrdreg $0x0  }
0xa8: {  	s5 =	sshll.u32 s28, $0x1;
	[dreg:$0x2] =	wrdreg s3  }
0xa9: {  	[dreg:$0x3] =	wrdreg s5  }
0xaa: {  	[dreg:$0x4] =	wrdreg $0xC0  }
0xab: {  	_ =	task [dreg:s7], $0x5FFFF  }
0xac: {  	[dreg:$0x1] =	wrdreg $0xFFFFFFFF  }
0xad: {  	[dreg:$0x0] =	wrdreg $0x60  }
0xae: {  	[dreg:$0x2] =	wrdreg s2  }
0xaf: {  	[dreg:$0x3] =	wrdreg s24  }
0xb0: {  	[dreg:$0x4] =	wrdreg $0xA8000  }
0xb1: {  	[dreg:$0x5] =	wrdreg $0x9  }
0xb2: {  	_ =	task.clear_ibuf [dreg:s7], $0x6FFFF;
	_ =	strace $0x90000046  }
0xb3: {  	s29 =	simm.s32 $0x9;
	_ =	strace $0x80000048  }
0xb4: {  	_ =	swait.ge [sflag:s29], $0x1  }
0xb5: {  	[sflag:s29] =	ssyncadd.s32 $0xFFFFFFFF  }
0xb6: {  	_ =	strace $0x90000048  }
0xb7: {  	_ =	sfence  }
0xb8: {  	s30 =	sld [smem:$0x0];
	_ =	sdelay $0x2  }
0xb9: {  	s31 =	sshll.u32 s1, $0xD;
	s1 =	sshrl.u32 s1, $0x2  }
0xba: {  	s3 =	sand.u32 $0x4000, s31;
	s1 =	sadd.s32 s1, s30  }
0xbb: {  	s0 =	sor.u32 s3, s0;
	s1 =	sshll.u32 s1, $0x11  }
0xbc: {  	s0 =	sor.u32 s1, s0  }
0xbd: {  	s0 =	sadd.s32 $0x8F2B, s0  }
0xbe: {  	[sflag:s0] =	ssyncadd.remote.s32 $0x1  }
0xbf: {  	_ =	sfence.sel $0xFFFF  }
0xc0: {  	[dreg:$0x0] =	wrdreg $0xFFFFFFFF;
	(pc) =	sbr.abs _section_cstart, $3  }
0xc1: {  	[dreg:$0x1] =	wrdreg $0xFFFFFFFF  }
0xc2: {  	_ =	task.clear_ibuf [dreg:s7], $0x2FFFF;
	_ =	strace $0x9FFFFFFF  }
0xc3: {  	(tm) =	ssettm $0x7FFFFFFF  }
tec
execute0_lowered:
.L_overlay_start_1:
0x0: {  	(tag) =	ssettag $0x1  }
0x1: {  	s1 =	rddreg [dreg:$0x0]  }
0x2: {  	s6 =	rddreg [dreg:$0x1]  }
0x3: {  	s2 =	rddreg [dreg:$0x2]  }
0x4: {  	s0 =	rddreg [dreg:$0x3];
	s3 =	simm.s32 $0x0  }
0x5: {  	s4 =	srdreg.scid;
	s18 =	simm.s32 $0x6800;
	s19 =	simm.s32 $0x1  }
0x6: {  	s20 =	simm.s32 $0x2;
	s21 =	simm.s32 $0x2700;
	s22 =	simm.s32 $0x2780  }
0x7: {  	s23 =	simm.s32 $0x0;
	[smem:$0x7FF] =	sst s3;
	s7 =	sand.u32 $0x1, s4  }
0x8: {  	s4 =	stileid.u32;
	s11 =	sadd.s32 $0x11600, s6;
	s8 =	smul.u32 $0x13C000, s7  }
0x9: {  	s12 =	sadd.s32 $0x7600, s6;
	s5 =	sadd.s32 $0x25600, s6;
	s9 =	smul.u32 $0x13C00, s4  }
0xa: {  	_ =	strace $0x80000047;
	s10 =	sshll.u32 s7, $0x4;
	s15 =	smul.u32 $0x4F000, s4  }
0xb: {  	s24 =	ssub.s32 $0x2, s7;
	s25 =	smul.u32 $0x50000, s7;
	s10 =	sor.u32 s4, s10  }
0xc: {  	s28 =	sshll.u32 s4, $0x6;
	s14 =	sshrl.u32 s24, $0x1;
	s13 =	smul.u32 $0x50, s10  }
0xd: {  	s8 =	sadd.s32 s9, s8;
	s9 =	ssub.s32 s24, s14;
	s29 =	smul.u32 $0x2800, s10  }
0xe: {  	s26 =	sshrl.u32 s15, $0x2;
	s10 =	smul.u32 $0x500, s10;
	s8 =	sshrl.u32 s8, $0x3  }
0xf: {  	s15 =	simm.s32 $0x1400;
	s16 =	sadd.s32 s26, s2;
	s8 =	sadd.s32 s8, s6  }
0x10: {  	s6 =	sor.u32 $0x1C03, s28;
	s13 =	sadd.s32 $0x28, s13;
	s30 =	sadd.s32 s25, s29  }
0x11: {  	s10 =	sadd.s32 s12, s10;
	s7 =	sadd.s32 $0x27E00, s8;
	s31 =	sshll.u32 s13, $0x7  }
0x12: {  	s17 =	sshrl.u32 s30, $0x3;
	s8 =	smax.u32 s9, $0x1;
	s13 =	sshll.u32 s13, $0x4  }
0x13: {  	s14 =	sadd.s32 s25, s31;
	s9 =	sadd.s32 s11, s17;
	s12 =	sadd.s32 s12, s13  }
0x14: {  	s13 =	sshrl.u32 s16, $0x3;
	s16 =	simm.s32 $0x80;
	s14 =	sshrl.u32 s14, $0x3  }
0x15: {  	s17 =	simm.s32 $0x2800;
	s11 =	sadd.s32 s11, s14;
	s14 =	simm.s32 $0x3  }
.LBB2_1:
0x16: {  	[spmem:s13], [sflag:s6] =	dma.local [hbm:s5], $0x2780  }
0x17: {  	_ =	swait.ge [sflag:s14], $0x2780  }
0x18: {  	[sflag:s14] =	ssyncset.done $0x0  }
0x19: {  	[sflag:s14] =	ssyncadd.s32 $0xFFFFD880  }
0x1a: {  	[bflag:$0x0] =	sbarrier.arrive $0xFFFF  }
0x1b: {  	[tilespmem:s3], [sflag:$0x3] =	stream.linear.gather [hbm4b:s9+s3], $0x1400, $0x38;
	[tilespmem:$0x1E400] =	vst v63  }
0x1c: {  	_ =	swait.ge [sflag:s14], $0x1400  }
0x1d: {  	[sflag:s14] =	ssyncset.done $0x0  }
0x1e: {  	[sflag:s14] =	ssyncadd.s32 $0xFFFFEC00  }
0x1f: {  	[tilespmem:s15], [sflag:$0x3] =	stream.linear.gather [hbm4b:s10+s3], $0x1400, $0x38;
	[tilespmem:$0x1E400] =	vst v63  }
0x20: {  	_ =	swait.ge [sflag:s14], $0x1400  }
0x21: {  	[sflag:s14] =	ssyncset.done $0x0  }
0x22: {  	[sflag:s14] =	ssyncadd.s32 $0xFFFFEC00  }
0x23: {  	[tilespmem:s17], [sflag:$0x1] =	stream.indirect.gather [hbm4b:s1+s16], $0x80, s3, s16, $0xb8;
	[tilespmem:$0x1E400] =	vst v63  }
0x24: {  	_ = 	snop  }
0x25: {  	[tilespmem:s18], [sflag:$0x2] =	stream.indirect.gather [hbm4b:s1+s16], $0x80, s16, s16, $0xb8;
	[tilespmem:$0x1E400] =	vst v63  }
0x26: {  	_ =	swait.ge [sflag:s19], $0x4000  }
0x27: {  	[sflag:s19] =	ssyncset.done $0x0  }
0x28: {  	s24 =	simm.s32 $0x1400;
	[sflag:s19] =	ssyncadd.s32 $0xFFFFC000  }
0x29: {  	[spmem:s2] =	stream.indirect.scatter.add.f32 [tilespmem:s17], [sflag:$0x3], $0x80, s24, s16, $0xb8;
	[tilespmem:$0x1E400] =	vst v63  }
0x2a: {  	_ =	swait.ge [sflag:s14], $0x4000  }
0x2b: {  	[sflag:s14] =	ssyncset.done $0x0  }
0x2c: {  	s30 =	simm.s32 $0x100;
	[sflag:s14] =	ssyncadd.s32 $0xFFFFC000  }
0x2d: {  	[tilespmem:s17], [sflag:$0x1] =	stream.indirect.gather [hbm4b:s1+s16], $0x80, s30, s16, $0xb8;
	[tilespmem:$0x1E400] =	vst v63  }
0x2e: {  	_ =	swait.ge [sflag:s20], $0x4000  }
0x2f: {  	[sflag:s20] =	ssyncset.done $0x0  }
0x30: {  	s31 =	simm.s32 $0x1480;
	[sflag:s20] =	ssyncadd.s32 $0xFFFFC000  }
0x31: {  	[spmem:s2] =	stream.indirect.scatter.add.f32 [tilespmem:s18], [sflag:$0x3], $0x80, s31, s16, $0xb8;
	[tilespmem:$0x1E400] =	vst v63  }
0x32: {  	_ =	swait.ge [sflag:s14], $0x4000  }
0x33: {  	[sflag:s14] =	ssyncset.done $0x0  }
0x34: {  	s25 =	simm.s32 $0x180;
	s24 =	simm.s32 $0x400;
	[sflag:s14] =	ssyncadd.s32 $0xFFFFC000  }
.LBB2_2:
0x35: {  	[tilespmem:s18], [sflag:$0x2] =	stream.indirect.gather [hbm4b:s1+s16], $0x80, s25, s16, $0xb8;
	[tilespmem:$0x1E400] =	vst v63  }
0x36: {  	s25 =	smov.u32 s24  }
0x37: {  	p0 =	sne.s32 s24, $0x4800;
	s24 =	sadd.s32 $0x400, s24;
	_ =	swait.ge [sflag:s19], $0x4000  }
0x38: {  	s25 =	sshra.s32 s25, $0x2;
	[sflag:s19] =	ssyncset.done $0x0  }
0x39: {  	s26 =	sadd.s32 $0x1400, s25;
	[sflag:s19] =	ssyncadd.s32 $0xFFFFC000  }
0x3a: {  	[spmem:s2] =	stream.indirect.scatter.add.f32 [tilespmem:s17], [sflag:$0x3], $0x80, s26, s16, $0xb8;
	[tilespmem:$0x1E400] =	vst v63  }
0x3b: {  	_ =	swait.ge [sflag:s14], $0x4000  }
0x3c: {  	[sflag:s14] =	ssyncset.done $0x0  }
0x3d: {  	s26 =	sadd.s32 $0x100, s25;
	[sflag:s14] =	ssyncadd.s32 $0xFFFFC000  }
0x3e: {  	[tilespmem:s17], [sflag:$0x1] =	stream.indirect.gather [hbm4b:s1+s16], $0x80, s26, s16, $0xb8;
	[tilespmem:$0x1E400] =	vst v63  }
0x3f: {  	_ =	swait.ge [sflag:s20], $0x4000  }
0x40: {  	[sflag:s20] =	ssyncset.done $0x0  }
.Ltmp0:
0x41: {  	s26 =	sadd.s32 $0x1480, s25;
	[sflag:s20] =	ssyncadd.s32 $0xFFFFC000;
	(pc) =	sbr.rel @p0 .LBB2_2-.Ltmp0, $4  }
0x42: {  	[spmem:s2] =	stream.indirect.scatter.add.f32 [tilespmem:s18], [sflag:$0x3], $0x80, s26, s16, $0xb8;
	[tilespmem:$0x1E400] =	vst v63  }
0x43: {  	_ =	swait.ge [sflag:s14], $0x4000  }
0x44: {  	[sflag:s14] =	ssyncset.done $0x0  }
0x45: {  	s25 =	sadd.s32 $0x180, s25;
	[sflag:s14] =	ssyncadd.s32 $0xFFFFC000  }
0x46: {  	[tilespmem:s18], [sflag:$0x2] =	stream.indirect.gather [hbm4b:s1+s16], $0x80, s25, s16, $0xb8;
	[tilespmem:$0x1E400] =	vst v63  }
0x47: {  	_ =	swait.ge [sflag:s19], $0x4000  }
0x48: {  	[sflag:s19] =	ssyncset.done $0x0  }
0x49: {  	[sflag:s19] =	ssyncadd.s32 $0xFFFFC000  }
0x4a: {  	[spmem:s2] =	stream.indirect.scatter.add.f32 [tilespmem:s17], [sflag:$0x3], $0x80, s21, s16, $0xb8;
	[tilespmem:$0x1E400] =	vst v63  }
0x4b: {  	_ =	swait.ge [sflag:s14], $0x4000  }
0x4c: {  	[sflag:s14] =	ssyncset.done $0x0  }
0x4d: {  	[sflag:s14] =	ssyncadd.s32 $0xFFFFC000  }
0x4e: {  	_ =	swait.ge [sflag:s20], $0x4000  }
0x4f: {  	[sflag:s20] =	ssyncset.done $0x0  }
0x50: {  	[sflag:s20] =	ssyncadd.s32 $0xFFFFC000  }
0x51: {  	[spmem:s2] =	stream.indirect.scatter.add.f32 [tilespmem:s18], [sflag:$0x3], $0x80, s22, s16, $0xb8;
	[tilespmem:$0x1E400] =	vst v63  }
0x52: {  	_ =	swait.ge [sflag:s14], $0x4000  }
0x53: {  	[sflag:s14] =	ssyncset.done $0x0  }
0x54: {  	s24 =	simm.s32 $0x0;
	[sflag:s14] =	ssyncadd.s32 $0xFFFFC000  }
0x55: {  	[tilespmem:s24], [sflag:$0x3] =	stream.linear.gather [hbm4b:s11+s24], $0x1400, $0x38;
	[tilespmem:$0x1E400] =	vst v63  }
0x56: {  	_ =	swait.ge [sflag:s14], $0x1400  }
0x57: {  	[sflag:s14] =	ssyncset.done $0x0  }
0x58: {  	[sflag:s14] =	ssyncadd.s32 $0xFFFFEC00  }
0x59: {  	[tilespmem:s15], [sflag:$0x3] =	stream.linear.gather [hbm4b:s12+s24], $0x1400, $0x38;
	[tilespmem:$0x1E400] =	vst v63  }
0x5a: {  	_ =	swait.ge [sflag:s14], $0x1400  }
0x5b: {  	[sflag:s14] =	ssyncset.done $0x0  }
0x5c: {  	[sflag:s14] =	ssyncadd.s32 $0xFFFFEC00  }
0x5d: {  	[tilespmem:s17], [sflag:$0x1] =	stream.indirect.gather [hbm4b:s1+s16], $0x80, s24, s16, $0xb8;
	[tilespmem:$0x1E400] =	vst v63  }
0x5e: {  	_ = 	snop  }
0x5f: {  	[tilespmem:s18], [sflag:$0x2] =	stream.indirect.gather [hbm4b:s1+s16], $0x80, s16, s16, $0xb8;
	[tilespmem:$0x1E400] =	vst v63  }
0x60: {  	_ =	swait.ge [sflag:s19], $0x4000  }
0x61: {  	[sflag:s19] =	ssyncset.done $0x0  }
0x62: {  	s29 =	simm.s32 $0x1400;
	[sflag:s19] =	ssyncadd.s32 $0xFFFFC000  }
0x63: {  	[spmem:s2] =	stream.indirect.scatter.add.f32 [tilespmem:s17], [sflag:$0x3], $0x80, s29, s16, $0xb8;
	[tilespmem:$0x1E400] =	vst v63  }
0x64: {  	_ =	swait.ge [sflag:s14], $0x4000  }
0x65: {  	[sflag:s14] =	ssyncset.done $0x0  }
0x66: {  	s30 =	simm.s32 $0x100;
	[sflag:s14] =	ssyncadd.s32 $0xFFFFC000  }
0x67: {  	[tilespmem:s17], [sflag:$0x1] =	stream.indirect.gather [hbm4b:s1+s16], $0x80, s30, s16, $0xb8;
	[tilespmem:$0x1E400] =	vst v63  }
0x68: {  	_ =	swait.ge [sflag:s20], $0x4000  }
0x69: {  	[sflag:s20] =	ssyncset.done $0x0  }
0x6a: {  	s31 =	simm.s32 $0x1480;
	[sflag:s20] =	ssyncadd.s32 $0xFFFFC000  }
0x6b: {  	[spmem:s2] =	stream.indirect.scatter.add.f32 [tilespmem:s18], [sflag:$0x3], $0x80, s31, s16, $0xb8;
	[tilespmem:$0x1E400] =	vst v63  }
0x6c: {  	_ =	swait.ge [sflag:s14], $0x4000  }
0x6d: {  	[sflag:s14] =	ssyncset.done $0x0  }
0x6e: {  	s25 =	simm.s32 $0x180;
	s24 =	simm.s32 $0x400;
	[sflag:s14] =	ssyncadd.s32 $0xFFFFC000  }
.LBB2_4:
0x6f: {  	[tilespmem:s18], [sflag:$0x2] =	stream.indirect.gather [hbm4b:s1+s16], $0x80, s25, s16, $0xb8;
	[tilespmem:$0x1E400] =	vst v63  }
0x70: {  	s25 =	smov.u32 s24  }
0x71: {  	p0 =	sne.s32 s24, $0x4800;
	s24 =	sadd.s32 $0x400, s24;
	_ =	swait.ge [sflag:s19], $0x4000  }
0x72: {  	s25 =	sshra.s32 s25, $0x2;
	[sflag:s19] =	ssyncset.done $0x0  }
0x73: {  	s26 =	sadd.s32 $0x1400, s25;
	[sflag:s19] =	ssyncadd.s32 $0xFFFFC000  }
0x74: {  	[spmem:s2] =	stream.indirect.scatter.add.f32 [tilespmem:s17], [sflag:$0x3], $0x80, s26, s16, $0xb8;
	[tilespmem:$0x1E400] =	vst v63  }
0x75: {  	_ =	swait.ge [sflag:s14], $0x4000  }
0x76: {  	[sflag:s14] =	ssyncset.done $0x0  }
0x77: {  	s26 =	sadd.s32 $0x100, s25;
	[sflag:s14] =	ssyncadd.s32 $0xFFFFC000  }
0x78: {  	[tilespmem:s17], [sflag:$0x1] =	stream.indirect.gather [hbm4b:s1+s16], $0x80, s26, s16, $0xb8;
	[tilespmem:$0x1E400] =	vst v63  }
0x79: {  	_ =	swait.ge [sflag:s20], $0x4000  }
0x7a: {  	[sflag:s20] =	ssyncset.done $0x0  }
.Ltmp1:
0x7b: {  	s26 =	sadd.s32 $0x1480, s25;
	[sflag:s20] =	ssyncadd.s32 $0xFFFFC000;
	(pc) =	sbr.rel @p0 .LBB2_4-.Ltmp1, $4  }
0x7c: {  	[spmem:s2] =	stream.indirect.scatter.add.f32 [tilespmem:s18], [sflag:$0x3], $0x80, s26, s16, $0xb8;
	[tilespmem:$0x1E400] =	vst v63  }
0x7d: {  	_ =	swait.ge [sflag:s14], $0x4000  }
0x7e: {  	[sflag:s14] =	ssyncset.done $0x0  }
0x7f: {  	s25 =	sadd.s32 $0x180, s25;
	[sflag:s14] =	ssyncadd.s32 $0xFFFFC000  }
0x80: {  	[tilespmem:s18], [sflag:$0x2] =	stream.indirect.gather [hbm4b:s1+s16], $0x80, s25, s16, $0xb8;
	[tilespmem:$0x1E400] =	vst v63  }
0x81: {  	_ =	swait.ge [sflag:s19], $0x4000  }
0x82: {  	[sflag:s19] =	ssyncset.done $0x0  }
0x83: {  	[sflag:s19] =	ssyncadd.s32 $0xFFFFC000  }
0x84: {  	[spmem:s2] =	stream.indirect.scatter.add.f32 [tilespmem:s17], [sflag:$0x3], $0x80, s21, s16, $0xb8;
	[tilespmem:$0x1E400] =	vst v63  }
0x85: {  	_ =	swait.ge [sflag:s14], $0x4000  }
0x86: {  	[sflag:s14] =	ssyncset.done $0x0  }
0x87: {  	[sflag:s14] =	ssyncadd.s32 $0xFFFFC000  }
0x88: {  	_ =	swait.ge [sflag:s20], $0x4000  }
0x89: {  	[sflag:s20] =	ssyncset.done $0x0  }
0x8a: {  	[sflag:s20] =	ssyncadd.s32 $0xFFFFC000  }
0x8b: {  	[spmem:s2] =	stream.indirect.scatter.add.f32 [tilespmem:s18], [sflag:$0x3], $0x80, s22, s16, $0xb8;
	[tilespmem:$0x1E400] =	vst v63  }
0x8c: {  	_ =	swait.ge [sflag:s14], $0x4000  }
0x8d: {  	s23 =	sadd.s32 $0x1, s23;
	[sflag:s14] =	ssyncset.done $0x0  }
0x8e: {  	p0 =	sne.s32 s23, s8;
	[sflag:s14] =	ssyncadd.s32 $0xFFFFC000  }
.Ltmp2:
0x8f: {  	[bflag:$0x0] =	sbarrier.arrive $0xFFFF;
	(pc) =	sbr.rel @p0 .LBB2_1-.Ltmp2, $4  }
0x90: {  	[hbm:s7], [sflag:s6] =	dma.local [spmem:s13], $0x2780  }
0x91: {  	_ =	swait.ge [sflag:s14], $0x2780  }
0x92: {  	[sflag:s14] =	ssyncset.done $0x0  }
0x93: {  	[sflag:s14] =	ssyncadd.s32 $0xFFFFD880  }
0x94: {  	_ =	sfence.sel $0x180000  }
0x95: {  	[bflag:$0x0] =	sbarrier.arrive $0xFFFF  }
0x96: {  	p0 =	sne.s32 s4, $0x0;
	_ =	strace $0x90000047  }
0x97: {  	s0 =	sadd.s32 @!p0 $0x100000, s0;
	[bflag:$0x2] =	sbarrier.arrive $0xFFFF  }
0x98: {  	[sflag:s0] =	ssyncadd.tile.s32 @!p0 $0x1;
	_ =	shalt  }
.Lfunc_end2:
_tile_overlayer_lowered:
.L_overlay_start_2:
0x99: {  	(tag) =	ssettag $0x2  }
0x9a: {  	s0 =	rddreg [dreg:$0x0];
	s2 =	stileid.u32  }
0x9b: {  	s1 =	rddreg [dreg:$0x1];
	p0 =	sne.s32 s2, $0x0  }
0x9c: {  	s3 =	rddreg [dreg:$0x2];
	[bflag:$0x3] =	sbarrier.arrive $0xFFFF;
	s2 =	simm.s32 @!p0 $0x1C03  }
0x9d: {  	[timem:s3], [sflag:s2] =	dma.local @!p0 [hbm:s0], s1  }
0x9e: {  	s0 =	simm.s32 @!p0 $0x3  }
0x9f: {  	_ =	swait.ge @!p0 [sflag:s0], s1  }
0xa0: {  	s1 =	ssub.s32 @!p0 $0x0, s1;
	[sflag:s0] =	ssyncset.done @!p0 $0x0  }
0xa1: {  	[sflag:s0] =	ssyncadd.s32 @!p0 s1  }
0xa2: {  	[bflag:$0x3] =	sbarrier.arrive $0xFFFF  }
0xa3: {  	_ =	shalt  }

// kernel: kernel.15.cloned.1.call-start
scs
__scs_entry_jumppad:
0x0: {  	(pc) =	sbr.rel $0x88, $3  }
0x1: {  	(tag) =	ssettag $0x0;
	lr =	simm.s32 $0x1  }
0x2: {  	[smem:$0x3F90] =	sst lr;
	_ =	strace $0xD0000000  }
0x3: {  	_ = 	snop  }
0x4: {  	_ = 	snop  }
0x5: {  	_ = 	snop  }
0x6: {  	_ = 	snop  }
0x7: {  	_ = 	snop  }
__scs_overlays_trampoline_lowered:
0x8: {  	[smem:$0x3F9F] =	sst s0  }
0x9: {  	[smem:$0x3FA0] =	sst s1  }
0xa: {  	[smem:$0x3FA1] =	sst s2  }
0xb: {  	[smem:$0x3FA2] =	sst s3  }
0xc: {  	[smem:$0x3FA3] =	sst s4  }
0xd: {  	[smem:$0x3FA4] =	sst s5  }
0xe: {  	[smem:$0x3FA5] =	sst s6  }
0xf: {  	[smem:$0x3FA6] =	sst s7  }
0x10: {  	[smem:$0x3FA7] =	sst s8  }
0x11: {  	[smem:$0x3FA8] =	sst s9;
	s0 =	simm.s32 @!p0 $0x0  }
0x12: {  	s1 =	sld [smem:$0x3F8E];
	s0 =	simm.s32 @p0 $0x1  }
0x13: {  	[smem:$0x3FA9] =	sst s0;
	s0 =	simm.s32 @!p1 $0x0  }
0x14: {  	s2 =	sld [smem:$0x3F8D];
	s0 =	simm.s32 @p1 $0x1  }
0x15: {  	[smem:$0x3FAA] =	sst s0;
	s0 =	simm.s32 @!p2 $0x0  }
0x16: {  	s3 =	sld [smem:$0x3FDB];
	s0 =	simm.s32 @p2 $0x1  }
0x17: {  	s4 =	simm.s32 $0x1BF5;
	[smem:$0x3FAC] =	sst s0  }
0x18: {  	s0 =	sld [smem:$0x3F8F];
	_ =	swait.ge [sflag:s4], $0x0  }
0x19: {  	s7 =	sld [smem:$0x3F90]  }
0x1a: {  	s8 =	sadd.s32 $0xFFFFE003, lr  }
0x1b: {  	s9 =	sadd.s32 $0xFFFFFEF7, lr;
	s5 =	simm.s32 $0xFFFFFFFF;
	p2 =	slt.u32 s8, $0xFFFFF086  }
0x1c: {  	p1 =	slt.u32 s9, $0xF7A;
	s5 =	simm.s32 @!p2 $0x0  }
0x1d: {  	s5 =	simm.s32 @p1 $0x1;
	p0 =	seq.s32 s7, s2  }
0x1e: {  	s7 =	smul.u32 @!p0 $0xF7A, s2;
	p2 =	seq.s32 @!p0 s5, $0x0  }
0x1f: {  	s9 =	smul.u32 $0xF7A, s1;
	s8 =	simm.s32 @!p0 $0x1BF5;
	p2 =	por !p2, p0  }
0x20: {  	[sflag:s8] =	ssyncset.s32 @!p0 $0xFFFFF086;
	s6 =	sadd.s32 @!p0 s3, s7;
	s7 =	simm.s32 @!p0 $0x108  }
0x21: {  	s3 =	sadd.s32 s3, s9;
	s6 =	sadd.s32 @!p0 $0x88, s6;
	s7 =	simm.s32 @p2 $0x1082  }
0x22: {  	[simem:s7], [sflag:s8] =	dma.local @!p0 [hbm:s6], $0xF7A  }
0x23: {  	s9 =	sor.u32 $0xD0000000, s2;
	s6 =	simm.s32 $0x108;
	_ =	swait.ge @!p0 [sflag:s8], $0x0  }
0x24: {  	s3 =	sadd.s32 $0x88, s3;
	s6 =	simm.s32 @!p1 $0x1082;
	[sflag:s4] =	ssyncset.s32 $0xFFFFF086  }
0x25: {  	[simem:s6], [sflag:s4] =	dma.local [hbm:s3], $0xF7A  }
0x26: {  	[smem:$0x3F90] =	sst s1;
	(tag) =	ssettag s2;
	_ =	strace s9  }
0x27: {  	s1 =	sld [smem:$0x3FA0]  }
0x28: {  	s2 =	sld [smem:$0x3FA1]  }
0x29: {  	s4 =	sld [smem:$0x3FA3]  }
0x2a: {  	p0 =	seq.s32 s5, $0x0;
	s5 =	sld [smem:$0x3FA4]  }
0x2b: {  	s6 =	sld [smem:$0x3FA5]  }
0x2c: {  	s7 =	sld [smem:$0x3FA6]  }
0x2d: {  	s3 =	simm.s32 $0x108;
	s8 =	sld [smem:$0x3FA7]  }
0x2e: {  	s3 =	simm.s32 @!p0 $0x1082;
	s9 =	sld [smem:$0x3FA8]  }
0x2f: {  	lr =	sadd.s32 s0, s3;
	s0 =	sld [smem:$0x3F9F]  }
0x30: {  	s3 =	sld [smem:$0x3FA2]  }
0x31: {  	[smem:$0x3FAB] =	sst s10  }
0x32: {  	s10 =	sld [smem:$0x3FA9];
	_ =	sdelay $0x3  }
0x33: {  	p0 =	seq.s32 s10, $0x1;
	s10 =	sld [smem:$0x3FAB];
	_ =	sdelay $0x3  }
0x34: {  	[smem:$0x3FAB] =	sst s10  }
0x35: {  	s10 =	sld [smem:$0x3FAA];
	_ =	sdelay $0x3  }
0x36: {  	p1 =	seq.s32 s10, $0x1;
	s10 =	sld [smem:$0x3FAB];
	_ =	sdelay $0x3  }
0x37: {  	[smem:$0x3FAB] =	sst s10  }
0x38: {  	s10 =	sld [smem:$0x3FAC]  }
0x39: {  	_ = 	snop;
	(pc) =	sbr.ind lr, $3  }
0x3a: {  	_ = 	snop  }
0x3b: {  	_ = 	snop  }
0x3c: {  	p2 =	seq.s32 s10, $0x1;
	s10 =	sld [smem:$0x3FAB]  }
0x3d: {  	_ =	shalt  }
0x3e: {  	_ =	shalt  }
0x3f: {  	_ =	shalt  }
0x40: {  	_ =	shalt  }
0x41: {  	_ =	shalt  }
0x42: {  	_ =	shalt  }
0x43: {  	_ =	shalt  }
0x44: {  	_ =	shalt  }
0x45: {  	_ =	shalt  }
0x46: {  	_ =	shalt  }
0x47: {  	_ =	shalt  }
0x48: {  	_ =	shalt  }
0x49: {  	_ =	shalt  }
0x4a: {  	_ =	shalt  }
0x4b: {  	_ =	shalt  }
0x4c: {  	_ =	shalt  }
0x4d: {  	_ =	shalt  }
0x4e: {  	_ =	shalt  }
0x4f: {  	_ =	shalt  }
0x50: {  	_ =	shalt  }
0x51: {  	_ =	shalt  }
0x52: {  	_ =	shalt  }
0x53: {  	_ =	shalt  }
0x54: {  	_ =	shalt  }
0x55: {  	_ =	shalt  }
0x56: {  	_ =	shalt  }
0x57: {  	_ =	shalt  }
0x58: {  	_ =	shalt  }
0x59: {  	_ =	shalt  }
0x5a: {  	_ =	shalt  }
0x5b: {  	_ =	shalt  }
0x5c: {  	_ =	shalt  }
0x5d: {  	_ =	shalt  }
0x5e: {  	_ =	shalt  }
0x5f: {  	_ =	shalt  }
0x60: {  	_ =	shalt  }
0x61: {  	_ =	shalt  }
0x62: {  	_ =	shalt  }
0x63: {  	_ =	shalt  }
0x64: {  	_ =	shalt  }
0x65: {  	_ =	shalt  }
0x66: {  	_ =	shalt  }
0x67: {  	_ =	shalt  }
0x68: {  	_ =	shalt  }
0x69: {  	_ =	shalt  }
0x6a: {  	_ =	shalt  }
0x6b: {  	_ =	shalt  }
0x6c: {  	_ =	shalt  }
0x6d: {  	_ =	shalt  }
0x6e: {  	_ =	shalt  }
0x6f: {  	_ =	shalt  }
0x70: {  	_ =	shalt  }
0x71: {  	_ =	shalt  }
0x72: {  	_ =	shalt  }
0x73: {  	_ =	shalt  }
0x74: {  	_ =	shalt  }
0x75: {  	_ =	shalt  }
0x76: {  	_ =	shalt  }
0x77: {  	_ =	shalt  }
0x78: {  	_ =	shalt  }
0x79: {  	_ =	shalt  }
0x7a: {  	_ =	shalt  }
0x7b: {  	_ =	shalt  }
0x7c: {  	_ =	shalt  }
0x7d: {  	_ =	shalt  }
0x7e: {  	_ =	shalt  }
0x7f: {  	_ =	shalt  }
0x80: {  	_ =	shalt  }
0x81: {  	_ =	shalt  }
0x82: {  	_ =	shalt  }
0x83: {  	_ =	shalt  }
0x84: {  	_ =	shalt  }
0x85: {  	_ =	shalt  }
0x86: {  	_ =	shalt  }
0x87: {  	_ =	shalt  }
.Lfunc_end0:
.L_simem_size_0:
called_computation.1_lowered:
.L_overlay_start_0:
0x88: {  	s2 =	sld [smem:$0x3FD9]  }
0x89: {  	s3 =	sld [smem:$0x3FFE];
	_ =	sdelay $0x1  }
0x8a: {  	s1 =	srdreg.scid  }
0x8b: {  	s0 =	sand.u32 $0x1, s1  }
0x8c: {  	s17 =	sshll.u32 s0, $0xA;
	s2 =	sadd.s32 s3, s2  }
0x8d: {  	s2 =	sadd.s32 s2, s17  }
0x8e: {  	[smem:$0x3FB7] =	sst s2  }
0x8f: {  	_ = 	snop  }
0x90: {  	s2 =	sld [smem:$0x3FD0];
	(tm) =	ssettm $0x1  }
0x91: {  	s18 =	sld [smem:$0x3FFB];
	_ =	sdelay $0x3  }
0x92: {  	_ =	strace s18  }
0x93: {  	s3 =	sld [smem:$0x3FFC];
	_ =	sdelay $0x3  }
0x94: {  	_ =	strace s3  }
0x95: {  	s3 =	sld [smem:$0x3FFD];
	_ =	sdelay $0x3  }
0x96: {  	_ =	strace s3  }
0x97: {  	_ =	strace $0x8FFFFFFF  }
0x98: {  	s19 =	sld [smem:$0x3FDB];
	_ =	sdelay $0x1  }
0x99: {  	s4 =	simm.s32 $_scs_section_size  }
0x9a: {  	s5 =	simm.s32 $_size__tile_overlayer_lowered;
	s6 =	simm.s32 $_tile_overlayer_lowered  }
0x9b: {  	s22 =	simm.s32 $0x1BFF;
	s21 =	sshll.u32 s6, $0x1;
	s3 =	sadd.s32 s4, s19  }
0x9c: {  	s7 =	simm.s32 $0x0;
	s20 =	sshll.u32 s5, $0x1;
	s5 =	sadd.s32 s21, s3  }
0x9d: {  	[timem:s7], [sflag:s22] =	dma.local [hbm:s5], s20  }
0x9e: {  	_ =	swait.ge [sflag:s22], s20  }
0x9f: {  	s4 =	ssub.s32 $0x0, s20;
	[sflag:s22] =	ssyncset.done $0x0  }
0xa0: {  	[sflag:s22] =	ssyncadd.s32 s4;
	_ =	sdelay $0x1  }
0xa1: {  	s23 =	simm.s32 $0x1B8B  }
0xa2: {  	_ =	swait.ge [sflag:s23], $0x1  }
0xa3: {  	[sflag:s23] =	ssyncset.done $0x0  }
0xa4: {  	s25 =	simm.s32 $0x1B8E;
	s24 =	sld [smem:$0x3FFE];
	[sflag:s23] =	ssyncadd.s32 $0xFFFFFFFF  }
0xa5: {  	s26 =	simm.s32 $execute0_lowered;
	[smem:$0x3FD2] =	sst s25  }
0xa6: {  	s5 =	sshll.u32 s26, $0x1;
	_ =	strace $0x80000049;
	[dreg:$0x1] =	wrdreg $0xFFFFFFFF  }
0xa7: {  	s28 =	simm.s32 $_size_execute0_lowered;
	s3 =	sadd.s32 s3, s5;
	[dreg:$0x0] =	wrdreg $0x0  }
0xa8: {  	s5 =	sshll.u32 s28, $0x1;
	[dreg:$0x2] =	wrdreg s3  }
0xa9: {  	[dreg:$0x3] =	wrdreg s5  }
0xaa: {  	[dreg:$0x4] =	wrdreg $0xC0  }
0xab: {  	_ =	task [dreg:s7], $0x5FFFF  }
0xac: {  	[dreg:$0x1] =	wrdreg $0xFFFFFFFF  }
0xad: {  	[dreg:$0x0] =	wrdreg $0x60  }
0xae: {  	[dreg:$0x2] =	wrdreg s24  }
0xaf: {  	[dreg:$0x3] =	wrdreg s2  }
0xb0: {  	[dreg:$0x4] =	wrdreg $0xA8000  }
0xb1: {  	[dreg:$0x5] =	wrdreg $0x9  }
0xb2: {  	_ =	task.clear_ibuf [dreg:s7], $0x6FFFF;
	_ =	strace $0x90000049  }
0xb3: {  	s29 =	simm.s32 $0x9;
	_ =	strace $0x8000004B  }
0xb4: {  	_ =	swait.ge [sflag:s29], $0x1  }
0xb5: {  	[sflag:s29] =	ssyncadd.s32 $0xFFFFFFFF  }
0xb6: {  	_ =	strace $0x9000004B  }
0xb7: {  	_ =	sfence  }
0xb8: {  	s30 =	sld [smem:$0x0];
	_ =	sdelay $0x2  }
0xb9: {  	s31 =	sshll.u32 s1, $0xD;
	s1 =	sshrl.u32 s1, $0x2  }
0xba: {  	s3 =	sand.u32 $0x4000, s31;
	s1 =	sadd.s32 s1, s30  }
0xbb: {  	s0 =	sor.u32 s3, s0;
	s1 =	sshll.u32 s1, $0x11  }
0xbc: {  	s0 =	sor.u32 s1, s0  }
0xbd: {  	s0 =	sadd.s32 $0x8F2B, s0  }
0xbe: {  	[sflag:s0] =	ssyncadd.remote.s32 $0x1  }
0xbf: {  	_ =	sfence.sel $0xFFFF  }
0xc0: {  	[dreg:$0x0] =	wrdreg $0xFFFFFFFF;
	(pc) =	sbr.abs _section_cstart, $3  }
0xc1: {  	[dreg:$0x1] =	wrdreg $0xFFFFFFFF  }
0xc2: {  	_ =	task.clear_ibuf [dreg:s7], $0x2FFFF;
	_ =	strace $0x9FFFFFFF  }
0xc3: {  	(tm) =	ssettm $0x7FFFFFFF  }
tec
execute0_lowered:
.L_overlay_start_1:
0x0: {  	(tag) =	ssettag $0x1  }
0x1: {  	s8 =	rddreg [dreg:$0x0]  }
0x2: {  	s1 =	rddreg [dreg:$0x1]  }
0x3: {  	s2 =	rddreg [dreg:$0x2];
	s3 =	srdreg.scid  }
0x4: {  	s0 =	rddreg [dreg:$0x3];
	s4 =	simm.s32 $0x0;
	s15 =	simm.s32 $0x1400  }
0x5: {  	s16 =	simm.s32 $0x80;
	s17 =	simm.s32 $0x2800;
	s18 =	simm.s32 $0x6800  }
0x6: {  	s19 =	simm.s32 $0x1;
	s20 =	simm.s32 $0x2;
	s21 =	simm.s32 $0x2700  }
0x7: {  	s22 =	simm.s32 $0x2780;
	s10 =	sand.u32 $0x1, s3;
	s3 =	stileid.u32  }
0x8: {  	[smem:$0x7FF] =	sst s4;
	s5 =	sadd.s32 $0x27E00, s8;
	s7 =	smul.u32 $0x13C000, s10  }
0x9: {  	s6 =	sadd.s32 $0x7600, s8;
	s9 =	smul.u32 $0x13C00, s3;
	_ =	strace $0x8000004A  }
0xa: {  	s29 =	ssub.s32 $0x2, s10;
	s13 =	smul.u32 $0x4F000, s3;
	s31 =	sshll.u32 s3, $0x6  }
0xb: {  	s10 =	smul.u32 $0x50000, s10;
	s12 =	sshrl.u32 s29, $0x1;
	s7 =	sadd.s32 s9, s7  }
0xc: {  	s12 =	ssub.s32 s29, s12;
	s30 =	sshrl.u32 s13, $0x2;
	s9 =	sor.u32 $0x1C03, s31  }
0xd: {  	s11 =	sshrl.u32 s7, $0x3;
	s7 =	sadd.s32 $0x25600, s8;
	s14 =	sadd.s32 s30, s2  }
0xe: {  	s12 =	smax.u32 s12, $0x1;
	s11 =	sadd.s32 s11, s8;
	s8 =	smul.u32 $0xA0, s3  }
0xf: {  	s13 =	sshrl.u32 s14, $0x3;
	s14 =	simm.s32 $0x3;
	s11 =	sadd.s32 $0x77800, s11  }
.LBB2_1:
0x10: {  	[spmem:s13], [sflag:s9] =	dma.local [hbm:s7], $0x2780  }
0x11: {  	_ =	swait.ge [sflag:s14], $0x2780  }
0x12: {  	[sflag:s14] =	ssyncset.done $0x0  }
0x13: {  	[sflag:s14] =	ssyncadd.s32 $0xFFFFD880  }
0x14: {  	s23 =	simm.s32 $0x0;
	[bflag:$0x0] =	sbarrier.arrive $0xFFFF  }
.LBB2_2:
0x15: {  	s24 =	smul.u32 $0x28, s23;
	_ =	sdelay $0x1  }
0x16: {  	s24 =	sadd.s32 s8, s24  }
0x17: {  	s25 =	sshll.u32 s24, $0x7  }
0x18: {  	s25 =	sadd.s32 s10, s25  }
0x19: {  	s25 =	sshrl.u32 s25, $0x3  }
0x1a: {  	s26 =	simm.s32 $0x0;
	s25 =	sadd.s32 s1, s25  }
0x1b: {  	[tilespmem:s26], [sflag:$0x3] =	stream.linear.gather [hbm4b:s25+s26], $0x1400, $0x38;
	[tilespmem:$0x1E400] =	vst v63  }
0x1c: {  	_ =	swait.ge [sflag:s14], $0x1400  }
0x1d: {  	s24 =	sshll.u32 s24, $0x4;
	[sflag:s14] =	ssyncset.done $0x0  }
0x1e: {  	s24 =	sadd.s32 s6, s24;
	[sflag:s14] =	ssyncadd.s32 $0xFFFFEC00  }
0x1f: {  	[tilespmem:s15], [sflag:$0x3] =	stream.linear.gather [hbm4b:s24+s26], $0x1400, $0x38;
	[tilespmem:$0x1E400] =	vst v63  }
0x20: {  	_ =	swait.ge [sflag:s14], $0x1400  }
0x21: {  	[sflag:s14] =	ssyncset.done $0x0  }
0x22: {  	[sflag:s14] =	ssyncadd.s32 $0xFFFFEC00  }
0x23: {  	[tilespmem:s17], [sflag:$0x1] =	stream.indirect.gather [hbm4b:s5+s16], $0x80, s26, s16, $0xb8;
	[tilespmem:$0x1E400] =	vst v63  }
0x24: {  	_ = 	snop  }
0x25: {  	[tilespmem:s18], [sflag:$0x2] =	stream.indirect.gather [hbm4b:s5+s16], $0x80, s16, s16, $0xb8;
	[tilespmem:$0x1E400] =	vst v63  }
0x26: {  	_ =	swait.ge [sflag:s19], $0x4000  }
0x27: {  	[sflag:s19] =	ssyncset.done $0x0  }
0x28: {  	s29 =	simm.s32 $0x1400;
	[sflag:s19] =	ssyncadd.s32 $0xFFFFC000  }
0x29: {  	[spmem:s2] =	stream.indirect.scatter.add.f32 [tilespmem:s17], [sflag:$0x3], $0x80, s29, s16, $0xb8;
	[tilespmem:$0x1E400] =	vst v63  }
0x2a: {  	_ =	swait.ge [sflag:s14], $0x4000  }
0x2b: {  	[sflag:s14] =	ssyncset.done $0x0  }
0x2c: {  	s30 =	simm.s32 $0x100;
	[sflag:s14] =	ssyncadd.s32 $0xFFFFC000  }
0x2d: {  	[tilespmem:s17], [sflag:$0x1] =	stream.indirect.gather [hbm4b:s5+s16], $0x80, s30, s16, $0xb8;
	[tilespmem:$0x1E400] =	vst v63  }
0x2e: {  	_ =	swait.ge [sflag:s20], $0x4000  }
0x2f: {  	[sflag:s20] =	ssyncset.done $0x0  }
0x30: {  	s31 =	simm.s32 $0x1480;
	[sflag:s20] =	ssyncadd.s32 $0xFFFFC000  }
0x31: {  	[spmem:s2] =	stream.indirect.scatter.add.f32 [tilespmem:s18], [sflag:$0x3], $0x80, s31, s16, $0xb8;
	[tilespmem:$0x1E400] =	vst v63  }
0x32: {  	_ =	swait.ge [sflag:s14], $0x4000  }
0x33: {  	[sflag:s14] =	ssyncset.done $0x0  }
0x34: {  	s25 =	simm.s32 $0x180;
	s24 =	simm.s32 $0x400;
	[sflag:s14] =	ssyncadd.s32 $0xFFFFC000  }
.LBB2_3:
0x35: {  	[tilespmem:s18], [sflag:$0x2] =	stream.indirect.gather [hbm4b:s5+s16], $0x80, s25, s16, $0xb8;
	[tilespmem:$0x1E400] =	vst v63  }
0x36: {  	s25 =	smov.u32 s24  }
0x37: {  	p0 =	sne.s32 s24, $0x4800;
	s24 =	sadd.s32 $0x400, s24;
	_ =	swait.ge [sflag:s19], $0x4000  }
0x38: {  	s25 =	sshra.s32 s25, $0x2;
	[sflag:s19] =	ssyncset.done $0x0  }
0x39: {  	s26 =	sadd.s32 $0x1400, s25;
	[sflag:s19] =	ssyncadd.s32 $0xFFFFC000  }
0x3a: {  	[spmem:s2] =	stream.indirect.scatter.add.f32 [tilespmem:s17], [sflag:$0x3], $0x80, s26, s16, $0xb8;
	[tilespmem:$0x1E400] =	vst v63  }
0x3b: {  	_ =	swait.ge [sflag:s14], $0x4000  }
0x3c: {  	[sflag:s14] =	ssyncset.done $0x0  }
0x3d: {  	s26 =	sadd.s32 $0x100, s25;
	[sflag:s14] =	ssyncadd.s32 $0xFFFFC000  }
0x3e: {  	[tilespmem:s17], [sflag:$0x1] =	stream.indirect.gather [hbm4b:s5+s16], $0x80, s26, s16, $0xb8;
	[tilespmem:$0x1E400] =	vst v63  }
0x3f: {  	_ =	swait.ge [sflag:s20], $0x4000  }
0x40: {  	[sflag:s20] =	ssyncset.done $0x0  }
.Ltmp0:
0x41: {  	s26 =	sadd.s32 $0x1480, s25;
	[sflag:s20] =	ssyncadd.s32 $0xFFFFC000;
	(pc) =	sbr.rel @p0 .LBB2_3-.Ltmp0, $4  }
0x42: {  	[spmem:s2] =	stream.indirect.scatter.add.f32 [tilespmem:s18], [sflag:$0x3], $0x80, s26, s16, $0xb8;
	[tilespmem:$0x1E400] =	vst v63  }
0x43: {  	_ =	swait.ge [sflag:s14], $0x4000  }
0x44: {  	[sflag:s14] =	ssyncset.done $0x0  }
0x45: {  	s25 =	sadd.s32 $0x180, s25;
	[sflag:s14] =	ssyncadd.s32 $0xFFFFC000  }
0x46: {  	[tilespmem:s18], [sflag:$0x2] =	stream.indirect.gather [hbm4b:s5+s16], $0x80, s25, s16, $0xb8;
	[tilespmem:$0x1E400] =	vst v63  }
0x47: {  	_ =	swait.ge [sflag:s19], $0x4000  }
0x48: {  	[sflag:s19] =	ssyncset.done $0x0  }
0x49: {  	[sflag:s19] =	ssyncadd.s32 $0xFFFFC000  }
0x4a: {  	[spmem:s2] =	stream.indirect.scatter.add.f32 [tilespmem:s17], [sflag:$0x3], $0x80, s21, s16, $0xb8;
	[tilespmem:$0x1E400] =	vst v63  }
0x4b: {  	_ =	swait.ge [sflag:s14], $0x4000  }
0x4c: {  	[sflag:s14] =	ssyncset.done $0x0  }
0x4d: {  	[sflag:s14] =	ssyncadd.s32 $0xFFFFC000  }
0x4e: {  	s23 =	sadd.s32 $0x1, s23;
	_ =	swait.ge [sflag:s20], $0x4000  }
0x4f: {  	p0 =	sne.s32 s23, $0x4;
	[sflag:s20] =	ssyncset.done $0x0  }
.Ltmp1:
0x50: {  	[sflag:s20] =	ssyncadd.s32 $0xFFFFC000;
	(pc) =	sbr.rel @p0 .LBB2_2-.Ltmp1, $4  }
0x51: {  	[spmem:s2] =	stream.indirect.scatter.add.f32 [tilespmem:s18], [sflag:$0x3], $0x80, s22, s16, $0xb8;
	[tilespmem:$0x1E400] =	vst v63  }
0x52: {  	_ =	swait.ge [sflag:s14], $0x4000  }
0x53: {  	[sflag:s14] =	ssyncset.done $0x0  }
0x54: {  	[sflag:s14] =	ssyncadd.s32 $0xFFFFC000  }
0x55: {  	s4 =	sadd.s32 $0x1, s4  }
0x56: {  	p0 =	sne.s32 s4, s12  }
.Ltmp2:
0x57: {  	[bflag:$0x0] =	sbarrier.arrive $0xFFFF;
	(pc) =	sbr.rel @p0 .LBB2_1-.Ltmp2, $4  }
0x58: {  	[hbm:s11], [sflag:s9] =	dma.local [spmem:s13], $0x2780  }
0x59: {  	_ =	swait.ge [sflag:s14], $0x2780  }
0x5a: {  	[sflag:s14] =	ssyncset.done $0x0  }
0x5b: {  	[sflag:s14] =	ssyncadd.s32 $0xFFFFD880  }
0x5c: {  	_ =	sfence.sel $0x180000  }
0x5d: {  	[bflag:$0x0] =	sbarrier.arrive $0xFFFF  }
0x5e: {  	p0 =	sne.s32 s3, $0x0;
	_ =	strace $0x9000004A  }
0x5f: {  	s0 =	sadd.s32 @!p0 $0x100000, s0;
	[bflag:$0x2] =	sbarrier.arrive $0xFFFF  }
0x60: {  	[sflag:s0] =	ssyncadd.tile.s32 @!p0 $0x1;
	_ =	shalt  }
.Lfunc_end2:
_tile_overlayer_lowered:
.L_overlay_start_2:
0x61: {  	(tag) =	ssettag $0x2  }
0x62: {  	s0 =	rddreg [dreg:$0x0];
	s2 =	stileid.u32  }
0x63: {  	s1 =	rddreg [dreg:$0x1];
	p0 =	sne.s32 s2, $0x0  }
0x64: {  	s3 =	rddreg [dreg:$0x2];
	[bflag:$0x3] =	sbarrier.arrive $0xFFFF;
	s2 =	simm.s32 @!p0 $0x1C03  }
0x65: {  	[timem:s3], [sflag:s2] =	dma.local @!p0 [hbm:s0], s1  }
0x66: {  	s0 =	simm.s32 @!p0 $0x3  }
0x67: {  	_ =	swait.ge @!p0 [sflag:s0], s1  }
0x68: {  	s1 =	ssub.s32 @!p0 $0x0, s1;
	[sflag:s0] =	ssyncset.done @!p0 $0x0  }
0x69: {  	[sflag:s0] =	ssyncadd.s32 @!p0 s1  }
0x6a: {  	[bflag:$0x3] =	sbarrier.arrive $0xFFFF  }
0x6b: {  	_ =	shalt  }

// kernel: kernel.18.cloned.1.call-start
scs
__scs_entry_jumppad:
0x0: {  	(pc) =	sbr.rel $0x88, $3  }
0x1: {  	(tag) =	ssettag $0x0;
	lr =	simm.s32 $0x1  }
0x2: {  	[smem:$0x3F90] =	sst lr;
	_ =	strace $0xD0000000  }
0x3: {  	_ = 	snop  }
0x4: {  	_ = 	snop  }
0x5: {  	_ = 	snop  }
0x6: {  	_ = 	snop  }
0x7: {  	_ = 	snop  }
__scs_overlays_trampoline_lowered:
0x8: {  	[smem:$0x3F9F] =	sst s0  }
0x9: {  	[smem:$0x3FA0] =	sst s1  }
0xa: {  	[smem:$0x3FA1] =	sst s2  }
0xb: {  	[smem:$0x3FA2] =	sst s3  }
0xc: {  	[smem:$0x3FA3] =	sst s4  }
0xd: {  	[smem:$0x3FA4] =	sst s5  }
0xe: {  	[smem:$0x3FA5] =	sst s6  }
0xf: {  	[smem:$0x3FA6] =	sst s7  }
0x10: {  	[smem:$0x3FA7] =	sst s8  }
0x11: {  	[smem:$0x3FA8] =	sst s9;
	s0 =	simm.s32 @!p0 $0x0  }
0x12: {  	s1 =	sld [smem:$0x3F8E];
	s0 =	simm.s32 @p0 $0x1  }
0x13: {  	[smem:$0x3FA9] =	sst s0;
	s0 =	simm.s32 @!p1 $0x0  }
0x14: {  	s2 =	sld [smem:$0x3F8D];
	s0 =	simm.s32 @p1 $0x1  }
0x15: {  	[smem:$0x3FAA] =	sst s0;
	s0 =	simm.s32 @!p2 $0x0  }
0x16: {  	s3 =	sld [smem:$0x3FDB];
	s0 =	simm.s32 @p2 $0x1  }
0x17: {  	s4 =	simm.s32 $0x1BF5;
	[smem:$0x3FAC] =	sst s0  }
0x18: {  	s0 =	sld [smem:$0x3F8F];
	_ =	swait.ge [sflag:s4], $0x0  }
0x19: {  	s7 =	sld [smem:$0x3F90]  }
0x1a: {  	s8 =	sadd.s32 $0xFFFFE003, lr  }
0x1b: {  	s9 =	sadd.s32 $0xFFFFFEF7, lr;
	s5 =	simm.s32 $0xFFFFFFFF;
	p2 =	slt.u32 s8, $0xFFFFF086  }
0x1c: {  	p1 =	slt.u32 s9, $0xF7A;
	s5 =	simm.s32 @!p2 $0x0  }
0x1d: {  	s5 =	simm.s32 @p1 $0x1;
	p0 =	seq.s32 s7, s2  }
0x1e: {  	s7 =	smul.u32 @!p0 $0xF7A, s2;
	p2 =	seq.s32 @!p0 s5, $0x0  }
0x1f: {  	s9 =	smul.u32 $0xF7A, s1;
	s8 =	simm.s32 @!p0 $0x1BF5;
	p2 =	por !p2, p0  }
0x20: {  	[sflag:s8] =	ssyncset.s32 @!p0 $0xFFFFF086;
	s6 =	sadd.s32 @!p0 s3, s7;
	s7 =	simm.s32 @!p0 $0x108  }
0x21: {  	s3 =	sadd.s32 s3, s9;
	s6 =	sadd.s32 @!p0 $0x88, s6;
	s7 =	simm.s32 @p2 $0x1082  }
0x22: {  	[simem:s7], [sflag:s8] =	dma.local @!p0 [hbm:s6], $0xF7A  }
0x23: {  	s9 =	sor.u32 $0xD0000000, s2;
	s6 =	simm.s32 $0x108;
	_ =	swait.ge @!p0 [sflag:s8], $0x0  }
0x24: {  	s3 =	sadd.s32 $0x88, s3;
	s6 =	simm.s32 @!p1 $0x1082;
	[sflag:s4] =	ssyncset.s32 $0xFFFFF086  }
0x25: {  	[simem:s6], [sflag:s4] =	dma.local [hbm:s3], $0xF7A  }
0x26: {  	[smem:$0x3F90] =	sst s1;
	(tag) =	ssettag s2;
	_ =	strace s9  }
0x27: {  	s1 =	sld [smem:$0x3FA0]  }
0x28: {  	s2 =	sld [smem:$0x3FA1]  }
0x29: {  	s4 =	sld [smem:$0x3FA3]  }
0x2a: {  	p0 =	seq.s32 s5, $0x0;
	s5 =	sld [smem:$0x3FA4]  }
0x2b: {  	s6 =	sld [smem:$0x3FA5]  }
0x2c: {  	s7 =	sld [smem:$0x3FA6]  }
0x2d: {  	s3 =	simm.s32 $0x108;
	s8 =	sld [smem:$0x3FA7]  }
0x2e: {  	s3 =	simm.s32 @!p0 $0x1082;
	s9 =	sld [smem:$0x3FA8]  }
0x2f: {  	lr =	sadd.s32 s0, s3;
	s0 =	sld [smem:$0x3F9F]  }
0x30: {  	s3 =	sld [smem:$0x3FA2]  }
0x31: {  	[smem:$0x3FAB] =	sst s10  }
0x32: {  	s10 =	sld [smem:$0x3FA9];
	_ =	sdelay $0x3  }
0x33: {  	p0 =	seq.s32 s10, $0x1;
	s10 =	sld [smem:$0x3FAB];
	_ =	sdelay $0x3  }
0x34: {  	[smem:$0x3FAB] =	sst s10  }
0x35: {  	s10 =	sld [smem:$0x3FAA];
	_ =	sdelay $0x3  }
0x36: {  	p1 =	seq.s32 s10, $0x1;
	s10 =	sld [smem:$0x3FAB];
	_ =	sdelay $0x3  }
0x37: {  	[smem:$0x3FAB] =	sst s10  }
0x38: {  	s10 =	sld [smem:$0x3FAC]  }
0x39: {  	_ = 	snop;
	(pc) =	sbr.ind lr, $3  }
0x3a: {  	_ = 	snop  }
0x3b: {  	_ = 	snop  }
0x3c: {  	p2 =	seq.s32 s10, $0x1;
	s10 =	sld [smem:$0x3FAB]  }
0x3d: {  	_ =	shalt  }
0x3e: {  	_ =	shalt  }
0x3f: {  	_ =	shalt  }
0x40: {  	_ =	shalt  }
0x41: {  	_ =	shalt  }
0x42: {  	_ =	shalt  }
0x43: {  	_ =	shalt  }
0x44: {  	_ =	shalt  }
0x45: {  	_ =	shalt  }
0x46: {  	_ =	shalt  }
0x47: {  	_ =	shalt  }
0x48: {  	_ =	shalt  }
0x49: {  	_ =	shalt  }
0x4a: {  	_ =	shalt  }
0x4b: {  	_ =	shalt  }
0x4c: {  	_ =	shalt  }
0x4d: {  	_ =	shalt  }
0x4e: {  	_ =	shalt  }
0x4f: {  	_ =	shalt  }
0x50: {  	_ =	shalt  }
0x51: {  	_ =	shalt  }
0x52: {  	_ =	shalt  }
0x53: {  	_ =	shalt  }
0x54: {  	_ =	shalt  }
0x55: {  	_ =	shalt  }
0x56: {  	_ =	shalt  }
0x57: {  	_ =	shalt  }
0x58: {  	_ =	shalt  }
0x59: {  	_ =	shalt  }
0x5a: {  	_ =	shalt  }
0x5b: {  	_ =	shalt  }
0x5c: {  	_ =	shalt  }
0x5d: {  	_ =	shalt  }
0x5e: {  	_ =	shalt  }
0x5f: {  	_ =	shalt  }
0x60: {  	_ =	shalt  }
0x61: {  	_ =	shalt  }
0x62: {  	_ =	shalt  }
0x63: {  	_ =	shalt  }
0x64: {  	_ =	shalt  }
0x65: {  	_ =	shalt  }
0x66: {  	_ =	shalt  }
0x67: {  	_ =	shalt  }
0x68: {  	_ =	shalt  }
0x69: {  	_ =	shalt  }
0x6a: {  	_ =	shalt  }
0x6b: {  	_ =	shalt  }
0x6c: {  	_ =	shalt  }
0x6d: {  	_ =	shalt  }
0x6e: {  	_ =	shalt  }
0x6f: {  	_ =	shalt  }
0x70: {  	_ =	shalt  }
0x71: {  	_ =	shalt  }
0x72: {  	_ =	shalt  }
0x73: {  	_ =	shalt  }
0x74: {  	_ =	shalt  }
0x75: {  	_ =	shalt  }
0x76: {  	_ =	shalt  }
0x77: {  	_ =	shalt  }
0x78: {  	_ =	shalt  }
0x79: {  	_ =	shalt  }
0x7a: {  	_ =	shalt  }
0x7b: {  	_ =	shalt  }
0x7c: {  	_ =	shalt  }
0x7d: {  	_ =	shalt  }
0x7e: {  	_ =	shalt  }
0x7f: {  	_ =	shalt  }
0x80: {  	_ =	shalt  }
0x81: {  	_ =	shalt  }
0x82: {  	_ =	shalt  }
0x83: {  	_ =	shalt  }
0x84: {  	_ =	shalt  }
0x85: {  	_ =	shalt  }
0x86: {  	_ =	shalt  }
0x87: {  	_ =	shalt  }
.Lfunc_end0:
.L_simem_size_0:
called_computation.2_lowered:
.L_overlay_start_0:
0x88: {  	s2 =	sld [smem:$0x3FD9]  }
0x89: {  	s3 =	sld [smem:$0x3FFE];
	_ =	sdelay $0x1  }
0x8a: {  	s1 =	srdreg.scid  }
0x8b: {  	s0 =	sand.u32 $0x1, s1  }
0x8c: {  	s17 =	sshll.u32 s0, $0xA;
	s2 =	sadd.s32 s3, s2  }
0x8d: {  	s2 =	sadd.s32 s2, s17  }
0x8e: {  	[smem:$0x3FB7] =	sst s2  }
0x8f: {  	_ = 	snop  }
0x90: {  	s2 =	sld [smem:$0x3FD0];
	(tm) =	ssettm $0x1  }
0x91: {  	s18 =	sld [smem:$0x3FFB];
	_ =	sdelay $0x3  }
0x92: {  	_ =	strace s18  }
0x93: {  	s3 =	sld [smem:$0x3FFC];
	_ =	sdelay $0x3  }
0x94: {  	_ =	strace s3  }
0x95: {  	s3 =	sld [smem:$0x3FFD];
	_ =	sdelay $0x3  }
0x96: {  	_ =	strace s3  }
0x97: {  	_ =	strace $0x8FFFFFFF  }
0x98: {  	s19 =	sld [smem:$0x3FDB];
	_ =	sdelay $0x1  }
0x99: {  	s4 =	simm.s32 $_scs_section_size  }
0x9a: {  	s5 =	simm.s32 $_size__tile_overlayer_lowered;
	s6 =	simm.s32 $_tile_overlayer_lowered  }
0x9b: {  	s22 =	simm.s32 $0x1BFF;
	s21 =	sshll.u32 s6, $0x1;
	s3 =	sadd.s32 s4, s19  }
0x9c: {  	s7 =	simm.s32 $0x0;
	s20 =	sshll.u32 s5, $0x1;
	s5 =	sadd.s32 s21, s3  }
0x9d: {  	[timem:s7], [sflag:s22] =	dma.local [hbm:s5], s20  }
0x9e: {  	_ =	swait.ge [sflag:s22], s20  }
0x9f: {  	s4 =	ssub.s32 $0x0, s20;
	[sflag:s22] =	ssyncset.done $0x0  }
0xa0: {  	[sflag:s22] =	ssyncadd.s32 s4;
	_ =	sdelay $0x1  }
0xa1: {  	s23 =	simm.s32 $0x1B8B  }
0xa2: {  	_ =	swait.ge [sflag:s23], $0x1  }
0xa3: {  	[sflag:s23] =	ssyncset.done $0x0  }
0xa4: {  	s25 =	simm.s32 $0x1B8E;
	s24 =	sld [smem:$0x3FFE];
	[sflag:s23] =	ssyncadd.s32 $0xFFFFFFFF  }
0xa5: {  	s26 =	simm.s32 $execute0_lowered;
	[smem:$0x3FD2] =	sst s25  }
0xa6: {  	s5 =	sshll.u32 s26, $0x1;
	_ =	strace $0x8000004C;
	[dreg:$0x1] =	wrdreg $0xFFFFFFFF  }
0xa7: {  	s28 =	simm.s32 $_size_execute0_lowered;
	s3 =	sadd.s32 s3, s5;
	[dreg:$0x0] =	wrdreg $0x0  }
0xa8: {  	s5 =	sshll.u32 s28, $0x1;
	[dreg:$0x2] =	wrdreg s3  }
0xa9: {  	[dreg:$0x3] =	wrdreg s5  }
0xaa: {  	[dreg:$0x4] =	wrdreg $0xC0  }
0xab: {  	_ =	task [dreg:s7], $0x5FFFF  }
0xac: {  	[dreg:$0x1] =	wrdreg $0xFFFFFFFF  }
0xad: {  	[dreg:$0x0] =	wrdreg $0x60  }
0xae: {  	[dreg:$0x2] =	wrdreg s24  }
0xaf: {  	[dreg:$0x3] =	wrdreg s2  }
0xb0: {  	[dreg:$0x4] =	wrdreg $0xA8000  }
0xb1: {  	[dreg:$0x5] =	wrdreg $0x9  }
0xb2: {  	_ =	task.clear_ibuf [dreg:s7], $0x6FFFF;
	_ =	strace $0x9000004C  }
0xb3: {  	s29 =	simm.s32 $0x9;
	_ =	strace $0x8000004E  }
0xb4: {  	_ =	swait.ge [sflag:s29], $0x1  }
0xb5: {  	[sflag:s29] =	ssyncadd.s32 $0xFFFFFFFF  }
0xb6: {  	_ =	strace $0x9000004E  }
0xb7: {  	_ =	sfence  }
0xb8: {  	s30 =	sld [smem:$0x0];
	_ =	sdelay $0x2  }
0xb9: {  	s31 =	sshll.u32 s1, $0xD;
	s1 =	sshrl.u32 s1, $0x2  }
0xba: {  	s3 =	sand.u32 $0x4000, s31;
	s1 =	sadd.s32 s1, s30  }
0xbb: {  	s0 =	sor.u32 s3, s0;
	s1 =	sshll.u32 s1, $0x11  }
0xbc: {  	s0 =	sor.u32 s1, s0  }
0xbd: {  	s0 =	sadd.s32 $0x8F2B, s0  }
0xbe: {  	[sflag:s0] =	ssyncadd.remote.s32 $0x1  }
0xbf: {  	_ =	sfence.sel $0xFFFF  }
0xc0: {  	[dreg:$0x0] =	wrdreg $0xFFFFFFFF;
	(pc) =	sbr.abs _section_cstart, $3  }
0xc1: {  	[dreg:$0x1] =	wrdreg $0xFFFFFFFF  }
0xc2: {  	_ =	task.clear_ibuf [dreg:s7], $0x2FFFF;
	_ =	strace $0x9FFFFFFF  }
0xc3: {  	(tm) =	ssettm $0x7FFFFFFF  }
tec
execute0_lowered:
.L_overlay_start_1:
0x0: {  	(tag) =	ssettag $0x1  }
0x1: {  	s8 =	rddreg [dreg:$0x0]  }
0x2: {  	s1 =	rddreg [dreg:$0x1]  }
0x3: {  	s2 =	rddreg [dreg:$0x2];
	s3 =	srdreg.scid  }
0x4: {  	s0 =	rddreg [dreg:$0x3];
	s4 =	simm.s32 $0x0;
	s15 =	simm.s32 $0x1400  }
0x5: {  	s16 =	simm.s32 $0x80;
	s17 =	simm.s32 $0x2800;
	s18 =	simm.s32 $0x6800  }
0x6: {  	s19 =	simm.s32 $0x1;
	s20 =	simm.s32 $0x2;
	s21 =	simm.s32 $0x2700  }
0x7: {  	s22 =	simm.s32 $0x2780;
	s10 =	sand.u32 $0x1, s3;
	s3 =	stileid.u32  }
0x8: {  	[smem:$0x7FF] =	sst s4;
	s5 =	sadd.s32 $0x27E00, s8;
	s7 =	smul.u32 $0x13C000, s10  }
0x9: {  	s6 =	sadd.s32 $0x7600, s8;
	s9 =	smul.u32 $0x13C00, s3;
	_ =	strace $0x8000004D  }
0xa: {  	s29 =	ssub.s32 $0x2, s10;
	s13 =	smul.u32 $0x4F000, s3;
	s31 =	sshll.u32 s3, $0x6  }
0xb: {  	s10 =	smul.u32 $0x50000, s10;
	s12 =	sshrl.u32 s29, $0x1;
	s7 =	sadd.s32 s9, s7  }
0xc: {  	s12 =	ssub.s32 s29, s12;
	s30 =	sshrl.u32 s13, $0x2;
	s9 =	sor.u32 $0x1C03, s31  }
0xd: {  	s11 =	sshrl.u32 s7, $0x3;
	s7 =	sadd.s32 $0x25600, s8;
	s14 =	sadd.s32 s30, s2  }
0xe: {  	s12 =	smax.u32 s12, $0x1;
	s11 =	sadd.s32 s11, s8;
	s8 =	smul.u32 $0xA0, s3  }
0xf: {  	s13 =	sshrl.u32 s14, $0x3;
	s14 =	simm.s32 $0x3;
	s11 =	sadd.s32 $0x77800, s11  }
.LBB2_1:
0x10: {  	[spmem:s13], [sflag:s9] =	dma.local [hbm:s7], $0x2780  }
0x11: {  	_ =	swait.ge [sflag:s14], $0x2780  }
0x12: {  	[sflag:s14] =	ssyncset.done $0x0  }
0x13: {  	[sflag:s14] =	ssyncadd.s32 $0xFFFFD880  }
0x14: {  	s23 =	simm.s32 $0x0;
	[bflag:$0x0] =	sbarrier.arrive $0xFFFF  }
.LBB2_2:
0x15: {  	s24 =	smul.u32 $0x28, s23;
	_ =	sdelay $0x1  }
0x16: {  	s24 =	sadd.s32 s8, s24  }
0x17: {  	s25 =	sshll.u32 s24, $0x7  }
0x18: {  	s25 =	sadd.s32 s10, s25  }
0x19: {  	s25 =	sshrl.u32 s25, $0x3  }
0x1a: {  	s26 =	simm.s32 $0x0;
	s25 =	sadd.s32 s1, s25  }
0x1b: {  	[tilespmem:s26], [sflag:$0x3] =	stream.linear.gather [hbm4b:s25+s26], $0x1400, $0x38;
	[tilespmem:$0x1E400] =	vst v63  }
0x1c: {  	_ =	swait.ge [sflag:s14], $0x1400  }
0x1d: {  	s24 =	sshll.u32 s24, $0x4;
	[sflag:s14] =	ssyncset.done $0x0  }
0x1e: {  	s24 =	sadd.s32 s6, s24;
	[sflag:s14] =	ssyncadd.s32 $0xFFFFEC00  }
0x1f: {  	[tilespmem:s15], [sflag:$0x3] =	stream.linear.gather [hbm4b:s24+s26], $0x1400, $0x38;
	[tilespmem:$0x1E400] =	vst v63  }
0x20: {  	_ =	swait.ge [sflag:s14], $0x1400  }
0x21: {  	[sflag:s14] =	ssyncset.done $0x0  }
0x22: {  	[sflag:s14] =	ssyncadd.s32 $0xFFFFEC00  }
0x23: {  	[tilespmem:s17], [sflag:$0x1] =	stream.indirect.gather [hbm4b:s5+s16], $0x80, s26, s16, $0xb8;
	[tilespmem:$0x1E400] =	vst v63  }
0x24: {  	_ = 	snop  }
0x25: {  	[tilespmem:s18], [sflag:$0x2] =	stream.indirect.gather [hbm4b:s5+s16], $0x80, s16, s16, $0xb8;
	[tilespmem:$0x1E400] =	vst v63  }
0x26: {  	_ =	swait.ge [sflag:s19], $0x4000  }
0x27: {  	[sflag:s19] =	ssyncset.done $0x0  }
0x28: {  	s29 =	simm.s32 $0x1400;
	[sflag:s19] =	ssyncadd.s32 $0xFFFFC000  }
0x29: {  	[spmem:s2] =	stream.indirect.scatter.add.f32 [tilespmem:s17], [sflag:$0x3], $0x80, s29, s16, $0xb8;
	[tilespmem:$0x1E400] =	vst v63  }
0x2a: {  	_ =	swait.ge [sflag:s14], $0x4000  }
0x2b: {  	[sflag:s14] =	ssyncset.done $0x0  }
0x2c: {  	s30 =	simm.s32 $0x100;
	[sflag:s14] =	ssyncadd.s32 $0xFFFFC000  }
0x2d: {  	[tilespmem:s17], [sflag:$0x1] =	stream.indirect.gather [hbm4b:s5+s16], $0x80, s30, s16, $0xb8;
	[tilespmem:$0x1E400] =	vst v63  }
0x2e: {  	_ =	swait.ge [sflag:s20], $0x4000  }
0x2f: {  	[sflag:s20] =	ssyncset.done $0x0  }
0x30: {  	s31 =	simm.s32 $0x1480;
	[sflag:s20] =	ssyncadd.s32 $0xFFFFC000  }
0x31: {  	[spmem:s2] =	stream.indirect.scatter.add.f32 [tilespmem:s18], [sflag:$0x3], $0x80, s31, s16, $0xb8;
	[tilespmem:$0x1E400] =	vst v63  }
0x32: {  	_ =	swait.ge [sflag:s14], $0x4000  }
0x33: {  	[sflag:s14] =	ssyncset.done $0x0  }
0x34: {  	s25 =	simm.s32 $0x180;
	s24 =	simm.s32 $0x400;
	[sflag:s14] =	ssyncadd.s32 $0xFFFFC000  }
.LBB2_3:
0x35: {  	[tilespmem:s18], [sflag:$0x2] =	stream.indirect.gather [hbm4b:s5+s16], $0x80, s25, s16, $0xb8;
	[tilespmem:$0x1E400] =	vst v63  }
0x36: {  	s25 =	smov.u32 s24  }
0x37: {  	p0 =	sne.s32 s24, $0x4800;
	s24 =	sadd.s32 $0x400, s24;
	_ =	swait.ge [sflag:s19], $0x4000  }
0x38: {  	s25 =	sshra.s32 s25, $0x2;
	[sflag:s19] =	ssyncset.done $0x0  }
0x39: {  	s26 =	sadd.s32 $0x1400, s25;
	[sflag:s19] =	ssyncadd.s32 $0xFFFFC000  }
0x3a: {  	[spmem:s2] =	stream.indirect.scatter.add.f32 [tilespmem:s17], [sflag:$0x3], $0x80, s26, s16, $0xb8;
	[tilespmem:$0x1E400] =	vst v63  }
0x3b: {  	_ =	swait.ge [sflag:s14], $0x4000  }
0x3c: {  	[sflag:s14] =	ssyncset.done $0x0  }
0x3d: {  	s26 =	sadd.s32 $0x100, s25;
	[sflag:s14] =	ssyncadd.s32 $0xFFFFC000  }
0x3e: {  	[tilespmem:s17], [sflag:$0x1] =	stream.indirect.gather [hbm4b:s5+s16], $0x80, s26, s16, $0xb8;
	[tilespmem:$0x1E400] =	vst v63  }
0x3f: {  	_ =	swait.ge [sflag:s20], $0x4000  }
0x40: {  	[sflag:s20] =	ssyncset.done $0x0  }
.Ltmp0:
0x41: {  	s26 =	sadd.s32 $0x1480, s25;
	[sflag:s20] =	ssyncadd.s32 $0xFFFFC000;
	(pc) =	sbr.rel @p0 .LBB2_3-.Ltmp0, $4  }
0x42: {  	[spmem:s2] =	stream.indirect.scatter.add.f32 [tilespmem:s18], [sflag:$0x3], $0x80, s26, s16, $0xb8;
	[tilespmem:$0x1E400] =	vst v63  }
0x43: {  	_ =	swait.ge [sflag:s14], $0x4000  }
0x44: {  	[sflag:s14] =	ssyncset.done $0x0  }
0x45: {  	s25 =	sadd.s32 $0x180, s25;
	[sflag:s14] =	ssyncadd.s32 $0xFFFFC000  }
0x46: {  	[tilespmem:s18], [sflag:$0x2] =	stream.indirect.gather [hbm4b:s5+s16], $0x80, s25, s16, $0xb8;
	[tilespmem:$0x1E400] =	vst v63  }
0x47: {  	_ =	swait.ge [sflag:s19], $0x4000  }
0x48: {  	[sflag:s19] =	ssyncset.done $0x0  }
0x49: {  	[sflag:s19] =	ssyncadd.s32 $0xFFFFC000  }
0x4a: {  	[spmem:s2] =	stream.indirect.scatter.add.f32 [tilespmem:s17], [sflag:$0x3], $0x80, s21, s16, $0xb8;
	[tilespmem:$0x1E400] =	vst v63  }
0x4b: {  	_ =	swait.ge [sflag:s14], $0x4000  }
0x4c: {  	[sflag:s14] =	ssyncset.done $0x0  }
0x4d: {  	[sflag:s14] =	ssyncadd.s32 $0xFFFFC000  }
0x4e: {  	s23 =	sadd.s32 $0x1, s23;
	_ =	swait.ge [sflag:s20], $0x4000  }
0x4f: {  	p0 =	sne.s32 s23, $0x4;
	[sflag:s20] =	ssyncset.done $0x0  }
.Ltmp1:
0x50: {  	[sflag:s20] =	ssyncadd.s32 $0xFFFFC000;
	(pc) =	sbr.rel @p0 .LBB2_2-.Ltmp1, $4  }
0x51: {  	[spmem:s2] =	stream.indirect.scatter.add.f32 [tilespmem:s18], [sflag:$0x3], $0x80, s22, s16, $0xb8;
	[tilespmem:$0x1E400] =	vst v63  }
0x52: {  	_ =	swait.ge [sflag:s14], $0x4000  }
0x53: {  	[sflag:s14] =	ssyncset.done $0x0  }
0x54: {  	[sflag:s14] =	ssyncadd.s32 $0xFFFFC000  }
0x55: {  	s4 =	sadd.s32 $0x1, s4  }
0x56: {  	p0 =	sne.s32 s4, s12  }
.Ltmp2:
0x57: {  	[bflag:$0x0] =	sbarrier.arrive $0xFFFF;
	(pc) =	sbr.rel @p0 .LBB2_1-.Ltmp2, $4  }
0x58: {  	[hbm:s11], [sflag:s9] =	dma.local [spmem:s13], $0x2780  }
0x59: {  	_ =	swait.ge [sflag:s14], $0x2780  }
0x5a: {  	[sflag:s14] =	ssyncset.done $0x0  }
0x5b: {  	[sflag:s14] =	ssyncadd.s32 $0xFFFFD880  }
0x5c: {  	_ =	sfence.sel $0x180000  }
0x5d: {  	[bflag:$0x0] =	sbarrier.arrive $0xFFFF  }
0x5e: {  	p0 =	sne.s32 s3, $0x0;
	_ =	strace $0x9000004D  }
0x5f: {  	s0 =	sadd.s32 @!p0 $0x100000, s0;
	[bflag:$0x2] =	sbarrier.arrive $0xFFFF  }
0x60: {  	[sflag:s0] =	ssyncadd.tile.s32 @!p0 $0x1;
	_ =	shalt  }
.Lfunc_end2:
_tile_overlayer_lowered:
.L_overlay_start_2:
0x61: {  	(tag) =	ssettag $0x2  }
0x62: {  	s0 =	rddreg [dreg:$0x0];
	s2 =	stileid.u32  }
0x63: {  	s1 =	rddreg [dreg:$0x1];
	p0 =	sne.s32 s2, $0x0  }
0x64: {  	s3 =	rddreg [dreg:$0x2];
	[bflag:$0x3] =	sbarrier.arrive $0xFFFF;
	s2 =	simm.s32 @!p0 $0x1C03  }
0x65: {  	[timem:s3], [sflag:s2] =	dma.local @!p0 [hbm:s0], s1  }
0x66: {  	s0 =	simm.s32 @!p0 $0x3  }
0x67: {  	_ =	swait.ge @!p0 [sflag:s0], s1  }
0x68: {  	s1 =	ssub.s32 @!p0 $0x0, s1;
	[sflag:s0] =	ssyncset.done @!p0 $0x0  }
0x69: {  	[sflag:s0] =	ssyncadd.s32 @!p0 s1  }
0x6a: {  	[bflag:$0x3] =	sbarrier.arrive $0xFFFF  }
0x6b: {  	_ =	shalt  }

// kernel: kernel.21.cloned.1.call-start
scs
__scs_entry_jumppad:
0x0: {  	(pc) =	sbr.rel $0x88, $3  }
0x1: {  	(tag) =	ssettag $0x0;
	lr =	simm.s32 $0x1  }
0x2: {  	[smem:$0x3F90] =	sst lr;
	_ =	strace $0xD0000000  }
0x3: {  	_ = 	snop  }
0x4: {  	_ = 	snop  }
0x5: {  	_ = 	snop  }
0x6: {  	_ = 	snop  }
0x7: {  	_ = 	snop  }
__scs_overlays_trampoline_lowered:
0x8: {  	[smem:$0x3F9F] =	sst s0  }
0x9: {  	[smem:$0x3FA0] =	sst s1  }
0xa: {  	[smem:$0x3FA1] =	sst s2  }
0xb: {  	[smem:$0x3FA2] =	sst s3  }
0xc: {  	[smem:$0x3FA3] =	sst s4  }
0xd: {  	[smem:$0x3FA4] =	sst s5  }
0xe: {  	[smem:$0x3FA5] =	sst s6  }
0xf: {  	[smem:$0x3FA6] =	sst s7  }
0x10: {  	[smem:$0x3FA7] =	sst s8  }
0x11: {  	[smem:$0x3FA8] =	sst s9;
	s0 =	simm.s32 @!p0 $0x0  }
0x12: {  	s1 =	sld [smem:$0x3F8E];
	s0 =	simm.s32 @p0 $0x1  }
0x13: {  	[smem:$0x3FA9] =	sst s0;
	s0 =	simm.s32 @!p1 $0x0  }
0x14: {  	s2 =	sld [smem:$0x3F8D];
	s0 =	simm.s32 @p1 $0x1  }
0x15: {  	[smem:$0x3FAA] =	sst s0;
	s0 =	simm.s32 @!p2 $0x0  }
0x16: {  	s3 =	sld [smem:$0x3FDB];
	s0 =	simm.s32 @p2 $0x1  }
0x17: {  	s4 =	simm.s32 $0x1BF5;
	[smem:$0x3FAC] =	sst s0  }
0x18: {  	s0 =	sld [smem:$0x3F8F];
	_ =	swait.ge [sflag:s4], $0x0  }
0x19: {  	s7 =	sld [smem:$0x3F90]  }
0x1a: {  	s8 =	sadd.s32 $0xFFFFE003, lr  }
0x1b: {  	s9 =	sadd.s32 $0xFFFFFEF7, lr;
	s5 =	simm.s32 $0xFFFFFFFF;
	p2 =	slt.u32 s8, $0xFFFFF086  }
0x1c: {  	p1 =	slt.u32 s9, $0xF7A;
	s5 =	simm.s32 @!p2 $0x0  }
0x1d: {  	s5 =	simm.s32 @p1 $0x1;
	p0 =	seq.s32 s7, s2  }
0x1e: {  	s7 =	smul.u32 @!p0 $0xF7A, s2;
	p2 =	seq.s32 @!p0 s5, $0x0  }
0x1f: {  	s9 =	smul.u32 $0xF7A, s1;
	s8 =	simm.s32 @!p0 $0x1BF5;
	p2 =	por !p2, p0  }
0x20: {  	[sflag:s8] =	ssyncset.s32 @!p0 $0xFFFFF086;
	s6 =	sadd.s32 @!p0 s3, s7;
	s7 =	simm.s32 @!p0 $0x108  }
0x21: {  	s3 =	sadd.s32 s3, s9;
	s6 =	sadd.s32 @!p0 $0x88, s6;
	s7 =	simm.s32 @p2 $0x1082  }
0x22: {  	[simem:s7], [sflag:s8] =	dma.local @!p0 [hbm:s6], $0xF7A  }
0x23: {  	s9 =	sor.u32 $0xD0000000, s2;
	s6 =	simm.s32 $0x108;
	_ =	swait.ge @!p0 [sflag:s8], $0x0  }
0x24: {  	s3 =	sadd.s32 $0x88, s3;
	s6 =	simm.s32 @!p1 $0x1082;
	[sflag:s4] =	ssyncset.s32 $0xFFFFF086  }
0x25: {  	[simem:s6], [sflag:s4] =	dma.local [hbm:s3], $0xF7A  }
0x26: {  	[smem:$0x3F90] =	sst s1;
	(tag) =	ssettag s2;
	_ =	strace s9  }
0x27: {  	s1 =	sld [smem:$0x3FA0]  }
0x28: {  	s2 =	sld [smem:$0x3FA1]  }
0x29: {  	s4 =	sld [smem:$0x3FA3]  }
0x2a: {  	p0 =	seq.s32 s5, $0x0;
	s5 =	sld [smem:$0x3FA4]  }
0x2b: {  	s6 =	sld [smem:$0x3FA5]  }
0x2c: {  	s7 =	sld [smem:$0x3FA6]  }
0x2d: {  	s3 =	simm.s32 $0x108;
	s8 =	sld [smem:$0x3FA7]  }
0x2e: {  	s3 =	simm.s32 @!p0 $0x1082;
	s9 =	sld [smem:$0x3FA8]  }
0x2f: {  	lr =	sadd.s32 s0, s3;
	s0 =	sld [smem:$0x3F9F]  }
0x30: {  	s3 =	sld [smem:$0x3FA2]  }
0x31: {  	[smem:$0x3FAB] =	sst s10  }
0x32: {  	s10 =	sld [smem:$0x3FA9];
	_ =	sdelay $0x3  }
0x33: {  	p0 =	seq.s32 s10, $0x1;
	s10 =	sld [smem:$0x3FAB];
	_ =	sdelay $0x3  }
0x34: {  	[smem:$0x3FAB] =	sst s10  }
0x35: {  	s10 =	sld [smem:$0x3FAA];
	_ =	sdelay $0x3  }
0x36: {  	p1 =	seq.s32 s10, $0x1;
	s10 =	sld [smem:$0x3FAB];
	_ =	sdelay $0x3  }
0x37: {  	[smem:$0x3FAB] =	sst s10  }
0x38: {  	s10 =	sld [smem:$0x3FAC]  }
0x39: {  	_ = 	snop;
	(pc) =	sbr.ind lr, $3  }
0x3a: {  	_ = 	snop  }
0x3b: {  	_ = 	snop  }
0x3c: {  	p2 =	seq.s32 s10, $0x1;
	s10 =	sld [smem:$0x3FAB]  }
0x3d: {  	_ =	shalt  }
0x3e: {  	_ =	shalt  }
0x3f: {  	_ =	shalt  }
0x40: {  	_ =	shalt  }
0x41: {  	_ =	shalt  }
0x42: {  	_ =	shalt  }
0x43: {  	_ =	shalt  }
0x44: {  	_ =	shalt  }
0x45: {  	_ =	shalt  }
0x46: {  	_ =	shalt  }
0x47: {  	_ =	shalt  }
0x48: {  	_ =	shalt  }
0x49: {  	_ =	shalt  }
0x4a: {  	_ =	shalt  }
0x4b: {  	_ =	shalt  }
0x4c: {  	_ =	shalt  }
0x4d: {  	_ =	shalt  }
0x4e: {  	_ =	shalt  }
0x4f: {  	_ =	shalt  }
0x50: {  	_ =	shalt  }
0x51: {  	_ =	shalt  }
0x52: {  	_ =	shalt  }
0x53: {  	_ =	shalt  }
0x54: {  	_ =	shalt  }
0x55: {  	_ =	shalt  }
0x56: {  	_ =	shalt  }
0x57: {  	_ =	shalt  }
0x58: {  	_ =	shalt  }
0x59: {  	_ =	shalt  }
0x5a: {  	_ =	shalt  }
0x5b: {  	_ =	shalt  }
0x5c: {  	_ =	shalt  }
0x5d: {  	_ =	shalt  }
0x5e: {  	_ =	shalt  }
0x5f: {  	_ =	shalt  }
0x60: {  	_ =	shalt  }
0x61: {  	_ =	shalt  }
0x62: {  	_ =	shalt  }
0x63: {  	_ =	shalt  }
0x64: {  	_ =	shalt  }
0x65: {  	_ =	shalt  }
0x66: {  	_ =	shalt  }
0x67: {  	_ =	shalt  }
0x68: {  	_ =	shalt  }
0x69: {  	_ =	shalt  }
0x6a: {  	_ =	shalt  }
0x6b: {  	_ =	shalt  }
0x6c: {  	_ =	shalt  }
0x6d: {  	_ =	shalt  }
0x6e: {  	_ =	shalt  }
0x6f: {  	_ =	shalt  }
0x70: {  	_ =	shalt  }
0x71: {  	_ =	shalt  }
0x72: {  	_ =	shalt  }
0x73: {  	_ =	shalt  }
0x74: {  	_ =	shalt  }
0x75: {  	_ =	shalt  }
0x76: {  	_ =	shalt  }
0x77: {  	_ =	shalt  }
0x78: {  	_ =	shalt  }
0x79: {  	_ =	shalt  }
0x7a: {  	_ =	shalt  }
0x7b: {  	_ =	shalt  }
0x7c: {  	_ =	shalt  }
0x7d: {  	_ =	shalt  }
0x7e: {  	_ =	shalt  }
0x7f: {  	_ =	shalt  }
0x80: {  	_ =	shalt  }
0x81: {  	_ =	shalt  }
0x82: {  	_ =	shalt  }
0x83: {  	_ =	shalt  }
0x84: {  	_ =	shalt  }
0x85: {  	_ =	shalt  }
0x86: {  	_ =	shalt  }
0x87: {  	_ =	shalt  }
.Lfunc_end0:
.L_simem_size_0:
called_computation.3_lowered:
.L_overlay_start_0:
0x88: {  	s2 =	sld [smem:$0x3FD9]  }
0x89: {  	s3 =	sld [smem:$0x3FFE];
	_ =	sdelay $0x1  }
0x8a: {  	s1 =	srdreg.scid  }
0x8b: {  	s0 =	sand.u32 $0x1, s1  }
0x8c: {  	s17 =	sshll.u32 s0, $0xA;
	s2 =	sadd.s32 s3, s2  }
0x8d: {  	s2 =	sadd.s32 s2, s17  }
0x8e: {  	[smem:$0x3FB7] =	sst s2  }
0x8f: {  	_ = 	snop  }
0x90: {  	s2 =	sld [smem:$0x3FD0];
	(tm) =	ssettm $0x1  }
0x91: {  	s18 =	sld [smem:$0x3FFB];
	_ =	sdelay $0x3  }
0x92: {  	_ =	strace s18  }
0x93: {  	s3 =	sld [smem:$0x3FFC];
	_ =	sdelay $0x3  }
0x94: {  	_ =	strace s3  }
0x95: {  	s3 =	sld [smem:$0x3FFD];
	_ =	sdelay $0x3  }
0x96: {  	_ =	strace s3  }
0x97: {  	_ =	strace $0x8FFFFFFF  }
0x98: {  	s19 =	sld [smem:$0x3FDB];
	_ =	sdelay $0x1  }
0x99: {  	s4 =	simm.s32 $_scs_section_size  }
0x9a: {  	s5 =	simm.s32 $_size__tile_overlayer_lowered;
	s6 =	simm.s32 $_tile_overlayer_lowered  }
0x9b: {  	s22 =	simm.s32 $0x1BFF;
	s21 =	sshll.u32 s6, $0x1;
	s3 =	sadd.s32 s4, s19  }
0x9c: {  	s7 =	simm.s32 $0x0;
	s20 =	sshll.u32 s5, $0x1;
	s5 =	sadd.s32 s21, s3  }
0x9d: {  	[timem:s7], [sflag:s22] =	dma.local [hbm:s5], s20  }
0x9e: {  	_ =	swait.ge [sflag:s22], s20  }
0x9f: {  	s4 =	ssub.s32 $0x0, s20;
	[sflag:s22] =	ssyncset.done $0x0  }
0xa0: {  	[sflag:s22] =	ssyncadd.s32 s4;
	_ =	sdelay $0x1  }
0xa1: {  	s23 =	simm.s32 $0x1B8B  }
0xa2: {  	_ =	swait.ge [sflag:s23], $0x1  }
0xa3: {  	[sflag:s23] =	ssyncset.done $0x0  }
0xa4: {  	s25 =	simm.s32 $0x1B8E;
	s24 =	sld [smem:$0x3FFE];
	[sflag:s23] =	ssyncadd.s32 $0xFFFFFFFF  }
0xa5: {  	s26 =	simm.s32 $execute0_lowered;
	[smem:$0x3FD2] =	sst s25  }
0xa6: {  	s5 =	sshll.u32 s26, $0x1;
	_ =	strace $0x8000004F;
	[dreg:$0x1] =	wrdreg $0xFFFFFFFF  }
0xa7: {  	s28 =	simm.s32 $_size_execute0_lowered;
	s3 =	sadd.s32 s3, s5;
	[dreg:$0x0] =	wrdreg $0x0  }
0xa8: {  	s5 =	sshll.u32 s28, $0x1;
	[dreg:$0x2] =	wrdreg s3  }
0xa9: {  	[dreg:$0x3] =	wrdreg s5  }
0xaa: {  	[dreg:$0x4] =	wrdreg $0xC0  }
0xab: {  	_ =	task [dreg:s7], $0x5FFFF  }
0xac: {  	[dreg:$0x1] =	wrdreg $0xFFFFFFFF  }
0xad: {  	[dreg:$0x0] =	wrdreg $0x60  }
0xae: {  	[dreg:$0x2] =	wrdreg s24  }
0xaf: {  	[dreg:$0x3] =	wrdreg s2  }
0xb0: {  	[dreg:$0x4] =	wrdreg $0xA8000  }
0xb1: {  	[dreg:$0x5] =	wrdreg $0x9  }
0xb2: {  	_ =	task.clear_ibuf [dreg:s7], $0x6FFFF;
	_ =	strace $0x9000004F  }
0xb3: {  	s29 =	simm.s32 $0x9;
	_ =	strace $0x80000051  }
0xb4: {  	_ =	swait.ge [sflag:s29], $0x1  }
0xb5: {  	[sflag:s29] =	ssyncadd.s32 $0xFFFFFFFF  }
0xb6: {  	_ =	strace $0x90000051  }
0xb7: {  	_ =	sfence  }
0xb8: {  	s30 =	sld [smem:$0x0];
	_ =	sdelay $0x2  }
0xb9: {  	s31 =	sshll.u32 s1, $0xD;
	s1 =	sshrl.u32 s1, $0x2  }
0xba: {  	s3 =	sand.u32 $0x4000, s31;
	s1 =	sadd.s32 s1, s30  }
0xbb: {  	s0 =	sor.u32 s3, s0;
	s1 =	sshll.u32 s1, $0x11  }
0xbc: {  	s0 =	sor.u32 s1, s0  }
0xbd: {  	s0 =	sadd.s32 $0x8F2B, s0  }
0xbe: {  	[sflag:s0] =	ssyncadd.remote.s32 $0x1  }
0xbf: {  	_ =	sfence.sel $0xFFFF  }
0xc0: {  	[dreg:$0x0] =	wrdreg $0xFFFFFFFF;
	(pc) =	sbr.abs _section_cstart, $3  }
0xc1: {  	[dreg:$0x1] =	wrdreg $0xFFFFFFFF  }
0xc2: {  	_ =	task.clear_ibuf [dreg:s7], $0x2FFFF;
	_ =	strace $0x9FFFFFFF  }
0xc3: {  	(tm) =	ssettm $0x7FFFFFFF  }
tec
execute0_lowered:
.L_overlay_start_1:
0x0: {  	(tag) =	ssettag $0x1  }
0x1: {  	s8 =	rddreg [dreg:$0x0]  }
0x2: {  	s1 =	rddreg [dreg:$0x1]  }
0x3: {  	s2 =	rddreg [dreg:$0x2];
	s3 =	srdreg.scid  }
0x4: {  	s0 =	rddreg [dreg:$0x3];
	s4 =	simm.s32 $0x0;
	s15 =	simm.s32 $0x1400  }
0x5: {  	s16 =	simm.s32 $0x80;
	s17 =	simm.s32 $0x2800;
	s18 =	simm.s32 $0x6800  }
0x6: {  	s19 =	simm.s32 $0x1;
	s20 =	simm.s32 $0x2;
	s21 =	simm.s32 $0x2700  }
0x7: {  	s22 =	simm.s32 $0x2780;
	s10 =	sand.u32 $0x1, s3;
	s3 =	stileid.u32  }
0x8: {  	[smem:$0x7FF] =	sst s4;
	s5 =	sadd.s32 $0x27E00, s8;
	s7 =	smul.u32 $0x13C000, s10  }
0x9: {  	s6 =	sadd.s32 $0x7600, s8;
	s9 =	smul.u32 $0x13C00, s3;
	_ =	strace $0x80000050  }
0xa: {  	s29 =	ssub.s32 $0x2, s10;
	s13 =	smul.u32 $0x4F000, s3;
	s31 =	sshll.u32 s3, $0x6  }
0xb: {  	s10 =	smul.u32 $0x50000, s10;
	s12 =	sshrl.u32 s29, $0x1;
	s7 =	sadd.s32 s9, s7  }
0xc: {  	s12 =	ssub.s32 s29, s12;
	s30 =	sshrl.u32 s13, $0x2;
	s9 =	sor.u32 $0x1C03, s31  }
0xd: {  	s11 =	sshrl.u32 s7, $0x3;
	s7 =	sadd.s32 $0x25600, s8;
	s14 =	sadd.s32 s30, s2  }
0xe: {  	s12 =	smax.u32 s12, $0x1;
	s11 =	sadd.s32 s11, s8;
	s8 =	smul.u32 $0xA0, s3  }
0xf: {  	s13 =	sshrl.u32 s14, $0x3;
	s14 =	simm.s32 $0x3;
	s11 =	sadd.s32 $0x77800, s11  }
.LBB2_1:
0x10: {  	[spmem:s13], [sflag:s9] =	dma.local [hbm:s7], $0x2780  }
0x11: {  	_ =	swait.ge [sflag:s14], $0x2780  }
0x12: {  	[sflag:s14] =	ssyncset.done $0x0  }
0x13: {  	[sflag:s14] =	ssyncadd.s32 $0xFFFFD880  }
0x14: {  	s23 =	simm.s32 $0x0;
	[bflag:$0x0] =	sbarrier.arrive $0xFFFF  }
.LBB2_2:
0x15: {  	s24 =	smul.u32 $0x28, s23;
	_ =	sdelay $0x1  }
0x16: {  	s24 =	sadd.s32 s8, s24  }
0x17: {  	s25 =	sshll.u32 s24, $0x7  }
0x18: {  	s25 =	sadd.s32 s10, s25  }
0x19: {  	s25 =	sshrl.u32 s25, $0x3  }
0x1a: {  	s26 =	simm.s32 $0x0;
	s25 =	sadd.s32 s1, s25  }
0x1b: {  	[tilespmem:s26], [sflag:$0x3] =	stream.linear.gather [hbm4b:s25+s26], $0x1400, $0x38;
	[tilespmem:$0x1E400] =	vst v63  }
0x1c: {  	_ =	swait.ge [sflag:s14], $0x1400  }
0x1d: {  	s24 =	sshll.u32 s24, $0x4;
	[sflag:s14] =	ssyncset.done $0x0  }
0x1e: {  	s24 =	sadd.s32 s6, s24;
	[sflag:s14] =	ssyncadd.s32 $0xFFFFEC00  }
0x1f: {  	[tilespmem:s15], [sflag:$0x3] =	stream.linear.gather [hbm4b:s24+s26], $0x1400, $0x38;
	[tilespmem:$0x1E400] =	vst v63  }
0x20: {  	_ =	swait.ge [sflag:s14], $0x1400  }
0x21: {  	[sflag:s14] =	ssyncset.done $0x0  }
0x22: {  	[sflag:s14] =	ssyncadd.s32 $0xFFFFEC00  }
0x23: {  	[tilespmem:s17], [sflag:$0x1] =	stream.indirect.gather [hbm4b:s5+s16], $0x80, s26, s16, $0xb8;
	[tilespmem:$0x1E400] =	vst v63  }
0x24: {  	_ = 	snop  }
0x25: {  	[tilespmem:s18], [sflag:$0x2] =	stream.indirect.gather [hbm4b:s5+s16], $0x80, s16, s16, $0xb8;
	[tilespmem:$0x1E400] =	vst v63  }
0x26: {  	_ =	swait.ge [sflag:s19], $0x4000  }
0x27: {  	[sflag:s19] =	ssyncset.done $0x0  }
0x28: {  	s29 =	simm.s32 $0x1400;
	[sflag:s19] =	ssyncadd.s32 $0xFFFFC000  }
0x29: {  	[spmem:s2] =	stream.indirect.scatter.add.f32 [tilespmem:s17], [sflag:$0x3], $0x80, s29, s16, $0xb8;
	[tilespmem:$0x1E400] =	vst v63  }
0x2a: {  	_ =	swait.ge [sflag:s14], $0x4000  }
0x2b: {  	[sflag:s14] =	ssyncset.done $0x0  }
0x2c: {  	s30 =	simm.s32 $0x100;
	[sflag:s14] =	ssyncadd.s32 $0xFFFFC000  }
0x2d: {  	[tilespmem:s17], [sflag:$0x1] =	stream.indirect.gather [hbm4b:s5+s16], $0x80, s30, s16, $0xb8;
	[tilespmem:$0x1E400] =	vst v63  }
0x2e: {  	_ =	swait.ge [sflag:s20], $0x4000  }
0x2f: {  	[sflag:s20] =	ssyncset.done $0x0  }
0x30: {  	s31 =	simm.s32 $0x1480;
	[sflag:s20] =	ssyncadd.s32 $0xFFFFC000  }
0x31: {  	[spmem:s2] =	stream.indirect.scatter.add.f32 [tilespmem:s18], [sflag:$0x3], $0x80, s31, s16, $0xb8;
	[tilespmem:$0x1E400] =	vst v63  }
0x32: {  	_ =	swait.ge [sflag:s14], $0x4000  }
0x33: {  	[sflag:s14] =	ssyncset.done $0x0  }
0x34: {  	s25 =	simm.s32 $0x180;
	s24 =	simm.s32 $0x400;
	[sflag:s14] =	ssyncadd.s32 $0xFFFFC000  }
.LBB2_3:
0x35: {  	[tilespmem:s18], [sflag:$0x2] =	stream.indirect.gather [hbm4b:s5+s16], $0x80, s25, s16, $0xb8;
	[tilespmem:$0x1E400] =	vst v63  }
0x36: {  	s25 =	smov.u32 s24  }
0x37: {  	p0 =	sne.s32 s24, $0x4800;
	s24 =	sadd.s32 $0x400, s24;
	_ =	swait.ge [sflag:s19], $0x4000  }
0x38: {  	s25 =	sshra.s32 s25, $0x2;
	[sflag:s19] =	ssyncset.done $0x0  }
0x39: {  	s26 =	sadd.s32 $0x1400, s25;
	[sflag:s19] =	ssyncadd.s32 $0xFFFFC000  }
0x3a: {  	[spmem:s2] =	stream.indirect.scatter.add.f32 [tilespmem:s17], [sflag:$0x3], $0x80, s26, s16, $0xb8;
	[tilespmem:$0x1E400] =	vst v63  }
0x3b: {  	_ =	swait.ge [sflag:s14], $0x4000  }
0x3c: {  	[sflag:s14] =	ssyncset.done $0x0  }
0x3d: {  	s26 =	sadd.s32 $0x100, s25;
	[sflag:s14] =	ssyncadd.s32 $0xFFFFC000  }
0x3e: {  	[tilespmem:s17], [sflag:$0x1] =	stream.indirect.gather [hbm4b:s5+s16], $0x80, s26, s16, $0xb8;
	[tilespmem:$0x1E400] =	vst v63  }
0x3f: {  	_ =	swait.ge [sflag:s20], $0x4000  }
0x40: {  	[sflag:s20] =	ssyncset.done $0x0  }
.Ltmp0:
0x41: {  	s26 =	sadd.s32 $0x1480, s25;
	[sflag:s20] =	ssyncadd.s32 $0xFFFFC000;
	(pc) =	sbr.rel @p0 .LBB2_3-.Ltmp0, $4  }
0x42: {  	[spmem:s2] =	stream.indirect.scatter.add.f32 [tilespmem:s18], [sflag:$0x3], $0x80, s26, s16, $0xb8;
	[tilespmem:$0x1E400] =	vst v63  }
0x43: {  	_ =	swait.ge [sflag:s14], $0x4000  }
0x44: {  	[sflag:s14] =	ssyncset.done $0x0  }
0x45: {  	s25 =	sadd.s32 $0x180, s25;
	[sflag:s14] =	ssyncadd.s32 $0xFFFFC000  }
0x46: {  	[tilespmem:s18], [sflag:$0x2] =	stream.indirect.gather [hbm4b:s5+s16], $0x80, s25, s16, $0xb8;
	[tilespmem:$0x1E400] =	vst v63  }
0x47: {  	_ =	swait.ge [sflag:s19], $0x4000  }
0x48: {  	[sflag:s19] =	ssyncset.done $0x0  }
0x49: {  	[sflag:s19] =	ssyncadd.s32 $0xFFFFC000  }
0x4a: {  	[spmem:s2] =	stream.indirect.scatter.add.f32 [tilespmem:s17], [sflag:$0x3], $0x80, s21, s16, $0xb8;
	[tilespmem:$0x1E400] =	vst v63  }
0x4b: {  	_ =	swait.ge [sflag:s14], $0x4000  }
0x4c: {  	[sflag:s14] =	ssyncset.done $0x0  }
0x4d: {  	[sflag:s14] =	ssyncadd.s32 $0xFFFFC000  }
0x4e: {  	s23 =	sadd.s32 $0x1, s23;
	_ =	swait.ge [sflag:s20], $0x4000  }
0x4f: {  	p0 =	sne.s32 s23, $0x4;
	[sflag:s20] =	ssyncset.done $0x0  }
.Ltmp1:
0x50: {  	[sflag:s20] =	ssyncadd.s32 $0xFFFFC000;
	(pc) =	sbr.rel @p0 .LBB2_2-.Ltmp1, $4  }
0x51: {  	[spmem:s2] =	stream.indirect.scatter.add.f32 [tilespmem:s18], [sflag:$0x3], $0x80, s22, s16, $0xb8;
	[tilespmem:$0x1E400] =	vst v63  }
0x52: {  	_ =	swait.ge [sflag:s14], $0x4000  }
0x53: {  	[sflag:s14] =	ssyncset.done $0x0  }
0x54: {  	[sflag:s14] =	ssyncadd.s32 $0xFFFFC000  }
0x55: {  	s4 =	sadd.s32 $0x1, s4  }
0x56: {  	p0 =	sne.s32 s4, s12  }
.Ltmp2:
0x57: {  	[bflag:$0x0] =	sbarrier.arrive $0xFFFF;
	(pc) =	sbr.rel @p0 .LBB2_1-.Ltmp2, $4  }
0x58: {  	[hbm:s11], [sflag:s9] =	dma.local [spmem:s13], $0x2780  }
0x59: {  	_ =	swait.ge [sflag:s14], $0x2780  }
0x5a: {  	[sflag:s14] =	ssyncset.done $0x0  }
0x5b: {  	[sflag:s14] =	ssyncadd.s32 $0xFFFFD880  }
0x5c: {  	_ =	sfence.sel $0x180000  }
0x5d: {  	[bflag:$0x0] =	sbarrier.arrive $0xFFFF  }
0x5e: {  	p0 =	sne.s32 s3, $0x0;
	_ =	strace $0x90000050  }
0x5f: {  	s0 =	sadd.s32 @!p0 $0x100000, s0;
	[bflag:$0x2] =	sbarrier.arrive $0xFFFF  }
0x60: {  	[sflag:s0] =	ssyncadd.tile.s32 @!p0 $0x1;
	_ =	shalt  }
.Lfunc_end2:
_tile_overlayer_lowered:
.L_overlay_start_2:
0x61: {  	(tag) =	ssettag $0x2  }
0x62: {  	s0 =	rddreg [dreg:$0x0];
	s2 =	stileid.u32  }
0x63: {  	s1 =	rddreg [dreg:$0x1];
	p0 =	sne.s32 s2, $0x0  }
0x64: {  	s3 =	rddreg [dreg:$0x2];
	[bflag:$0x3] =	sbarrier.arrive $0xFFFF;
	s2 =	simm.s32 @!p0 $0x1C03  }
0x65: {  	[timem:s3], [sflag:s2] =	dma.local @!p0 [hbm:s0], s1  }
0x66: {  	s0 =	simm.s32 @!p0 $0x3  }
0x67: {  	_ =	swait.ge @!p0 [sflag:s0], s1  }
0x68: {  	s1 =	ssub.s32 @!p0 $0x0, s1;
	[sflag:s0] =	ssyncset.done @!p0 $0x0  }
0x69: {  	[sflag:s0] =	ssyncadd.s32 @!p0 s1  }
0x6a: {  	[bflag:$0x3] =	sbarrier.arrive $0xFFFF  }
0x6b: {  	_ =	shalt  }

// kernel: kernel.24.cloned.1.call-start
scs
__scs_entry_jumppad:
0x0: {  	(pc) =	sbr.rel $0x88, $3  }
0x1: {  	(tag) =	ssettag $0x0;
	lr =	simm.s32 $0x1  }
0x2: {  	[smem:$0x3F90] =	sst lr;
	_ =	strace $0xD0000000  }
0x3: {  	_ = 	snop  }
0x4: {  	_ = 	snop  }
0x5: {  	_ = 	snop  }
0x6: {  	_ = 	snop  }
0x7: {  	_ = 	snop  }
__scs_overlays_trampoline_lowered:
0x8: {  	[smem:$0x3F9F] =	sst s0  }
0x9: {  	[smem:$0x3FA0] =	sst s1  }
0xa: {  	[smem:$0x3FA1] =	sst s2  }
0xb: {  	[smem:$0x3FA2] =	sst s3  }
0xc: {  	[smem:$0x3FA3] =	sst s4  }
0xd: {  	[smem:$0x3FA4] =	sst s5  }
0xe: {  	[smem:$0x3FA5] =	sst s6  }
0xf: {  	[smem:$0x3FA6] =	sst s7  }
0x10: {  	[smem:$0x3FA7] =	sst s8  }
0x11: {  	[smem:$0x3FA8] =	sst s9;
	s0 =	simm.s32 @!p0 $0x0  }
0x12: {  	s1 =	sld [smem:$0x3F8E];
	s0 =	simm.s32 @p0 $0x1  }
0x13: {  	[smem:$0x3FA9] =	sst s0;
	s0 =	simm.s32 @!p1 $0x0  }
0x14: {  	s2 =	sld [smem:$0x3F8D];
	s0 =	simm.s32 @p1 $0x1  }
0x15: {  	[smem:$0x3FAA] =	sst s0;
	s0 =	simm.s32 @!p2 $0x0  }
0x16: {  	s3 =	sld [smem:$0x3FDB];
	s0 =	simm.s32 @p2 $0x1  }
0x17: {  	s4 =	simm.s32 $0x1BF5;
	[smem:$0x3FAC] =	sst s0  }
0x18: {  	s0 =	sld [smem:$0x3F8F];
	_ =	swait.ge [sflag:s4], $0x0  }
0x19: {  	s7 =	sld [smem:$0x3F90]  }
0x1a: {  	s8 =	sadd.s32 $0xFFFFE003, lr  }
0x1b: {  	s9 =	sadd.s32 $0xFFFFFEF7, lr;
	s5 =	simm.s32 $0xFFFFFFFF;
	p2 =	slt.u32 s8, $0xFFFFF086  }
0x1c: {  	p1 =	slt.u32 s9, $0xF7A;
	s5 =	simm.s32 @!p2 $0x0  }
0x1d: {  	s5 =	simm.s32 @p1 $0x1;
	p0 =	seq.s32 s7, s2  }
0x1e: {  	s7 =	smul.u32 @!p0 $0xF7A, s2;
	p2 =	seq.s32 @!p0 s5, $0x0  }
0x1f: {  	s9 =	smul.u32 $0xF7A, s1;
	s8 =	simm.s32 @!p0 $0x1BF5;
	p2 =	por !p2, p0  }
0x20: {  	[sflag:s8] =	ssyncset.s32 @!p0 $0xFFFFF086;
	s6 =	sadd.s32 @!p0 s3, s7;
	s7 =	simm.s32 @!p0 $0x108  }
0x21: {  	s3 =	sadd.s32 s3, s9;
	s6 =	sadd.s32 @!p0 $0x88, s6;
	s7 =	simm.s32 @p2 $0x1082  }
0x22: {  	[simem:s7], [sflag:s8] =	dma.local @!p0 [hbm:s6], $0xF7A  }
0x23: {  	s9 =	sor.u32 $0xD0000000, s2;
	s6 =	simm.s32 $0x108;
	_ =	swait.ge @!p0 [sflag:s8], $0x0  }
0x24: {  	s3 =	sadd.s32 $0x88, s3;
	s6 =	simm.s32 @!p1 $0x1082;
	[sflag:s4] =	ssyncset.s32 $0xFFFFF086  }
0x25: {  	[simem:s6], [sflag:s4] =	dma.local [hbm:s3], $0xF7A  }
0x26: {  	[smem:$0x3F90] =	sst s1;
	(tag) =	ssettag s2;
	_ =	strace s9  }
0x27: {  	s1 =	sld [smem:$0x3FA0]  }
0x28: {  	s2 =	sld [smem:$0x3FA1]  }
0x29: {  	s4 =	sld [smem:$0x3FA3]  }
0x2a: {  	p0 =	seq.s32 s5, $0x0;
	s5 =	sld [smem:$0x3FA4]  }
0x2b: {  	s6 =	sld [smem:$0x3FA5]  }
0x2c: {  	s7 =	sld [smem:$0x3FA6]  }
0x2d: {  	s3 =	simm.s32 $0x108;
	s8 =	sld [smem:$0x3FA7]  }
0x2e: {  	s3 =	simm.s32 @!p0 $0x1082;
	s9 =	sld [smem:$0x3FA8]  }
0x2f: {  	lr =	sadd.s32 s0, s3;
	s0 =	sld [smem:$0x3F9F]  }
0x30: {  	s3 =	sld [smem:$0x3FA2]  }
0x31: {  	[smem:$0x3FAB] =	sst s10  }
0x32: {  	s10 =	sld [smem:$0x3FA9];
	_ =	sdelay $0x3  }
0x33: {  	p0 =	seq.s32 s10, $0x1;
	s10 =	sld [smem:$0x3FAB];
	_ =	sdelay $0x3  }
0x34: {  	[smem:$0x3FAB] =	sst s10  }
0x35: {  	s10 =	sld [smem:$0x3FAA];
	_ =	sdelay $0x3  }
0x36: {  	p1 =	seq.s32 s10, $0x1;
	s10 =	sld [smem:$0x3FAB];
	_ =	sdelay $0x3  }
0x37: {  	[smem:$0x3FAB] =	sst s10  }
0x38: {  	s10 =	sld [smem:$0x3FAC]  }
0x39: {  	_ = 	snop;
	(pc) =	sbr.ind lr, $3  }
0x3a: {  	_ = 	snop  }
0x3b: {  	_ = 	snop  }
0x3c: {  	p2 =	seq.s32 s10, $0x1;
	s10 =	sld [smem:$0x3FAB]  }
0x3d: {  	_ =	shalt  }
0x3e: {  	_ =	shalt  }
0x3f: {  	_ =	shalt  }
0x40: {  	_ =	shalt  }
0x41: {  	_ =	shalt  }
0x42: {  	_ =	shalt  }
0x43: {  	_ =	shalt  }
0x44: {  	_ =	shalt  }
0x45: {  	_ =	shalt  }
0x46: {  	_ =	shalt  }
0x47: {  	_ =	shalt  }
0x48: {  	_ =	shalt  }
0x49: {  	_ =	shalt  }
0x4a: {  	_ =	shalt  }
0x4b: {  	_ =	shalt  }
0x4c: {  	_ =	shalt  }
0x4d: {  	_ =	shalt  }
0x4e: {  	_ =	shalt  }
0x4f: {  	_ =	shalt  }
0x50: {  	_ =	shalt  }
0x51: {  	_ =	shalt  }
0x52: {  	_ =	shalt  }
0x53: {  	_ =	shalt  }
0x54: {  	_ =	shalt  }
0x55: {  	_ =	shalt  }
0x56: {  	_ =	shalt  }
0x57: {  	_ =	shalt  }
0x58: {  	_ =	shalt  }
0x59: {  	_ =	shalt  }
0x5a: {  	_ =	shalt  }
0x5b: {  	_ =	shalt  }
0x5c: {  	_ =	shalt  }
0x5d: {  	_ =	shalt  }
0x5e: {  	_ =	shalt  }
0x5f: {  	_ =	shalt  }
0x60: {  	_ =	shalt  }
0x61: {  	_ =	shalt  }
0x62: {  	_ =	shalt  }
0x63: {  	_ =	shalt  }
0x64: {  	_ =	shalt  }
0x65: {  	_ =	shalt  }
0x66: {  	_ =	shalt  }
0x67: {  	_ =	shalt  }
0x68: {  	_ =	shalt  }
0x69: {  	_ =	shalt  }
0x6a: {  	_ =	shalt  }
0x6b: {  	_ =	shalt  }
0x6c: {  	_ =	shalt  }
0x6d: {  	_ =	shalt  }
0x6e: {  	_ =	shalt  }
0x6f: {  	_ =	shalt  }
0x70: {  	_ =	shalt  }
0x71: {  	_ =	shalt  }
0x72: {  	_ =	shalt  }
0x73: {  	_ =	shalt  }
0x74: {  	_ =	shalt  }
0x75: {  	_ =	shalt  }
0x76: {  	_ =	shalt  }
0x77: {  	_ =	shalt  }
0x78: {  	_ =	shalt  }
0x79: {  	_ =	shalt  }
0x7a: {  	_ =	shalt  }
0x7b: {  	_ =	shalt  }
0x7c: {  	_ =	shalt  }
0x7d: {  	_ =	shalt  }
0x7e: {  	_ =	shalt  }
0x7f: {  	_ =	shalt  }
0x80: {  	_ =	shalt  }
0x81: {  	_ =	shalt  }
0x82: {  	_ =	shalt  }
0x83: {  	_ =	shalt  }
0x84: {  	_ =	shalt  }
0x85: {  	_ =	shalt  }
0x86: {  	_ =	shalt  }
0x87: {  	_ =	shalt  }
.Lfunc_end0:
.L_simem_size_0:
called_computation.4_lowered:
.L_overlay_start_0:
0x88: {  	s2 =	sld [smem:$0x3FD9]  }
0x89: {  	s3 =	sld [smem:$0x3FFE];
	_ =	sdelay $0x1  }
0x8a: {  	s1 =	srdreg.scid  }
0x8b: {  	s0 =	sand.u32 $0x1, s1  }
0x8c: {  	s17 =	sshll.u32 s0, $0xA;
	s2 =	sadd.s32 s3, s2  }
0x8d: {  	s2 =	sadd.s32 s2, s17  }
0x8e: {  	[smem:$0x3FB7] =	sst s2  }
0x8f: {  	_ = 	snop  }
0x90: {  	s2 =	sld [smem:$0x3FD0];
	(tm) =	ssettm $0x1  }
0x91: {  	s18 =	sld [smem:$0x3FFB];
	_ =	sdelay $0x3  }
0x92: {  	_ =	strace s18  }
0x93: {  	s3 =	sld [smem:$0x3FFC];
	_ =	sdelay $0x3  }
0x94: {  	_ =	strace s3  }
0x95: {  	s3 =	sld [smem:$0x3FFD];
	_ =	sdelay $0x3  }
0x96: {  	_ =	strace s3  }
0x97: {  	_ =	strace $0x8FFFFFFF  }
0x98: {  	s19 =	sld [smem:$0x3FDB];
	_ =	sdelay $0x1  }
0x99: {  	s4 =	simm.s32 $_scs_section_size  }
0x9a: {  	s5 =	simm.s32 $_size__tile_overlayer_lowered;
	s6 =	simm.s32 $_tile_overlayer_lowered  }
0x9b: {  	s22 =	simm.s32 $0x1BFF;
	s21 =	sshll.u32 s6, $0x1;
	s3 =	sadd.s32 s4, s19  }
0x9c: {  	s7 =	simm.s32 $0x0;
	s20 =	sshll.u32 s5, $0x1;
	s5 =	sadd.s32 s21, s3  }
0x9d: {  	[timem:s7], [sflag:s22] =	dma.local [hbm:s5], s20  }
0x9e: {  	_ =	swait.ge [sflag:s22], s20  }
0x9f: {  	s4 =	ssub.s32 $0x0, s20;
	[sflag:s22] =	ssyncset.done $0x0  }
0xa0: {  	[sflag:s22] =	ssyncadd.s32 s4;
	_ =	sdelay $0x1  }
0xa1: {  	s23 =	simm.s32 $0x1B8B  }
0xa2: {  	_ =	swait.ge [sflag:s23], $0x1  }
0xa3: {  	[sflag:s23] =	ssyncset.done $0x0  }
0xa4: {  	s25 =	simm.s32 $0x1B8E;
	s24 =	sld [smem:$0x3FFE];
	[sflag:s23] =	ssyncadd.s32 $0xFFFFFFFF  }
0xa5: {  	s26 =	simm.s32 $execute0_lowered;
	[smem:$0x3FD2] =	sst s25  }
0xa6: {  	s5 =	sshll.u32 s26, $0x1;
	_ =	strace $0x80000052;
	[dreg:$0x1] =	wrdreg $0xFFFFFFFF  }
0xa7: {  	s28 =	simm.s32 $_size_execute0_lowered;
	s3 =	sadd.s32 s3, s5;
	[dreg:$0x0] =	wrdreg $0x0  }
0xa8: {  	s5 =	sshll.u32 s28, $0x1;
	[dreg:$0x2] =	wrdreg s3  }
0xa9: {  	[dreg:$0x3] =	wrdreg s5  }
0xaa: {  	[dreg:$0x4] =	wrdreg $0xC0  }
0xab: {  	_ =	task [dreg:s7], $0x5FFFF  }
0xac: {  	[dreg:$0x1] =	wrdreg $0xFFFFFFFF  }
0xad: {  	[dreg:$0x0] =	wrdreg $0x60  }
0xae: {  	[dreg:$0x2] =	wrdreg s24  }
0xaf: {  	[dreg:$0x3] =	wrdreg s2  }
0xb0: {  	[dreg:$0x4] =	wrdreg $0xA8000  }
0xb1: {  	[dreg:$0x5] =	wrdreg $0x9  }
0xb2: {  	_ =	task.clear_ibuf [dreg:s7], $0x6FFFF;
	_ =	strace $0x90000052  }
0xb3: {  	s29 =	simm.s32 $0x9;
	_ =	strace $0x80000054  }
0xb4: {  	_ =	swait.ge [sflag:s29], $0x1  }
0xb5: {  	[sflag:s29] =	ssyncadd.s32 $0xFFFFFFFF  }
0xb6: {  	_ =	strace $0x90000054  }
0xb7: {  	_ =	sfence  }
0xb8: {  	s30 =	sld [smem:$0x0];
	_ =	sdelay $0x2  }
0xb9: {  	s31 =	sshll.u32 s1, $0xD;
	s1 =	sshrl.u32 s1, $0x2  }
0xba: {  	s3 =	sand.u32 $0x4000, s31;
	s1 =	sadd.s32 s1, s30  }
0xbb: {  	s0 =	sor.u32 s3, s0;
	s1 =	sshll.u32 s1, $0x11  }
0xbc: {  	s0 =	sor.u32 s1, s0  }
0xbd: {  	s0 =	sadd.s32 $0x8F2B, s0  }
0xbe: {  	[sflag:s0] =	ssyncadd.remote.s32 $0x1  }
0xbf: {  	_ =	sfence.sel $0xFFFF  }
0xc0: {  	[dreg:$0x0] =	wrdreg $0xFFFFFFFF;
	(pc) =	sbr.abs _section_cstart, $3  }
0xc1: {  	[dreg:$0x1] =	wrdreg $0xFFFFFFFF  }
0xc2: {  	_ =	task.clear_ibuf [dreg:s7], $0x2FFFF;
	_ =	strace $0x9FFFFFFF  }
0xc3: {  	(tm) =	ssettm $0x7FFFFFFF  }
tec
execute0_lowered:
.L_overlay_start_1:
0x0: {  	(tag) =	ssettag $0x1  }
0x1: {  	s8 =	rddreg [dreg:$0x0]  }
0x2: {  	s1 =	rddreg [dreg:$0x1]  }
0x3: {  	s2 =	rddreg [dreg:$0x2];
	s3 =	srdreg.scid  }
0x4: {  	s0 =	rddreg [dreg:$0x3];
	s4 =	simm.s32 $0x0;
	s15 =	simm.s32 $0x1400  }
0x5: {  	s16 =	simm.s32 $0x80;
	s17 =	simm.s32 $0x2800;
	s18 =	simm.s32 $0x6800  }
0x6: {  	s19 =	simm.s32 $0x1;
	s20 =	simm.s32 $0x2;
	s21 =	simm.s32 $0x2700  }
0x7: {  	s22 =	simm.s32 $0x2780;
	s10 =	sand.u32 $0x1, s3;
	s3 =	stileid.u32  }
0x8: {  	[smem:$0x7FF] =	sst s4;
	s5 =	sadd.s32 $0x27E00, s8;
	s7 =	smul.u32 $0x13C000, s10  }
0x9: {  	s6 =	sadd.s32 $0x7600, s8;
	s9 =	smul.u32 $0x13C00, s3;
	_ =	strace $0x80000053  }
0xa: {  	s29 =	ssub.s32 $0x2, s10;
	s13 =	smul.u32 $0x4F000, s3;
	s31 =	sshll.u32 s3, $0x6  }
0xb: {  	s10 =	smul.u32 $0x50000, s10;
	s12 =	sshrl.u32 s29, $0x1;
	s7 =	sadd.s32 s9, s7  }
0xc: {  	s12 =	ssub.s32 s29, s12;
	s30 =	sshrl.u32 s13, $0x2;
	s9 =	sor.u32 $0x1C03, s31  }
0xd: {  	s11 =	sshrl.u32 s7, $0x3;
	s7 =	sadd.s32 $0x25600, s8;
	s14 =	sadd.s32 s30, s2  }
0xe: {  	s12 =	smax.u32 s12, $0x1;
	s11 =	sadd.s32 s11, s8;
	s8 =	smul.u32 $0xA0, s3  }
0xf: {  	s13 =	sshrl.u32 s14, $0x3;
	s14 =	simm.s32 $0x3;
	s11 =	sadd.s32 $0x77800, s11  }
.LBB2_1:
0x10: {  	[spmem:s13], [sflag:s9] =	dma.local [hbm:s7], $0x2780  }
0x11: {  	_ =	swait.ge [sflag:s14], $0x2780  }
0x12: {  	[sflag:s14] =	ssyncset.done $0x0  }
0x13: {  	[sflag:s14] =	ssyncadd.s32 $0xFFFFD880  }
0x14: {  	s23 =	simm.s32 $0x0;
	[bflag:$0x0] =	sbarrier.arrive $0xFFFF  }
.LBB2_2:
0x15: {  	s24 =	smul.u32 $0x28, s23;
	_ =	sdelay $0x1  }
0x16: {  	s24 =	sadd.s32 s8, s24  }
0x17: {  	s25 =	sshll.u32 s24, $0x7  }
0x18: {  	s25 =	sadd.s32 s10, s25  }
0x19: {  	s25 =	sshrl.u32 s25, $0x3  }
0x1a: {  	s26 =	simm.s32 $0x0;
	s25 =	sadd.s32 s1, s25  }
0x1b: {  	[tilespmem:s26], [sflag:$0x3] =	stream.linear.gather [hbm4b:s25+s26], $0x1400, $0x38;
	[tilespmem:$0x1E400] =	vst v63  }
0x1c: {  	_ =	swait.ge [sflag:s14], $0x1400  }
0x1d: {  	s24 =	sshll.u32 s24, $0x4;
	[sflag:s14] =	ssyncset.done $0x0  }
0x1e: {  	s24 =	sadd.s32 s6, s24;
	[sflag:s14] =	ssyncadd.s32 $0xFFFFEC00  }
0x1f: {  	[tilespmem:s15], [sflag:$0x3] =	stream.linear.gather [hbm4b:s24+s26], $0x1400, $0x38;
	[tilespmem:$0x1E400] =	vst v63  }
0x20: {  	_ =	swait.ge [sflag:s14], $0x1400  }
0x21: {  	[sflag:s14] =	ssyncset.done $0x0  }
0x22: {  	[sflag:s14] =	ssyncadd.s32 $0xFFFFEC00  }
0x23: {  	[tilespmem:s17], [sflag:$0x1] =	stream.indirect.gather [hbm4b:s5+s16], $0x80, s26, s16, $0xb8;
	[tilespmem:$0x1E400] =	vst v63  }
0x24: {  	_ = 	snop  }
0x25: {  	[tilespmem:s18], [sflag:$0x2] =	stream.indirect.gather [hbm4b:s5+s16], $0x80, s16, s16, $0xb8;
	[tilespmem:$0x1E400] =	vst v63  }
0x26: {  	_ =	swait.ge [sflag:s19], $0x4000  }
0x27: {  	[sflag:s19] =	ssyncset.done $0x0  }
0x28: {  	s29 =	simm.s32 $0x1400;
	[sflag:s19] =	ssyncadd.s32 $0xFFFFC000  }
0x29: {  	[spmem:s2] =	stream.indirect.scatter.add.f32 [tilespmem:s17], [sflag:$0x3], $0x80, s29, s16, $0xb8;
	[tilespmem:$0x1E400] =	vst v63  }
0x2a: {  	_ =	swait.ge [sflag:s14], $0x4000  }
0x2b: {  	[sflag:s14] =	ssyncset.done $0x0  }
0x2c: {  	s30 =	simm.s32 $0x100;
	[sflag:s14] =	ssyncadd.s32 $0xFFFFC000  }
0x2d: {  	[tilespmem:s17], [sflag:$0x1] =	stream.indirect.gather [hbm4b:s5+s16], $0x80, s30, s16, $0xb8;
	[tilespmem:$0x1E400] =	vst v63  }
0x2e: {  	_ =	swait.ge [sflag:s20], $0x4000  }
0x2f: {  	[sflag:s20] =	ssyncset.done $0x0  }
0x30: {  	s31 =	simm.s32 $0x1480;
	[sflag:s20] =	ssyncadd.s32 $0xFFFFC000  }
0x31: {  	[spmem:s2] =	stream.indirect.scatter.add.f32 [tilespmem:s18], [sflag:$0x3], $0x80, s31, s16, $0xb8;
	[tilespmem:$0x1E400] =	vst v63  }
0x32: {  	_ =	swait.ge [sflag:s14], $0x4000  }
0x33: {  	[sflag:s14] =	ssyncset.done $0x0  }
0x34: {  	s25 =	simm.s32 $0x180;
	s24 =	simm.s32 $0x400;
	[sflag:s14] =	ssyncadd.s32 $0xFFFFC000  }
.LBB2_3:
0x35: {  	[tilespmem:s18], [sflag:$0x2] =	stream.indirect.gather [hbm4b:s5+s16], $0x80, s25, s16, $0xb8;
	[tilespmem:$0x1E400] =	vst v63  }
0x36: {  	s25 =	smov.u32 s24  }
0x37: {  	p0 =	sne.s32 s24, $0x4800;
	s24 =	sadd.s32 $0x400, s24;
	_ =	swait.ge [sflag:s19], $0x4000  }
0x38: {  	s25 =	sshra.s32 s25, $0x2;
	[sflag:s19] =	ssyncset.done $0x0  }
0x39: {  	s26 =	sadd.s32 $0x1400, s25;
	[sflag:s19] =	ssyncadd.s32 $0xFFFFC000  }
0x3a: {  	[spmem:s2] =	stream.indirect.scatter.add.f32 [tilespmem:s17], [sflag:$0x3], $0x80, s26, s16, $0xb8;
	[tilespmem:$0x1E400] =	vst v63  }
0x3b: {  	_ =	swait.ge [sflag:s14], $0x4000  }
0x3c: {  	[sflag:s14] =	ssyncset.done $0x0  }
0x3d: {  	s26 =	sadd.s32 $0x100, s25;
	[sflag:s14] =	ssyncadd.s32 $0xFFFFC000  }
0x3e: {  	[tilespmem:s17], [sflag:$0x1] =	stream.indirect.gather [hbm4b:s5+s16], $0x80, s26, s16, $0xb8;
	[tilespmem:$0x1E400] =	vst v63  }
0x3f: {  	_ =	swait.ge [sflag:s20], $0x4000  }
0x40: {  	[sflag:s20] =	ssyncset.done $0x0  }
.Ltmp0:
0x41: {  	s26 =	sadd.s32 $0x1480, s25;
	[sflag:s20] =	ssyncadd.s32 $0xFFFFC000;
	(pc) =	sbr.rel @p0 .LBB2_3-.Ltmp0, $4  }
0x42: {  	[spmem:s2] =	stream.indirect.scatter.add.f32 [tilespmem:s18], [sflag:$0x3], $0x80, s26, s16, $0xb8;
	[tilespmem:$0x1E400] =	vst v63  }
0x43: {  	_ =	swait.ge [sflag:s14], $0x4000  }
0x44: {  	[sflag:s14] =	ssyncset.done $0x0  }
0x45: {  	s25 =	sadd.s32 $0x180, s25;
	[sflag:s14] =	ssyncadd.s32 $0xFFFFC000  }
0x46: {  	[tilespmem:s18], [sflag:$0x2] =	stream.indirect.gather [hbm4b:s5+s16], $0x80, s25, s16, $0xb8;
	[tilespmem:$0x1E400] =	vst v63  }
0x47: {  	_ =	swait.ge [sflag:s19], $0x4000  }
0x48: {  	[sflag:s19] =	ssyncset.done $0x0  }
0x49: {  	[sflag:s19] =	ssyncadd.s32 $0xFFFFC000  }
0x4a: {  	[spmem:s2] =	stream.indirect.scatter.add.f32 [tilespmem:s17], [sflag:$0x3], $0x80, s21, s16, $0xb8;
	[tilespmem:$0x1E400] =	vst v63  }
0x4b: {  	_ =	swait.ge [sflag:s14], $0x4000  }
0x4c: {  	[sflag:s14] =	ssyncset.done $0x0  }
0x4d: {  	[sflag:s14] =	ssyncadd.s32 $0xFFFFC000  }
0x4e: {  	s23 =	sadd.s32 $0x1, s23;
	_ =	swait.ge [sflag:s20], $0x4000  }
0x4f: {  	p0 =	sne.s32 s23, $0x4;
	[sflag:s20] =	ssyncset.done $0x0  }
.Ltmp1:
0x50: {  	[sflag:s20] =	ssyncadd.s32 $0xFFFFC000;
	(pc) =	sbr.rel @p0 .LBB2_2-.Ltmp1, $4  }
0x51: {  	[spmem:s2] =	stream.indirect.scatter.add.f32 [tilespmem:s18], [sflag:$0x3], $0x80, s22, s16, $0xb8;
	[tilespmem:$0x1E400] =	vst v63  }
0x52: {  	_ =	swait.ge [sflag:s14], $0x4000  }
0x53: {  	[sflag:s14] =	ssyncset.done $0x0  }
0x54: {  	[sflag:s14] =	ssyncadd.s32 $0xFFFFC000  }
0x55: {  	s4 =	sadd.s32 $0x1, s4  }
0x56: {  	p0 =	sne.s32 s4, s12  }
.Ltmp2:
0x57: {  	[bflag:$0x0] =	sbarrier.arrive $0xFFFF;
	(pc) =	sbr.rel @p0 .LBB2_1-.Ltmp2, $4  }
0x58: {  	[hbm:s11], [sflag:s9] =	dma.local [spmem:s13], $0x2780  }
0x59: {  	_ =	swait.ge [sflag:s14], $0x2780  }
0x5a: {  	[sflag:s14] =	ssyncset.done $0x0  }
0x5b: {  	[sflag:s14] =	ssyncadd.s32 $0xFFFFD880  }
0x5c: {  	_ =	sfence.sel $0x180000  }
0x5d: {  	[bflag:$0x0] =	sbarrier.arrive $0xFFFF  }
0x5e: {  	p0 =	sne.s32 s3, $0x0;
	_ =	strace $0x90000053  }
0x5f: {  	s0 =	sadd.s32 @!p0 $0x100000, s0;
	[bflag:$0x2] =	sbarrier.arrive $0xFFFF  }
0x60: {  	[sflag:s0] =	ssyncadd.tile.s32 @!p0 $0x1;
	_ =	shalt  }
.Lfunc_end2:
_tile_overlayer_lowered:
.L_overlay_start_2:
0x61: {  	(tag) =	ssettag $0x2  }
0x62: {  	s0 =	rddreg [dreg:$0x0];
	s2 =	stileid.u32  }
0x63: {  	s1 =	rddreg [dreg:$0x1];
	p0 =	sne.s32 s2, $0x0  }
0x64: {  	s3 =	rddreg [dreg:$0x2];
	[bflag:$0x3] =	sbarrier.arrive $0xFFFF;
	s2 =	simm.s32 @!p0 $0x1C03  }
0x65: {  	[timem:s3], [sflag:s2] =	dma.local @!p0 [hbm:s0], s1  }
0x66: {  	s0 =	simm.s32 @!p0 $0x3  }
0x67: {  	_ =	swait.ge @!p0 [sflag:s0], s1  }
0x68: {  	s1 =	ssub.s32 @!p0 $0x0, s1;
	[sflag:s0] =	ssyncset.done @!p0 $0x0  }
0x69: {  	[sflag:s0] =	ssyncadd.s32 @!p0 s1  }
0x6a: {  	[bflag:$0x3] =	sbarrier.arrive $0xFFFF  }
0x6b: {  	_ =	shalt  }

</sc_bundles>
